<compile_context>
chip_gen: v7x
topology: tpu7x:2x2x1
jax: 0.10.2.dev20260603
libtpu: 0.0.44.dev20260713+nightly
codegen_flags: <defaults>
</compile_context>

<pallas_src>
import functools

import jax
import jax.numpy as jnp
from jax import lax
from jax.experimental import pallas as pl
from jax.experimental.pallas import tpu as pltpu
from jax.experimental.pallas import tpu_sc as plsc

AVG_NEIGH = 16.0

NC = 2
NS = 16
NW = NC * NS
LANES = 16


def _silu(x):
    return x * (1.0 / (1.0 + jnp.exp(-x)))


def _dot_t(lhs_t, rhs):
    return lax.dot_general(lhs_t, rhs, (((0,), (0,)), ((), ())),
                           preferred_element_type=jnp.float32)


def _nf2_body(nf_ref, w1_ref, nf2_ref):
    nf2_ref[...] = jnp.dot(nf_ref[...], w1_ref[...],
                           preferred_element_type=jnp.float32)


def _nf2_kernel(node_feats, W1, bn):
    N, D = node_feats.shape
    return pl.pallas_call(
        _nf2_body,
        grid=(N // bn,),
        in_specs=[
            pl.BlockSpec((bn, D), lambda i: (i, 0)),
            pl.BlockSpec((D, D), lambda i: (0, 0)),
        ],
        out_specs=pl.BlockSpec((bn, D), lambda i: (i, 0)),
        out_shape=jax.ShapeDtypeStruct((N, D), jnp.float32),
    )(node_feats, W1)


def _sc_body(na_ref, nf_ref, wsc_ref, sc_ref):
    nf = nf_ref[...]
    na = na_ref[...]
    A = na.shape[1]
    tp = jnp.concatenate([na[:, v:v + 1] * nf for v in range(A)], axis=1)
    sc_ref[...] = jnp.dot(tp, wsc_ref[...], preferred_element_type=jnp.float32)


def _sc_kernel(node_attrs, node_feats, wsc_v, bn):
    N, D = node_feats.shape
    A = node_attrs.shape[1]
    return pl.pallas_call(
        _sc_body,
        grid=(N // bn,),
        in_specs=[
            pl.BlockSpec((bn, A), lambda i: (i, 0)),
            pl.BlockSpec((bn, D), lambda i: (i, 0)),
            pl.BlockSpec((A * D, D), lambda i: (0, 0)),
        ],
        out_specs=pl.BlockSpec((bn, D), lambda i: (i, 0)),
        out_shape=jax.ShapeDtypeStruct((N, D), jnp.float32),
    )(node_attrs, node_feats, wsc_v)


def _edge_body(eft_ref, eat_ref, m0t_ref, m1t_ref, m2t_ref, m3s_ref, w_ref):
    hT = _silu(jnp.dot(m0t_ref[...], eft_ref[...],
                       preferred_element_type=jnp.float32))
    hT = _silu(jnp.dot(m1t_ref[...], hT, preferred_element_type=jnp.float32))
    hT = _silu(jnp.dot(m2t_ref[...], hT, preferred_element_type=jnp.float32))
    SH = eat_ref.shape[0]
    g = jnp.concatenate([hT * eat_ref[v:v + 1, :] for v in range(SH)], axis=0)
    w_ref[...] = _dot_t(g.astype(jnp.bfloat16), m3s_ref[...])


def _edge_kernel(ef_t, ea_t, m0t, m1t, m2t, m3_s, be, e0, e_seg):
    RB, E = ef_t.shape
    SH = ea_t.shape[0]
    HID = m0t.shape[0]
    D = m3_s.shape[1]
    off = e0 // be
    return pl.pallas_call(
        _edge_body,
        grid=(e_seg // be,),
        in_specs=[
            pl.BlockSpec((RB, be), lambda i: (0, i + off)),
            pl.BlockSpec((SH, be), lambda i: (0, i + off)),
            pl.BlockSpec((HID, RB), lambda i: (0, 0)),
            pl.BlockSpec((HID, HID), lambda i: (0, 0)),
            pl.BlockSpec((HID, HID), lambda i: (0, 0)),
            pl.BlockSpec((SH * HID, D), lambda i: (0, 0)),
        ],
        out_specs=pl.BlockSpec((be, D), lambda i: (i, 0)),
        out_shape=jax.ShapeDtypeStruct((e_seg, D), jnp.float32),
    )(ef_t, ea_t, m0t, m1t, m2t, m3_s)


def _make_sc_kernel(N, D, E, C, e0):
    n_chunks = E // C
    per = n_chunks // NW
    extra = n_chunks - per * NW
    iters = per + 1
    ZR = (N // NS) // 8 * 8
    TAIL = N - ZR * NS

    mesh = plsc.VectorSubcoreMesh(
        core_axis_name="c", subcore_axis_name="s",
        num_cores=NC, num_subcores=NS)

    @functools.partial(
        pl.kernel,
        out_type=jax.ShapeDtypeStruct((NC, N, D), jnp.float32),
        mesh=mesh,
        scratch_types=[
            [pltpu.VMEM((C,), jnp.int32) for _ in range(2)],
            [pltpu.VMEM((C,), jnp.int32) for _ in range(2)],
            [pltpu.VMEM((C,), jnp.int32) for _ in range(2)],
            [pltpu.VMEM((C, D), jnp.float32) for _ in range(2)],
            [pltpu.VMEM((C, D), jnp.float32) for _ in range(2)],
            [pltpu.VMEM((C, D), jnp.float32) for _ in range(2)],
            pltpu.VMEM_SHARED((N, D), jnp.float32),
            [pltpu.SemaphoreType.DMA for _ in range(2)],
            [pltpu.SemaphoreType.DMA for _ in range(2)],
            [pltpu.SemaphoreType.DMA for _ in range(2)],
            [pltpu.SemaphoreType.DMA for _ in range(2)],
        ],
    )
    def sc_kernel(nf_hbm, w_hbm, init_hbm, snd_hbm, rcv_hbm, out_hbm,
                  sidx_ld, ridx_ld, ridx_sc, rows, wrows, prod, msg_sh,
                  isem, gsem, wsem, ssem):
        cid = lax.axis_index("c")
        sid = lax.axis_index("s")
        wid = sid * NC + cid
        start = wid * per + lax.min(wid, extra)
        count = per + jnp.where(wid < extra, 1, 0)
        init2d = init_hbm.at[cid] if init_hbm.shape == (NC, N, D) else init_hbm

        def idx_load(i, b):
            @pl.when(i < count)
            def _():
                base = pl.multiple_of(e0 + (start + i) * C, 8)
                pltpu.async_copy(snd_hbm.at[pl.ds(base, C)], sidx_ld[b],
                                 isem[b])
                pltpu.async_copy(rcv_hbm.at[pl.ds(base, C)], ridx_ld[b],
                                 isem[b])

        def idx_wait(i, b):
            @pl.when(i < count)
            def _():
                pltpu.make_async_copy(snd_hbm.at[pl.ds(0, C)], sidx_ld[b],
                                      isem[b]).wait()
                pltpu.make_async_copy(snd_hbm.at[pl.ds(0, C)], sidx_ld[b],
                                      isem[b]).wait()

        def fetch(i, b):
            @pl.when(i < count)
            def _():
                base = pl.multiple_of((start + i) * C, 8)
                pltpu.async_copy(nf_hbm.at[sidx_ld[b]], rows[b], gsem[b])
                pltpu.async_copy(w_hbm.at[pl.ds(base, C)], wrows[b], wsem[b])

        idx_load(jnp.int32(0), 0)
        idx_load(jnp.int32(1), 1)

        r0 = pl.multiple_of(sid * ZR, 8)
        pltpu.sync_copy(init2d.at[pl.ds(r0, ZR)],
                        msg_sh.at[pl.ds(r0, ZR)])
        if TAIL:
            @pl.when(sid == NS - 1)
            def _init_tail():
                pltpu.sync_copy(init2d.at[pl.ds(ZR * NS, TAIL)],
                                msg_sh.at[pl.ds(ZR * NS, TAIL)])
        plsc.subcore_barrier()

        idx_wait(jnp.int32(0), 0)
        fetch(jnp.int32(0), 0)

        def step(i, b):
            @pl.when(i < count)
            def _():
                @pl.when(i >= 2)
                def _wait_prev_scatter():
                    pltpu.make_async_copy(
                        prod[b], msg_sh.at[ridx_sc[b]], ssem[b]).wait()

                pltpu.make_async_copy(nf_hbm.at[sidx_ld[b]], rows[b],
                                      gsem[b]).wait()
                pltpu.make_async_copy(w_hbm.at[pl.ds(0, C)], wrows[b],
                                      wsem[b]).wait()

                for j in range(C // LANES):
                    sl = pl.ds(j * LANES, LANES)
                    ridx_sc[b][sl] = ridx_ld[b][sl]

                idx_wait(i + 1, 1 - b)
                fetch(i + 1, 1 - b)
                idx_load(i + 2, b)

                @plsc.parallel_loop(0, C, unroll=4)
                def _mul(r):
                    for j in range(D // LANES):
                        sl = pl.ds(j * LANES, LANES)
                        prod[b][r, sl] = rows[b][r, sl] * wrows[b][r, sl]

                pltpu.async_copy(prod[b], msg_sh.at[ridx_sc[b]], ssem[b],
                                 add=True)

        def pair(j, _):
            step(2 * j, 0)
            step(2 * j + 1, 1)
            return 0

        lax.fori_loop(0, (iters + 1) // 2, pair, 0)

        for b in range(2):
            pltpu.make_async_copy(prod[b], msg_sh.at[ridx_sc[b]],
                                  ssem[b]).wait()

        plsc.subcore_barrier()
        pltpu.sync_copy(msg_sh.at[pl.ds(r0, ZR)],
                        out_hbm.at[cid, pl.ds(r0, ZR)])
        if TAIL:
            @pl.when(sid == NS - 1)
            def _write_tail():
                pltpu.sync_copy(msg_sh.at[pl.ds(ZR * NS, TAIL)],
                                out_hbm.at[cid, pl.ds(ZR * NS, TAIL)])

    return sc_kernel


def _final_body(*refs):
    p_refs = refs[:-2]
    w2_ref = refs[-2]
    out_ref = refs[-1]
    m = p_refs[0][0] + p_refs[0][1]
    for p in p_refs[1:]:
        m = m + p[0] + p[1]
    out_ref[...] = jnp.dot(
        m, w2_ref[...], preferred_element_type=jnp.float32) * (1.0 / AVG_NEIGH)


def _final_kernel(partials_list, W2, bn):
    _, N, D = partials_list[0].shape
    return pl.pallas_call(
        _final_body,
        grid=(N // bn,),
        in_specs=(
            [pl.BlockSpec((NC, bn, D), lambda i: (0, i, 0))
             for _ in partials_list]
            + [pl.BlockSpec((D, D), lambda i: (0, 0))]),
        out_specs=pl.BlockSpec((bn, D), lambda i: (i, 0)),
        out_shape=jax.ShapeDtypeStruct((N, D), jnp.float32),
    )(*partials_list, W2)


def kernel(node_attrs, node_feats, edge_attrs, edge_feats, senders, receivers,
           W_sc, W1, M0, M1, M2, M3, W2):
    N, D = node_feats.shape
    A = node_attrs.shape[1]
    E, SH = edge_attrs.shape
    HID = M0.shape[1]

    wsc_v = jnp.transpose(W_sc.reshape(D, A, D), (1, 0, 2)).reshape(A * D, D)
    m3_s = jnp.transpose(M3.reshape(HID, D, SH), (2, 0, 1)).reshape(SH * HID, D)
    snd = senders.astype(jnp.int32)
    rcv = receivers.astype(jnp.int32)

    nf2 = _nf2_kernel(node_feats, W1, bn=1000)

    segs = (E // 2, E // 2)
    init = jnp.zeros((N, D), jnp.float32)
    ef_t = edge_feats.T
    ea_t = edge_attrs.T
    e0 = 0
    for e_seg in segs:
        w_s = _edge_kernel(ef_t, ea_t, M0.T, M1.T, M2.T,
                           m3_s.astype(jnp.bfloat16),
                           be=3200, e0=e0, e_seg=e_seg)
        init = _make_sc_kernel(N, D, e_seg, C=64, e0=e0)(
            nf2, w_s, init, snd, rcv)
        e0 += e_seg

    sc = _sc_kernel(node_attrs, node_feats, wsc_v, bn=1000)
    out = _final_kernel([init], W2, bn=1000)
    return (out, sc)

# --- scband reference (transcript-rebuilt; emitter-appended) ---
"""Pipeline reference for scband-agnostic-residual-interaction-block-76836964926363 (READ-ONLY COPY).

The authoritative reference and input builder live on the scoring server;
editing this copy changes nothing except your own understanding.
"""

import jax, jax.numpy as jnp
import numpy as np

N = 10000
E = 160000
D = 128      # node feature channels (128x0e)
A = 4        # node_attrs channels
SH = 4       # edge_attrs (spherical-harmonic) channels
RB = 8       # edge_feats radial-basis channels (all 0e)
HID = 64
AVG_NUM_NEIGHBORS = 16.0


def setup_inputs(seed: int = 0) -> dict:
    key = jax.random.key(seed)
    ks = jax.random.split(key, 13)
    node_attrs = jax.random.normal(ks[0], (N, A), dtype=jnp.float32)
    node_feats = jax.random.normal(ks[1], (N, D), dtype=jnp.float32)
    edge_attrs = jax.random.normal(ks[2], (E, SH), dtype=jnp.float32)
    edge_feats = jax.random.normal(ks[3], (E, RB), dtype=jnp.float32)
    senders = jax.random.randint(ks[4], (E,), 0, N, dtype=jnp.int64) if jax.config.jax_enable_x64 else jax.random.randint(ks[4], (E,), 0, N, dtype=jnp.int32)
    receivers = jax.random.randint(ks[5], (E,), 0, N, dtype=jnp.int32)
    W_sc = jax.random.normal(ks[6], (A * D, D), dtype=jnp.float32) / np.sqrt(A * D)
    W1 = jax.random.normal(ks[7], (D, D), dtype=jnp.float32) / np.sqrt(D)
    M0 = jax.random.normal(ks[8], (RB, HID), dtype=jnp.float32) / np.sqrt(RB)
    M1 = jax.random.normal(ks[9], (HID, HID), dtype=jnp.float32) / np.sqrt(HID)
    M2 = jax.random.normal(ks[10], (HID, HID), dtype=jnp.float32) / np.sqrt(HID)
    M3 = jax.random.normal(ks[11], (HID, D * SH), dtype=jnp.float32) / np.sqrt(HID)
    W2 = jax.random.normal(ks[12], (D, D), dtype=jnp.float32) / np.sqrt(D)
    return {
        'node_attrs': node_attrs, 'node_feats': node_feats,
        'edge_attrs': edge_attrs, 'edge_feats': edge_feats,
        'senders': senders, 'receivers': receivers,
        'W_sc': W_sc, 'W1': W1, 'M0': M0, 'M1': M1, 'M2': M2, 'M3': M3, 'W2': W2,
    }


def reference(node_attrs, node_feats, edge_attrs, edge_feats, senders, receivers,
              W_sc, W1, M0, M1, M2, M3, W2):
    n = node_feats.shape[0]
    # sc = Linear(hidden)(tensor_product(node_feats, node_attrs))
    tp = jnp.einsum('nu,nv->nuv', node_feats, node_attrs).reshape(n, -1)
    sc = tp @ W_sc
    # node_feats = Linear(node_feats.irreps)(node_feats)
    nf = node_feats @ W1
    # tp_weights = MLP([64,64,64,weight_numel], silu)(edge_feats)
    h = jax.nn.silu(edge_feats @ M0)
    h = jax.nn.silu(h @ M1)
    h = jax.nn.silu(h @ M2)
    tp_weights = (h @ M3).reshape(-1, D, SH)  # weight_numel = D*SH (uvu paths)
    # mji = conv_tp.left_right(tp_weights, node_feats[senders], edge_attrs)  (uvu connection)
    nf_s = nf[senders]                          # gather: [E, D]
    mji = jnp.einsum('euv,eu,ev->eu', tp_weights, nf_s, edge_attrs)  # [E, D]
    # message = zeros.at[receivers].add(mji)
    message = jnp.zeros((n, D), dtype=mji.dtype).at[receivers].add(mji)
    # message = Linear(target_irreps)(message) / avg_num_neighbors
    out = (message @ W2) / AVG_NUM_NEIGHBORS
    return (out, sc)

if __name__ == "__main__":
    import jax
    _d = setup_inputs()
    print(jax.jit(kernel)(*tuple(_d.values())))

</pallas_src>

<mosaic_0001>
#map = affine_map<(d0, d1) -> (0, 0)>
#map1 = affine_map<(d0, d1) -> (0)>
#map2 = affine_map<(d0, d1) -> (0, 0, 0)>
module attributes {stable_mosaic.version = 14 : i64} {
  func.func @sc_kernel(%arg0: i32, %arg1: i32, %arg2: memref<10000x128xf32, #tpu.memory_space<hbm>>, %arg3: memref<80000x128xf32, #tpu.memory_space<hbm>>, %arg4: memref<10000x128xf32, #tpu.memory_space<hbm>>, %arg5: memref<160000xi32, #tpu.memory_space<hbm>>, %arg6: memref<160000xi32, #tpu.memory_space<hbm>>, %arg7: memref<2x10000x128xf32, #tpu.memory_space<hbm>>, %arg8: memref<64xi32, #tpu.memory_space<vmem>>, %arg9: memref<64xi32, #tpu.memory_space<vmem>>, %arg10: memref<64xi32, #tpu.memory_space<vmem>>, %arg11: memref<64xi32, #tpu.memory_space<vmem>>, %arg12: memref<64xi32, #tpu.memory_space<vmem>>, %arg13: memref<64xi32, #tpu.memory_space<vmem>>, %arg14: memref<64x128xf32, #tpu.memory_space<vmem>>, %arg15: memref<64x128xf32, #tpu.memory_space<vmem>>, %arg16: memref<64x128xf32, #tpu.memory_space<vmem>>, %arg17: memref<64x128xf32, #tpu.memory_space<vmem>>, %arg18: memref<64x128xf32, #tpu.memory_space<vmem>>, %arg19: memref<64x128xf32, #tpu.memory_space<vmem>>, %arg20: memref<10000x128xf32, #tpu.memory_space<vmem_shared>>, %arg21: memref<!tpu.dma_semaphore, #tpu.memory_space<semaphore_mem>>, %arg22: memref<!tpu.dma_semaphore, #tpu.memory_space<semaphore_mem>>, %arg23: memref<!tpu.dma_semaphore, #tpu.memory_space<semaphore_mem>>, %arg24: memref<!tpu.dma_semaphore, #tpu.memory_space<semaphore_mem>>, %arg25: memref<!tpu.dma_semaphore, #tpu.memory_space<semaphore_mem>>, %arg26: memref<!tpu.dma_semaphore, #tpu.memory_space<semaphore_mem>>, %arg27: memref<!tpu.dma_semaphore, #tpu.memory_space<semaphore_mem>>, %arg28: memref<!tpu.dma_semaphore, #tpu.memory_space<semaphore_mem>>) attributes {dimension_semantics = [#tpu.dimension_semantics<core_parallel>, #tpu.dimension_semantics<subcore_parallel>], iteration_bounds = array<i64: 2, 16>, scalar_prefetch = 0 : i64, scratch_operands = 21 : i64, tpu.core_type = #tpu.core_type<sc_vector_subcore>, window_params = [{transform_indices = #map}, {transform_indices = #map}, {transform_indices = #map}, {transform_indices = #map1}, {transform_indices = #map1}, {transform_indices = #map2}]} {
    %mul3A = arith.constant 2 : i32
    %mul3A_0 = arith.muli %arg1, %mul3A : i32
    %add3A = arith.addi %mul3A_0, %arg0 : i32
    %mul3A_1 = arith.constant 39 : i32
    %mul3A_2 = arith.muli %add3A, %mul3A_1 : i32
    %min3A = arith.constant 2 : i32
    %min3A_3 = arith.minsi %add3A, %min3A : i32
    %add3A_4 = arith.addi %mul3A_2, %min3A_3 : i32
    %lt3A = arith.constant 2 : i32
    %lt3A_5 = arith.cmpi slt, %add3A, %lt3A : i32
    %jit3A = arith.constant 1 : i32
    %jit3A_6 = arith.constant 0 : i32
    %select_n3A = arith.select %lt3A_5, %jit3A, %jit3A_6 : i32
    %add3A_7 = arith.constant 39 : i32
    %add3A_8 = arith.addi %add3A_7, %select_n3A : i32
    %lt3A_9 = arith.constant 0 : i32
    %lt3A_10 = arith.cmpi slt, %lt3A_9, %add3A_8 : i32
    %convert_element_type3A = arith.extui %lt3A_10 : i1 to i32
    %cond3A = arith.constant 0 : i32
    %cond3A_11 = arith.constant 0 : i32
    %cond3A_12 = arith.cmpi ne, %convert_element_type3A, %cond3A_11 : i32
    scf.if %cond3A_12 {
      %add3A_53 = arith.addi %add3A_4, %cond3A : i32
      %mul3A_54 = arith.constant 64 : i32
      %mul3A_55 = arith.muli %add3A_53, %mul3A_54 : i32
      %add3A_56 = arith.constant 0 : i32
      %add3A_57 = arith.addi %add3A_56, %mul3A_55 : i32
      %multiple_of3A_58 = tpu.assume_multiple %add3A_57, 8 : i32
      %dma_start3A = tpu.memref_slice %arg5[%multiple_of3A_58] : memref<160000xi32, #tpu.memory_space<hbm>> -> memref<64xi32, #tpu.memory_space<hbm>>
      %dma_start3A_59 = tpu.memref_slice %arg5[%multiple_of3A_58] : memref<160000xi32, #tpu.memory_space<hbm>> -> memref<64xi32, #tpu.memory_space<hbm>>
      tpu.enqueue_dma source(%dma_start3A_59 : memref<64xi32, #tpu.memory_space<hbm>>) target(%arg8 : memref<64xi32, #tpu.memory_space<vmem>>) target_semaphore(%arg21 : memref<!tpu.dma_semaphore, #tpu.memory_space<semaphore_mem>>)
      %dma_start3A_60 = tpu.memref_slice %arg6[%multiple_of3A_58] : memref<160000xi32, #tpu.memory_space<hbm>> -> memref<64xi32, #tpu.memory_space<hbm>>
      %dma_start3A_61 = tpu.memref_slice %arg6[%multiple_of3A_58] : memref<160000xi32, #tpu.memory_space<hbm>> -> memref<64xi32, #tpu.memory_space<hbm>>
      tpu.enqueue_dma source(%dma_start3A_61 : memref<64xi32, #tpu.memory_space<hbm>>) target(%arg10 : memref<64xi32, #tpu.memory_space<vmem>>) target_semaphore(%arg21 : memref<!tpu.dma_semaphore, #tpu.memory_space<semaphore_mem>>)
    } else {
    }
    %lt3A_13 = arith.constant 1 : i32
    %lt3A_14 = arith.cmpi slt, %lt3A_13, %add3A_8 : i32
    %convert_element_type3A_15 = arith.extui %lt3A_14 : i1 to i32
    %cond3A_16 = arith.constant 1 : i32
    %cond3A_17 = arith.constant 0 : i32
    %cond3A_18 = arith.cmpi ne, %convert_element_type3A_15, %cond3A_17 : i32
    scf.if %cond3A_18 {
      %add3A_53 = arith.addi %add3A_4, %cond3A_16 : i32
      %mul3A_54 = arith.constant 64 : i32
      %mul3A_55 = arith.muli %add3A_53, %mul3A_54 : i32
      %add3A_56 = arith.constant 0 : i32
      %add3A_57 = arith.addi %add3A_56, %mul3A_55 : i32
      %multiple_of3A_58 = tpu.assume_multiple %add3A_57, 8 : i32
      %dma_start3A = tpu.memref_slice %arg5[%multiple_of3A_58] : memref<160000xi32, #tpu.memory_space<hbm>> -> memref<64xi32, #tpu.memory_space<hbm>>
      %dma_start3A_59 = tpu.memref_slice %arg5[%multiple_of3A_58] : memref<160000xi32, #tpu.memory_space<hbm>> -> memref<64xi32, #tpu.memory_space<hbm>>
      tpu.enqueue_dma source(%dma_start3A_59 : memref<64xi32, #tpu.memory_space<hbm>>) target(%arg9 : memref<64xi32, #tpu.memory_space<vmem>>) target_semaphore(%arg22 : memref<!tpu.dma_semaphore, #tpu.memory_space<semaphore_mem>>)
      %dma_start3A_60 = tpu.memref_slice %arg6[%multiple_of3A_58] : memref<160000xi32, #tpu.memory_space<hbm>> -> memref<64xi32, #tpu.memory_space<hbm>>
      %dma_start3A_61 = tpu.memref_slice %arg6[%multiple_of3A_58] : memref<160000xi32, #tpu.memory_space<hbm>> -> memref<64xi32, #tpu.memory_space<hbm>>
      tpu.enqueue_dma source(%dma_start3A_61 : memref<64xi32, #tpu.memory_space<hbm>>) target(%arg11 : memref<64xi32, #tpu.memory_space<vmem>>) target_semaphore(%arg22 : memref<!tpu.dma_semaphore, #tpu.memory_space<semaphore_mem>>)
    } else {
    }
    %mul3A_19 = arith.constant 624 : i32
    %mul3A_20 = arith.muli %arg1, %mul3A_19 : i32
    %multiple_of3A = tpu.assume_multiple %mul3A_20, 8 : i32
    "tpu.region"() ({
      %run_scoped3A = tpu.sem_alloc : memref<!tpu.dma_semaphore, #tpu.memory_space<semaphore_mem>>
      %dma_start3A = arith.constant 0 : i32
      %dma_start3A_53 = tpu.memref_slice %arg20[%multiple_of3A, %dma_start3A] : memref<10000x128xf32, #tpu.memory_space<vmem_shared>> -> memref<624x128xf32, #tpu.memory_space<vmem_shared>>
      %dma_start3A_54 = arith.constant 0 : i32
      %dma_start3A_55 = tpu.memref_slice %arg4[%multiple_of3A, %dma_start3A_54] : memref<10000x128xf32, #tpu.memory_space<hbm>> -> memref<624x128xf32, #tpu.memory_space<hbm>>
      tpu.enqueue_dma source(%dma_start3A_55 : memref<624x128xf32, #tpu.memory_space<hbm>>) target(%dma_start3A_53 : memref<624x128xf32, #tpu.memory_space<vmem_shared>>) target_semaphore(%run_scoped3A : memref<!tpu.dma_semaphore, #tpu.memory_space<semaphore_mem>>)
      %dma_wait3A_56 = arith.constant 0 : i32
      %dma_wait3A_57 = tpu.memref_slice %arg20[%multiple_of3A, %dma_wait3A_56] : memref<10000x128xf32, #tpu.memory_space<vmem_shared>> -> memref<624x128xf32, #tpu.memory_space<vmem_shared>>
      %dma_wait3A_58 = arith.constant 0 : i32
      %dma_wait3A_59 = tpu.memref_slice %arg4[%multiple_of3A, %dma_wait3A_58] : memref<10000x128xf32, #tpu.memory_space<hbm>> -> memref<624x128xf32, #tpu.memory_space<hbm>>
      tpu.wait_dma2 semaphore(%run_scoped3A : memref<!tpu.dma_semaphore, #tpu.memory_space<semaphore_mem>>) src(%dma_wait3A_59 : memref<624x128xf32, #tpu.memory_space<hbm>>) dst(%dma_wait3A_57 : memref<624x128xf32, #tpu.memory_space<vmem_shared>>)
      tpu.yield
    }) : () -> ()
    %eq3A = arith.constant 15 : i32
    %eq3A_21 = arith.cmpi eq, %arg1, %eq3A : i32
    %convert_element_type3A_22 = arith.extui %eq3A_21 : i1 to i32
    %cond3A_23 = arith.constant 0 : i32
    %cond3A_24 = arith.cmpi ne, %convert_element_type3A_22, %cond3A_23 : i32
    scf.if %cond3A_24 {
      "tpu.region"() ({
        %run_scoped3A = tpu.sem_alloc : memref<!tpu.dma_semaphore, #tpu.memory_space<semaphore_mem>>
        %dma_start3A = arith.constant 9984 : i32
        %dma_start3A_53 = arith.constant 0 : i32
        %dma_start3A_54 = tpu.memref_slice %arg20[%dma_start3A, %dma_start3A_53] : memref<10000x128xf32, #tpu.memory_space<vmem_shared>> -> memref<16x128xf32, #tpu.memory_space<vmem_shared>>
        %dma_start3A_55 = arith.constant 9984 : i32
        %dma_start3A_56 = arith.constant 0 : i32
        %dma_start3A_57 = tpu.memref_slice %arg4[%dma_start3A_55, %dma_start3A_56] : memref<10000x128xf32, #tpu.memory_space<hbm>> -> memref<16x128xf32, #tpu.memory_space<hbm>>
        tpu.enqueue_dma source(%dma_start3A_57 : memref<16x128xf32, #tpu.memory_space<hbm>>) target(%dma_start3A_54 : memref<16x128xf32, #tpu.memory_space<vmem_shared>>) target_semaphore(%run_scoped3A : memref<!tpu.dma_semaphore, #tpu.memory_space<semaphore_mem>>)
        %dma_wait3A_58 = arith.constant 9984 : i32
        %dma_wait3A_59 = arith.constant 0 : i32
        %dma_wait3A_60 = tpu.memref_slice %arg20[%dma_wait3A_58, %dma_wait3A_59] : memref<10000x128xf32, #tpu.memory_space<vmem_shared>> -> memref<16x128xf32, #tpu.memory_space<vmem_shared>>
        %dma_wait3A_61 = arith.constant 9984 : i32
        %dma_wait3A_62 = arith.constant 0 : i32
        %dma_wait3A_63 = tpu.memref_slice %arg4[%dma_wait3A_61, %dma_wait3A_62] : memref<10000x128xf32, #tpu.memory_space<hbm>> -> memref<16x128xf32, #tpu.memory_space<hbm>>
        tpu.wait_dma2 semaphore(%run_scoped3A : memref<!tpu.dma_semaphore, #tpu.memory_space<semaphore_mem>>) src(%dma_wait3A_63 : memref<16x128xf32, #tpu.memory_space<hbm>>) dst(%dma_wait3A_60 : memref<16x128xf32, #tpu.memory_space<vmem_shared>>)
        tpu.yield
      }) : () -> ()
    } else {
    }
    %barrier3A = arith.constant 0 : index
    tpu.barrier barrier_id(%barrier3A)
    %lt3A_25 = arith.constant 0 : i32
    %lt3A_26 = arith.cmpi slt, %lt3A_25, %add3A_8 : i32
    %convert_element_type3A_27 = arith.extui %lt3A_26 : i1 to i32
    %cond3A_28 = arith.constant 0 : i32
    %cond3A_29 = arith.cmpi ne, %convert_element_type3A_27, %cond3A_28 : i32
    scf.if %cond3A_29 {
      %dma_wait3A_53 = arith.constant 0 : i32
      %dma_wait3A_54 = tpu.memref_slice %arg5[%dma_wait3A_53] : memref<160000xi32, #tpu.memory_space<hbm>> -> memref<64xi32, #tpu.memory_space<hbm>>
      %dma_wait3A_55 = arith.constant 0 : i32
      %dma_wait3A_56 = tpu.memref_slice %arg5[%dma_wait3A_55] : memref<160000xi32, #tpu.memory_space<hbm>> -> memref<64xi32, #tpu.memory_space<hbm>>
      tpu.wait_dma2 semaphore(%arg21 : memref<!tpu.dma_semaphore, #tpu.memory_space<semaphore_mem>>) src(%dma_wait3A_56 : memref<64xi32, #tpu.memory_space<hbm>>) dst(%arg8 : memref<64xi32, #tpu.memory_space<vmem>>)
      %dma_wait3A_57 = arith.constant 0 : i32
      %dma_wait3A_58 = tpu.memref_slice %arg5[%dma_wait3A_57] : memref<160000xi32, #tpu.memory_space<hbm>> -> memref<64xi32, #tpu.memory_space<hbm>>
      %dma_wait3A_59 = arith.constant 0 : i32
      %dma_wait3A_60 = tpu.memref_slice %arg5[%dma_wait3A_59] : memref<160000xi32, #tpu.memory_space<hbm>> -> memref<64xi32, #tpu.memory_space<hbm>>
      tpu.wait_dma2 semaphore(%arg21 : memref<!tpu.dma_semaphore, #tpu.memory_space<semaphore_mem>>) src(%dma_wait3A_60 : memref<64xi32, #tpu.memory_space<hbm>>) dst(%arg8 : memref<64xi32, #tpu.memory_space<vmem>>)
    } else {
    }
    %lt3A_30 = arith.constant 0 : i32
    %lt3A_31 = arith.cmpi slt, %lt3A_30, %add3A_8 : i32
    %convert_element_type3A_32 = arith.extui %lt3A_31 : i1 to i32
    %cond3A_33 = arith.constant 0 : i32
    %cond3A_34 = arith.constant 0 : i32
    %cond3A_35 = arith.cmpi ne, %convert_element_type3A_32, %cond3A_34 : i32
    scf.if %cond3A_35 {
      %add3A_53 = arith.addi %add3A_4, %cond3A_33 : i32
      %mul3A_54 = arith.constant 64 : i32
      %mul3A_55 = arith.muli %add3A_53, %mul3A_54 : i32
      %multiple_of3A_56 = tpu.assume_multiple %mul3A_55, 8 : i32
      %dma_start3A = arith.constant 0 : i32
      %dma_start3A_57 = arith.constant 0 : i32
      %dma_start3A_58 = tpu.memref_slice %arg2[%dma_start3A, %dma_start3A_57] : memref<10000x128xf32, #tpu.memory_space<hbm>> -> memref<10000x128xf32, #tpu.memory_space<hbm>>
      tpu.enqueue_indirect_dma source(%dma_start3A_58 : memref<10000x128xf32, #tpu.memory_space<hbm>>) target(%arg14 : memref<64x128xf32, #tpu.memory_space<vmem>>) offsets(%arg8 : memref<64xi32, #tpu.memory_space<vmem>>) semaphore(%arg23 : memref<!tpu.dma_semaphore, #tpu.memory_space<semaphore_mem>>)
      %dma_start3A_59 = arith.constant 0 : i32
      %dma_start3A_60 = tpu.memref_slice %arg3[%multiple_of3A_56, %dma_start3A_59] : memref<80000x128xf32, #tpu.memory_space<hbm>> -> memref<64x128xf32, #tpu.memory_space<hbm>>
      %dma_start3A_61 = arith.constant 0 : i32
      %dma_start3A_62 = tpu.memref_slice %arg3[%multiple_of3A_56, %dma_start3A_61] : memref<80000x128xf32, #tpu.memory_space<hbm>> -> memref<64x128xf32, #tpu.memory_space<hbm>>
      tpu.enqueue_dma source(%dma_start3A_62 : memref<64x128xf32, #tpu.memory_space<hbm>>) target(%arg16 : memref<64x128xf32, #tpu.memory_space<vmem>>) target_semaphore(%arg25 : memref<!tpu.dma_semaphore, #tpu.memory_space<semaphore_mem>>)
    } else {
    }
    %scan3A = arith.constant 0 : i32
    %scan3A_36 = arith.constant 0 : i32
    %scan3A_37 = arith.constant 20 : i32
    %scan3A_38 = arith.addi %scan3A_36, %scan3A_37 : i32
    %scan3A_39 = arith.constant 1 : i32
    %scan3A_40 = scf.for %scan3A_53 = %scan3A_36 to %scan3A_38 step %scan3A_39 iter_args(%scan3A_54 = %scan3A) -> (i32)  : i32 {
      %mul3A_55 = arith.constant 2 : i32
      %mul3A_56 = arith.muli %mul3A_55, %scan3A_53 : i32
      %lt3A_57 = arith.cmpi slt, %mul3A_56, %add3A_8 : i32
      %convert_element_type3A_58 = arith.extui %lt3A_57 : i1 to i32
      %cond3A_59 = arith.constant 0 : i32
      %cond3A_60 = arith.cmpi ne, %convert_element_type3A_58, %cond3A_59 : i32
      scf.if %cond3A_60 {
        %ge3A = arith.constant 2 : i32
        %ge3A_70 = arith.cmpi sge, %mul3A_56, %ge3A : i32
        %convert_element_type3A_71 = arith.extui %ge3A_70 : i1 to i32
        %cond3A_72 = arith.constant 0 : i32
        %cond3A_73 = arith.cmpi ne, %convert_element_type3A_71, %cond3A_72 : i32
        scf.if %cond3A_73 {
          %dma_wait3A_131 = arith.constant 0 : i32
          %dma_wait3A_132 = arith.constant 0 : i32
          %dma_wait3A_133 = tpu.memref_slice %arg20[%dma_wait3A_131, %dma_wait3A_132] : memref<10000x128xf32, #tpu.memory_space<vmem_shared>> -> memref<10000x128xf32, #tpu.memory_space<vmem_shared>>
          tpu.wait_indirect_dma semaphore(%arg27 : memref<!tpu.dma_semaphore, #tpu.memory_space<semaphore_mem>>) src(%arg18 : memref<64x128xf32, #tpu.memory_space<vmem>>) dst(%dma_wait3A_133 : memref<10000x128xf32, #tpu.memory_space<vmem_shared>>)
        } else {
        }
        %dma_wait3A_74 = arith.constant 0 : i32
        %dma_wait3A_75 = arith.constant 0 : i32
        %dma_wait3A_76 = tpu.memref_slice %arg2[%dma_wait3A_74, %dma_wait3A_75] : memref<10000x128xf32, #tpu.memory_space<hbm>> -> memref<10000x128xf32, #tpu.memory_space<hbm>>
        tpu.wait_indirect_dma semaphore(%arg23 : memref<!tpu.dma_semaphore, #tpu.memory_space<semaphore_mem>>) src(%dma_wait3A_76 : memref<10000x128xf32, #tpu.memory_space<hbm>>) dst(%arg14 : memref<64x128xf32, #tpu.memory_space<vmem>>)
        %dma_wait3A_77 = arith.constant 0 : i32
        %dma_wait3A_78 = arith.constant 0 : i32
        %dma_wait3A_79 = tpu.memref_slice %arg3[%dma_wait3A_77, %dma_wait3A_78] : memref<80000x128xf32, #tpu.memory_space<hbm>> -> memref<64x128xf32, #tpu.memory_space<hbm>>
        %dma_wait3A_80 = arith.constant 0 : i32
        %dma_wait3A_81 = arith.constant 0 : i32
        %dma_wait3A_82 = tpu.memref_slice %arg3[%dma_wait3A_80, %dma_wait3A_81] : memref<80000x128xf32, #tpu.memory_space<hbm>> -> memref<64x128xf32, #tpu.memory_space<hbm>>
        tpu.wait_dma2 semaphore(%arg25 : memref<!tpu.dma_semaphore, #tpu.memory_space<semaphore_mem>>) src(%dma_wait3A_82 : memref<64x128xf32, #tpu.memory_space<hbm>>) dst(%arg16 : memref<64x128xf32, #tpu.memory_space<vmem>>)
        %get3A = arith.constant 0 : index
        %get3A_83 = tpu.vector_load %arg10[%get3A] {strides = array<i32>} : memref<64xi32, #tpu.memory_space<vmem>>, vector<16xi32>,
        %get3A_84 = vector.shape_cast %get3A_83 : vector<16xi32> to vector<16xi32>
        %swap3A = arith.constant 0 : index
        %swap3A_85 = tpu.vector_load %arg12[%swap3A] {strides = array<i32>} : memref<64xi32, #tpu.memory_space<vmem>>, vector<16xi32>,
        %swap3A_86 = vector.shape_cast %swap3A_85 : vector<16xi32> to vector<16xi32>
        %swap3A_87 = vector.shape_cast %get3A_84 : vector<16xi32> to vector<16xi32>
        tpu.vector_store %arg12[%swap3A], %swap3A_87 {strides = array<i32>} : memref<64xi32, #tpu.memory_space<vmem>>, vector<16xi32>,
        %get3A_88 = arith.constant 16 : index
        %get3A_89 = tpu.vector_load %arg10[%get3A_88] {strides = array<i32>} : memref<64xi32, #tpu.memory_space<vmem>>, vector<16xi32>,
        %get3A_90 = vector.shape_cast %get3A_89 : vector<16xi32> to vector<16xi32>
        %swap3A_91 = arith.constant 16 : index
        %swap3A_92 = tpu.vector_load %arg12[%swap3A_91] {strides = array<i32>} : memref<64xi32, #tpu.memory_space<vmem>>, vector<16xi32>,
        %swap3A_93 = vector.shape_cast %swap3A_92 : vector<16xi32> to vector<16xi32>
        %swap3A_94 = vector.shape_cast %get3A_90 : vector<16xi32> to vector<16xi32>
        tpu.vector_store %arg12[%swap3A_91], %swap3A_94 {strides = array<i32>} : memref<64xi32, #tpu.memory_space<vmem>>, vector<16xi32>,
        %get3A_95 = arith.constant 32 : index
        %get3A_96 = tpu.vector_load %arg10[%get3A_95] {strides = array<i32>} : memref<64xi32, #tpu.memory_space<vmem>>, vector<16xi32>,
        %get3A_97 = vector.shape_cast %get3A_96 : vector<16xi32> to vector<16xi32>
        %swap3A_98 = arith.constant 32 : index
        %swap3A_99 = tpu.vector_load %arg12[%swap3A_98] {strides = array<i32>} : memref<64xi32, #tpu.memory_space<vmem>>, vector<16xi32>,
        %swap3A_100 = vector.shape_cast %swap3A_99 : vector<16xi32> to vector<16xi32>
        %swap3A_101 = vector.shape_cast %get3A_97 : vector<16xi32> to vector<16xi32>
        tpu.vector_store %arg12[%swap3A_98], %swap3A_101 {strides = array<i32>} : memref<64xi32, #tpu.memory_space<vmem>>, vector<16xi32>,
        %get3A_102 = arith.constant 48 : index
        %get3A_103 = tpu.vector_load %arg10[%get3A_102] {strides = array<i32>} : memref<64xi32, #tpu.memory_space<vmem>>, vector<16xi32>,
        %get3A_104 = vector.shape_cast %get3A_103 : vector<16xi32> to vector<16xi32>
        %swap3A_105 = arith.constant 48 : index
        %swap3A_106 = tpu.vector_load %arg12[%swap3A_105] {strides = array<i32>} : memref<64xi32, #tpu.memory_space<vmem>>, vector<16xi32>,
        %swap3A_107 = vector.shape_cast %swap3A_106 : vector<16xi32> to vector<16xi32>
        %swap3A_108 = vector.shape_cast %get3A_104 : vector<16xi32> to vector<16xi32>
        tpu.vector_store %arg12[%swap3A_105], %swap3A_108 {strides = array<i32>} : memref<64xi32, #tpu.memory_space<vmem>>, vector<16xi32>,
        %add3A_109 = arith.constant 1 : i32
        %add3A_110 = arith.addi %mul3A_56, %add3A_109 : i32
        %lt3A_111 = arith.cmpi slt, %add3A_110, %add3A_8 : i32
        %convert_element_type3A_112 = arith.extui %lt3A_111 : i1 to i32
        %cond3A_113 = arith.constant 0 : i32
        %cond3A_114 = arith.cmpi ne, %convert_element_type3A_112, %cond3A_113 : i32
        scf.if %cond3A_114 {
          %dma_wait3A_131 = arith.constant 0 : i32
          %dma_wait3A_132 = tpu.memref_slice %arg5[%dma_wait3A_131] : memref<160000xi32, #tpu.memory_space<hbm>> -> memref<64xi32, #tpu.memory_space<hbm>>
          %dma_wait3A_133 = arith.constant 0 : i32
          %dma_wait3A_134 = tpu.memref_slice %arg5[%dma_wait3A_133] : memref<160000xi32, #tpu.memory_space<hbm>> -> memref<64xi32, #tpu.memory_space<hbm>>
          tpu.wait_dma2 semaphore(%arg22 : memref<!tpu.dma_semaphore, #tpu.memory_space<semaphore_mem>>) src(%dma_wait3A_134 : memref<64xi32, #tpu.memory_space<hbm>>) dst(%arg9 : memref<64xi32, #tpu.memory_space<vmem>>)
          %dma_wait3A_135 = arith.constant 0 : i32
          %dma_wait3A_136 = tpu.memref_slice %arg5[%dma_wait3A_135] : memref<160000xi32, #tpu.memory_space<hbm>> -> memref<64xi32, #tpu.memory_space<hbm>>
          %dma_wait3A_137 = arith.constant 0 : i32
          %dma_wait3A_138 = tpu.memref_slice %arg5[%dma_wait3A_137] : memref<160000xi32, #tpu.memory_space<hbm>> -> memref<64xi32, #tpu.memory_space<hbm>>
          tpu.wait_dma2 semaphore(%arg22 : memref<!tpu.dma_semaphore, #tpu.memory_space<semaphore_mem>>) src(%dma_wait3A_138 : memref<64xi32, #tpu.memory_space<hbm>>) dst(%arg9 : memref<64xi32, #tpu.memory_space<vmem>>)
        } else {
        }
        %add3A_115 = arith.constant 1 : i32
        %add3A_116 = arith.addi %mul3A_56, %add3A_115 : i32
        %lt3A_117 = arith.cmpi slt, %add3A_116, %add3A_8 : i32
        %convert_element_type3A_118 = arith.extui %lt3A_117 : i1 to i32
        %cond3A_119 = arith.constant 0 : i32
        %cond3A_120 = arith.cmpi ne, %convert_element_type3A_118, %cond3A_119 : i32
        scf.if %cond3A_120 {
          %add3A_131 = arith.addi %add3A_4, %add3A_116 : i32
          %mul3A_132 = arith.constant 64 : i32
          %mul3A_133 = arith.muli %add3A_131, %mul3A_132 : i32
          %multiple_of3A_134 = tpu.assume_multiple %mul3A_133, 8 : i32
          %dma_start3A_135 = arith.constant 0 : i32
          %dma_start3A_136 = arith.constant 0 : i32
          %dma_start3A_137 = tpu.memref_slice %arg2[%dma_start3A_135, %dma_start3A_136] : memref<10000x128xf32, #tpu.memory_space<hbm>> -> memref<10000x128xf32, #tpu.memory_space<hbm>>
          tpu.enqueue_indirect_dma source(%dma_start3A_137 : memref<10000x128xf32, #tpu.memory_space<hbm>>) target(%arg15 : memref<64x128xf32, #tpu.memory_space<vmem>>) offsets(%arg9 : memref<64xi32, #tpu.memory_space<vmem>>) semaphore(%arg24 : memref<!tpu.dma_semaphore, #tpu.memory_space<semaphore_mem>>)
          %dma_start3A_138 = arith.constant 0 : i32
          %dma_start3A_139 = tpu.memref_slice %arg3[%multiple_of3A_134, %dma_start3A_138] : memref<80000x128xf32, #tpu.memory_space<hbm>> -> memref<64x128xf32, #tpu.memory_space<hbm>>
          %dma_start3A_140 = arith.constant 0 : i32
          %dma_start3A_141 = tpu.memref_slice %arg3[%multiple_of3A_134, %dma_start3A_140] : memref<80000x128xf32, #tpu.memory_space<hbm>> -> memref<64x128xf32, #tpu.memory_space<hbm>>
          tpu.enqueue_dma source(%dma_start3A_141 : memref<64x128xf32, #tpu.memory_space<hbm>>) target(%arg17 : memref<64x128xf32, #tpu.memory_space<vmem>>) target_semaphore(%arg26 : memref<!tpu.dma_semaphore, #tpu.memory_space<semaphore_mem>>)
        } else {
        }
        %add3A_121 = arith.constant 2 : i32
        %add3A_122 = arith.addi %mul3A_56, %add3A_121 : i32
        %lt3A_123 = arith.cmpi slt, %add3A_122, %add3A_8 : i32
        %convert_element_type3A_124 = arith.extui %lt3A_123 : i1 to i32
        %cond3A_125 = arith.constant 0 : i32
        %cond3A_126 = arith.cmpi ne, %convert_element_type3A_124, %cond3A_125 : i32
        scf.if %cond3A_126 {
          %add3A_131 = arith.addi %add3A_4, %add3A_122 : i32
          %mul3A_132 = arith.constant 64 : i32
          %mul3A_133 = arith.muli %add3A_131, %mul3A_132 : i32
          %add3A_134 = arith.constant 0 : i32
          %add3A_135 = arith.addi %add3A_134, %mul3A_133 : i32
          %multiple_of3A_136 = tpu.assume_multiple %add3A_135, 8 : i32
          %dma_start3A_137 = tpu.memref_slice %arg5[%multiple_of3A_136] : memref<160000xi32, #tpu.memory_space<hbm>> -> memref<64xi32, #tpu.memory_space<hbm>>
          %dma_start3A_138 = tpu.memref_slice %arg5[%multiple_of3A_136] : memref<160000xi32, #tpu.memory_space<hbm>> -> memref<64xi32, #tpu.memory_space<hbm>>
          tpu.enqueue_dma source(%dma_start3A_138 : memref<64xi32, #tpu.memory_space<hbm>>) target(%arg8 : memref<64xi32, #tpu.memory_space<vmem>>) target_semaphore(%arg21 : memref<!tpu.dma_semaphore, #tpu.memory_space<semaphore_mem>>)
          %dma_start3A_139 = tpu.memref_slice %arg6[%multiple_of3A_136] : memref<160000xi32, #tpu.memory_space<hbm>> -> memref<64xi32, #tpu.memory_space<hbm>>
          %dma_start3A_140 = tpu.memref_slice %arg6[%multiple_of3A_136] : memref<160000xi32, #tpu.memory_space<hbm>> -> memref<64xi32, #tpu.memory_space<hbm>>
          tpu.enqueue_dma source(%dma_start3A_140 : memref<64xi32, #tpu.memory_space<hbm>>) target(%arg10 : memref<64xi32, #tpu.memory_space<vmem>>) target_semaphore(%arg21 : memref<!tpu.dma_semaphore, #tpu.memory_space<semaphore_mem>>)
        } else {
        }
        %parallel_loop3A = arith.constant 0 : i32
        %parallel_loop3A_127 = arith.constant 64 : i32
        %parallel_loop3A_128 = arith.constant 1 : i32
        scf.for %parallel_loop3A_131 = %parallel_loop3A to %parallel_loop3A_127 step %parallel_loop3A_128  : i32 {
          %parallel_loop3A_132 = arith.index_cast %parallel_loop3A_131 : i32 to index
          %parallel_loop3A_133 = arith.constant 0 : index
          %parallel_loop3A_134 = tpu.vector_load %arg14[%parallel_loop3A_132, %parallel_loop3A_133] {strides = array<i32>} : memref<64x128xf32, #tpu.memory_space<vmem>>, vector<1x16xf32>,
          %parallel_loop3A_135 = vector.shape_cast %parallel_loop3A_134 : vector<1x16xf32> to vector<16xf32>
          %parallel_loop3A_136 = arith.index_cast %parallel_loop3A_131 : i32 to index
          %parallel_loop3A_137 = arith.constant 0 : index
          %parallel_loop3A_138 = tpu.vector_load %arg16[%parallel_loop3A_136, %parallel_loop3A_137] {strides = array<i32>} : memref<64x128xf32, #tpu.memory_space<vmem>>, vector<1x16xf32>,
          %parallel_loop3A_139 = vector.shape_cast %parallel_loop3A_138 : vector<1x16xf32> to vector<16xf32>
          %parallel_loop3A_140 = arith.mulf %parallel_loop3A_135, %parallel_loop3A_139 : vector<16xf32>
          %parallel_loop3A_141 = arith.index_cast %parallel_loop3A_131 : i32 to index
          %parallel_loop3A_142 = arith.constant 0 : index
          %parallel_loop3A_143 = tpu.vector_load %arg18[%parallel_loop3A_141, %parallel_loop3A_142] {strides = array<i32>} : memref<64x128xf32, #tpu.memory_space<vmem>>, vector<1x16xf32>,
          %parallel_loop3A_144 = vector.shape_cast %parallel_loop3A_143 : vector<1x16xf32> to vector<16xf32>
          %parallel_loop3A_145 = vector.shape_cast %parallel_loop3A_140 : vector<16xf32> to vector<1x16xf32>
          tpu.vector_store %arg18[%parallel_loop3A_141, %parallel_loop3A_142], %parallel_loop3A_145 {strides = array<i32>} : memref<64x128xf32, #tpu.memory_space<vmem>>, vector<1x16xf32>,
          %parallel_loop3A_146 = arith.index_cast %parallel_loop3A_131 : i32 to index
          %parallel_loop3A_147 = arith.constant 16 : index
          %parallel_loop3A_148 = tpu.vector_load %arg14[%parallel_loop3A_146, %parallel_loop3A_147] {strides = array<i32>} : memref<64x128xf32, #tpu.memory_space<vmem>>, vector<1x16xf32>,
          %parallel_loop3A_149 = vector.shape_cast %parallel_loop3A_148 : vector<1x16xf32> to vector<16xf32>
          %parallel_loop3A_150 = arith.index_cast %parallel_loop3A_131 : i32 to index
          %parallel_loop3A_151 = arith.constant 16 : index
          %parallel_loop3A_152 = tpu.vector_load %arg16[%parallel_loop3A_150, %parallel_loop3A_151] {strides = array<i32>} : memref<64x128xf32, #tpu.memory_space<vmem>>, vector<1x16xf32>,
          %parallel_loop3A_153 = vector.shape_cast %parallel_loop3A_152 : vector<1x16xf32> to vector<16xf32>
          %parallel_loop3A_154 = arith.mulf %parallel_loop3A_149, %parallel_loop3A_153 : vector<16xf32>
          %parallel_loop3A_155 = arith.index_cast %parallel_loop3A_131 : i32 to index
          %parallel_loop3A_156 = arith.constant 16 : index
          %parallel_loop3A_157 = tpu.vector_load %arg18[%parallel_loop3A_155, %parallel_loop3A_156] {strides = array<i32>} : memref<64x128xf32, #tpu.memory_space<vmem>>, vector<1x16xf32>,
          %parallel_loop3A_158 = vector.shape_cast %parallel_loop3A_157 : vector<1x16xf32> to vector<16xf32>
          %parallel_loop3A_159 = vector.shape_cast %parallel_loop3A_154 : vector<16xf32> to vector<1x16xf32>
          tpu.vector_store %arg18[%parallel_loop3A_155, %parallel_loop3A_156], %parallel_loop3A_159 {strides = array<i32>} : memref<64x128xf32, #tpu.memory_space<vmem>>, vector<1x16xf32>,
          %parallel_loop3A_160 = arith.index_cast %parallel_loop3A_131 : i32 to index
          %parallel_loop3A_161 = arith.constant 32 : index
          %parallel_loop3A_162 = tpu.vector_load %arg14[%parallel_loop3A_160, %parallel_loop3A_161] {strides = array<i32>} : memref<64x128xf32, #tpu.memory_space<vmem>>, vector<1x16xf32>,
          %parallel_loop3A_163 = vector.shape_cast %parallel_loop3A_162 : vector<1x16xf32> to vector<16xf32>
          %parallel_loop3A_164 = arith.index_cast %parallel_loop3A_131 : i32 to index
          %parallel_loop3A_165 = arith.constant 32 : index
          %parallel_loop3A_166 = tpu.vector_load %arg16[%parallel_loop3A_164, %parallel_loop3A_165] {strides = array<i32>} : memref<64x128xf32, #tpu.memory_space<vmem>>, vector<1x16xf32>,
          %parallel_loop3A_167 = vector.shape_cast %parallel_loop3A_166 : vector<1x16xf32> to vector<16xf32>
          %parallel_loop3A_168 = arith.mulf %parallel_loop3A_163, %parallel_loop3A_167 : vector<16xf32>
          %parallel_loop3A_169 = arith.index_cast %parallel_loop3A_131 : i32 to index
          %parallel_loop3A_170 = arith.constant 32 : index
          %parallel_loop3A_171 = tpu.vector_load %arg18[%parallel_loop3A_169, %parallel_loop3A_170] {strides = array<i32>} : memref<64x128xf32, #tpu.memory_space<vmem>>, vector<1x16xf32>,
          %parallel_loop3A_172 = vector.shape_cast %parallel_loop3A_171 : vector<1x16xf32> to vector<16xf32>
          %parallel_loop3A_173 = vector.shape_cast %parallel_loop3A_168 : vector<16xf32> to vector<1x16xf32>
          tpu.vector_store %arg18[%parallel_loop3A_169, %parallel_loop3A_170], %parallel_loop3A_173 {strides = array<i32>} : memref<64x128xf32, #tpu.memory_space<vmem>>, vector<1x16xf32>,
          %parallel_loop3A_174 = arith.index_cast %parallel_loop3A_131 : i32 to index
          %parallel_loop3A_175 = arith.constant 48 : index
          %parallel_loop3A_176 = tpu.vector_load %arg14[%parallel_loop3A_174, %parallel_loop3A_175] {strides = array<i32>} : memref<64x128xf32, #tpu.memory_space<vmem>>, vector<1x16xf32>,
          %parallel_loop3A_177 = vector.shape_cast %parallel_loop3A_176 : vector<1x16xf32> to vector<16xf32>
          %parallel_loop3A_178 = arith.index_cast %parallel_loop3A_131 : i32 to index
          %parallel_loop3A_179 = arith.constant 48 : index
          %parallel_loop3A_180 = tpu.vector_load %arg16[%parallel_loop3A_178, %parallel_loop3A_179] {strides = array<i32>} : memref<64x128xf32, #tpu.memory_space<vmem>>, vector<1x16xf32>,
          %parallel_loop3A_181 = vector.shape_cast %parallel_loop3A_180 : vector<1x16xf32> to vector<16xf32>
          %parallel_loop3A_182 = arith.mulf %parallel_loop3A_177, %parallel_loop3A_181 : vector<16xf32>
          %parallel_loop3A_183 = arith.index_cast %parallel_loop3A_131 : i32 to index
          %parallel_loop3A_184 = arith.constant 48 : index
          %parallel_loop3A_185 = tpu.vector_load %arg18[%parallel_loop3A_183, %parallel_loop3A_184] {strides = array<i32>} : memref<64x128xf32, #tpu.memory_space<vmem>>, vector<1x16xf32>,
          %parallel_loop3A_186 = vector.shape_cast %parallel_loop3A_185 : vector<1x16xf32> to vector<16xf32>
          %parallel_loop3A_187 = vector.shape_cast %parallel_loop3A_182 : vector<16xf32> to vector<1x16xf32>
          tpu.vector_store %arg18[%parallel_loop3A_183, %parallel_loop3A_184], %parallel_loop3A_187 {strides = array<i32>} : memref<64x128xf32, #tpu.memory_space<vmem>>, vector<1x16xf32>,
          %parallel_loop3A_188 = arith.index_cast %parallel_loop3A_131 : i32 to index
          %parallel_loop3A_189 = arith.constant 64 : index
          %parallel_loop3A_190 = tpu.vector_load %arg14[%parallel_loop3A_188, %parallel_loop3A_189] {strides = array<i32>} : memref<64x128xf32, #tpu.memory_space<vmem>>, vector<1x16xf32>,
          %parallel_loop3A_191 = vector.shape_cast %parallel_loop3A_190 : vector<1x16xf32> to vector<16xf32>
          %parallel_loop3A_192 = arith.index_cast %parallel_loop3A_131 : i32 to index
          %parallel_loop3A_193 = arith.constant 64 : index
          %parallel_loop3A_194 = tpu.vector_load %arg16[%parallel_loop3A_192, %parallel_loop3A_193] {strides = array<i32>} : memref<64x128xf32, #tpu.memory_space<vmem>>, vector<1x16xf32>,
          %parallel_loop3A_195 = vector.shape_cast %parallel_loop3A_194 : vector<1x16xf32> to vector<16xf32>
          %parallel_loop3A_196 = arith.mulf %parallel_loop3A_191, %parallel_loop3A_195 : vector<16xf32>
          %parallel_loop3A_197 = arith.index_cast %parallel_loop3A_131 : i32 to index
          %parallel_loop3A_198 = arith.constant 64 : index
          %parallel_loop3A_199 = tpu.vector_load %arg18[%parallel_loop3A_197, %parallel_loop3A_198] {strides = array<i32>} : memref<64x128xf32, #tpu.memory_space<vmem>>, vector<1x16xf32>,
          %parallel_loop3A_200 = vector.shape_cast %parallel_loop3A_199 : vector<1x16xf32> to vector<16xf32>
          %parallel_loop3A_201 = vector.shape_cast %parallel_loop3A_196 : vector<16xf32> to vector<1x16xf32>
          tpu.vector_store %arg18[%parallel_loop3A_197, %parallel_loop3A_198], %parallel_loop3A_201 {strides = array<i32>} : memref<64x128xf32, #tpu.memory_space<vmem>>, vector<1x16xf32>,
          %parallel_loop3A_202 = arith.index_cast %parallel_loop3A_131 : i32 to index
          %parallel_loop3A_203 = arith.constant 80 : index
          %parallel_loop3A_204 = tpu.vector_load %arg14[%parallel_loop3A_202, %parallel_loop3A_203] {strides = array<i32>} : memref<64x128xf32, #tpu.memory_space<vmem>>, vector<1x16xf32>,
          %parallel_loop3A_205 = vector.shape_cast %parallel_loop3A_204 : vector<1x16xf32> to vector<16xf32>
          %parallel_loop3A_206 = arith.index_cast %parallel_loop3A_131 : i32 to index
          %parallel_loop3A_207 = arith.constant 80 : index
          %parallel_loop3A_208 = tpu.vector_load %arg16[%parallel_loop3A_206, %parallel_loop3A_207] {strides = array<i32>} : memref<64x128xf32, #tpu.memory_space<vmem>>, vector<1x16xf32>,
          %parallel_loop3A_209 = vector.shape_cast %parallel_loop3A_208 : vector<1x16xf32> to vector<16xf32>
          %parallel_loop3A_210 = arith.mulf %parallel_loop3A_205, %parallel_loop3A_209 : vector<16xf32>
          %parallel_loop3A_211 = arith.index_cast %parallel_loop3A_131 : i32 to index
          %parallel_loop3A_212 = arith.constant 80 : index
          %parallel_loop3A_213 = tpu.vector_load %arg18[%parallel_loop3A_211, %parallel_loop3A_212] {strides = array<i32>} : memref<64x128xf32, #tpu.memory_space<vmem>>, vector<1x16xf32>,
          %parallel_loop3A_214 = vector.shape_cast %parallel_loop3A_213 : vector<1x16xf32> to vector<16xf32>
          %parallel_loop3A_215 = vector.shape_cast %parallel_loop3A_210 : vector<16xf32> to vector<1x16xf32>
          tpu.vector_store %arg18[%parallel_loop3A_211, %parallel_loop3A_212], %parallel_loop3A_215 {strides = array<i32>} : memref<64x128xf32, #tpu.memory_space<vmem>>, vector<1x16xf32>,
          %parallel_loop3A_216 = arith.index_cast %parallel_loop3A_131 : i32 to index
          %parallel_loop3A_217 = arith.constant 96 : index
          %parallel_loop3A_218 = tpu.vector_load %arg14[%parallel_loop3A_216, %parallel_loop3A_217] {strides = array<i32>} : memref<64x128xf32, #tpu.memory_space<vmem>>, vector<1x16xf32>,
          %parallel_loop3A_219 = vector.shape_cast %parallel_loop3A_218 : vector<1x16xf32> to vector<16xf32>
          %parallel_loop3A_220 = arith.index_cast %parallel_loop3A_131 : i32 to index
          %parallel_loop3A_221 = arith.constant 96 : index
          %parallel_loop3A_222 = tpu.vector_load %arg16[%parallel_loop3A_220, %parallel_loop3A_221] {strides = array<i32>} : memref<64x128xf32, #tpu.memory_space<vmem>>, vector<1x16xf32>,
          %parallel_loop3A_223 = vector.shape_cast %parallel_loop3A_222 : vector<1x16xf32> to vector<16xf32>
          %parallel_loop3A_224 = arith.mulf %parallel_loop3A_219, %parallel_loop3A_223 : vector<16xf32>
          %parallel_loop3A_225 = arith.index_cast %parallel_loop3A_131 : i32 to index
          %parallel_loop3A_226 = arith.constant 96 : index
          %parallel_loop3A_227 = tpu.vector_load %arg18[%parallel_loop3A_225, %parallel_loop3A_226] {strides = array<i32>} : memref<64x128xf32, #tpu.memory_space<vmem>>, vector<1x16xf32>,
          %parallel_loop3A_228 = vector.shape_cast %parallel_loop3A_227 : vector<1x16xf32> to vector<16xf32>
          %parallel_loop3A_229 = vector.shape_cast %parallel_loop3A_224 : vector<16xf32> to vector<1x16xf32>
          tpu.vector_store %arg18[%parallel_loop3A_225, %parallel_loop3A_226], %parallel_loop3A_229 {strides = array<i32>} : memref<64x128xf32, #tpu.memory_space<vmem>>, vector<1x16xf32>,
          %parallel_loop3A_230 = arith.index_cast %parallel_loop3A_131 : i32 to index
          %parallel_loop3A_231 = arith.constant 112 : index
          %parallel_loop3A_232 = tpu.vector_load %arg14[%parallel_loop3A_230, %parallel_loop3A_231] {strides = array<i32>} : memref<64x128xf32, #tpu.memory_space<vmem>>, vector<1x16xf32>,
          %parallel_loop3A_233 = vector.shape_cast %parallel_loop3A_232 : vector<1x16xf32> to vector<16xf32>
          %parallel_loop3A_234 = arith.index_cast %parallel_loop3A_131 : i32 to index
          %parallel_loop3A_235 = arith.constant 112 : index
          %parallel_loop3A_236 = tpu.vector_load %arg16[%parallel_loop3A_234, %parallel_loop3A_235] {strides = array<i32>} : memref<64x128xf32, #tpu.memory_space<vmem>>, vector<1x16xf32>,
          %parallel_loop3A_237 = vector.shape_cast %parallel_loop3A_236 : vector<1x16xf32> to vector<16xf32>
          %parallel_loop3A_238 = arith.mulf %parallel_loop3A_233, %parallel_loop3A_237 : vector<16xf32>
          %parallel_loop3A_239 = arith.index_cast %parallel_loop3A_131 : i32 to index
          %parallel_loop3A_240 = arith.constant 112 : index
          %parallel_loop3A_241 = tpu.vector_load %arg18[%parallel_loop3A_239, %parallel_loop3A_240] {strides = array<i32>} : memref<64x128xf32, #tpu.memory_space<vmem>>, vector<1x16xf32>,
          %parallel_loop3A_242 = vector.shape_cast %parallel_loop3A_241 : vector<1x16xf32> to vector<16xf32>
          %parallel_loop3A_243 = vector.shape_cast %parallel_loop3A_238 : vector<16xf32> to vector<1x16xf32>
          tpu.vector_store %arg18[%parallel_loop3A_239, %parallel_loop3A_240], %parallel_loop3A_243 {strides = array<i32>} : memref<64x128xf32, #tpu.memory_space<vmem>>, vector<1x16xf32>,
        } {sc.loop_unroll_factor = 4 : i64, sc.parallel_access}
        %dma_start3A = arith.constant 0 : i32
        %dma_start3A_129 = arith.constant 0 : i32
        %dma_start3A_130 = tpu.memref_slice %arg20[%dma_start3A, %dma_start3A_129] : memref<10000x128xf32, #tpu.memory_space<vmem_shared>> -> memref<10000x128xf32, #tpu.memory_space<vmem_shared>>
        tpu.enqueue_indirect_dma source(%arg18 : memref<64x128xf32, #tpu.memory_space<vmem>>) target(%dma_start3A_130 : memref<10000x128xf32, #tpu.memory_space<vmem_shared>>) offsets(%arg12 : memref<64xi32, #tpu.memory_space<vmem>>) semaphore(%arg27 : memref<!tpu.dma_semaphore, #tpu.memory_space<semaphore_mem>>) {add = true}
      } else {
      }
      %mul3A_61 = arith.constant 2 : i32
      %mul3A_62 = arith.muli %mul3A_61, %scan3A_53 : i32
      %add3A_63 = arith.constant 1 : i32
      %add3A_64 = arith.addi %mul3A_62, %add3A_63 : i32
      %lt3A_65 = arith.cmpi slt, %add3A_64, %add3A_8 : i32
      %convert_element_type3A_66 = arith.extui %lt3A_65 : i1 to i32
      %cond3A_67 = arith.constant 0 : i32
      %cond3A_68 = arith.cmpi ne, %convert_element_type3A_66, %cond3A_67 : i32
      scf.if %cond3A_68 {
        %ge3A = arith.constant 2 : i32
        %ge3A_70 = arith.cmpi sge, %add3A_64, %ge3A : i32
        %convert_element_type3A_71 = arith.extui %ge3A_70 : i1 to i32
        %cond3A_72 = arith.constant 0 : i32
        %cond3A_73 = arith.cmpi ne, %convert_element_type3A_71, %cond3A_72 : i32
        scf.if %cond3A_73 {
          %dma_wait3A_131 = arith.constant 0 : i32
          %dma_wait3A_132 = arith.constant 0 : i32
          %dma_wait3A_133 = tpu.memref_slice %arg20[%dma_wait3A_131, %dma_wait3A_132] : memref<10000x128xf32, #tpu.memory_space<vmem_shared>> -> memref<10000x128xf32, #tpu.memory_space<vmem_shared>>
          tpu.wait_indirect_dma semaphore(%arg28 : memref<!tpu.dma_semaphore, #tpu.memory_space<semaphore_mem>>) src(%arg19 : memref<64x128xf32, #tpu.memory_space<vmem>>) dst(%dma_wait3A_133 : memref<10000x128xf32, #tpu.memory_space<vmem_shared>>)
        } else {
        }
        %dma_wait3A_74 = arith.constant 0 : i32
        %dma_wait3A_75 = arith.constant 0 : i32
        %dma_wait3A_76 = tpu.memref_slice %arg2[%dma_wait3A_74, %dma_wait3A_75] : memref<10000x128xf32, #tpu.memory_space<hbm>> -> memref<10000x128xf32, #tpu.memory_space<hbm>>
        tpu.wait_indirect_dma semaphore(%arg24 : memref<!tpu.dma_semaphore, #tpu.memory_space<semaphore_mem>>) src(%dma_wait3A_76 : memref<10000x128xf32, #tpu.memory_space<hbm>>) dst(%arg15 : memref<64x128xf32, #tpu.memory_space<vmem>>)
        %dma_wait3A_77 = arith.constant 0 : i32
        %dma_wait3A_78 = arith.constant 0 : i32
        %dma_wait3A_79 = tpu.memref_slice %arg3[%dma_wait3A_77, %dma_wait3A_78] : memref<80000x128xf32, #tpu.memory_space<hbm>> -> memref<64x128xf32, #tpu.memory_space<hbm>>
        %dma_wait3A_80 = arith.constant 0 : i32
        %dma_wait3A_81 = arith.constant 0 : i32
        %dma_wait3A_82 = tpu.memref_slice %arg3[%dma_wait3A_80, %dma_wait3A_81] : memref<80000x128xf32, #tpu.memory_space<hbm>> -> memref<64x128xf32, #tpu.memory_space<hbm>>
        tpu.wait_dma2 semaphore(%arg26 : memref<!tpu.dma_semaphore, #tpu.memory_space<semaphore_mem>>) src(%dma_wait3A_82 : memref<64x128xf32, #tpu.memory_space<hbm>>) dst(%arg17 : memref<64x128xf32, #tpu.memory_space<vmem>>)
        %get3A = arith.constant 0 : index
        %get3A_83 = tpu.vector_load %arg11[%get3A] {strides = array<i32>} : memref<64xi32, #tpu.memory_space<vmem>>, vector<16xi32>,
        %get3A_84 = vector.shape_cast %get3A_83 : vector<16xi32> to vector<16xi32>
        %swap3A = arith.constant 0 : index
        %swap3A_85 = tpu.vector_load %arg13[%swap3A] {strides = array<i32>} : memref<64xi32, #tpu.memory_space<vmem>>, vector<16xi32>,
        %swap3A_86 = vector.shape_cast %swap3A_85 : vector<16xi32> to vector<16xi32>
        %swap3A_87 = vector.shape_cast %get3A_84 : vector<16xi32> to vector<16xi32>
        tpu.vector_store %arg13[%swap3A], %swap3A_87 {strides = array<i32>} : memref<64xi32, #tpu.memory_space<vmem>>, vector<16xi32>,
        %get3A_88 = arith.constant 16 : index
        %get3A_89 = tpu.vector_load %arg11[%get3A_88] {strides = array<i32>} : memref<64xi32, #tpu.memory_space<vmem>>, vector<16xi32>,
        %get3A_90 = vector.shape_cast %get3A_89 : vector<16xi32> to vector<16xi32>
        %swap3A_91 = arith.constant 16 : index
        %swap3A_92 = tpu.vector_load %arg13[%swap3A_91] {strides = array<i32>} : memref<64xi32, #tpu.memory_space<vmem>>, vector<16xi32>,
        %swap3A_93 = vector.shape_cast %swap3A_92 : vector<16xi32> to vector<16xi32>
        %swap3A_94 = vector.shape_cast %get3A_90 : vector<16xi32> to vector<16xi32>
        tpu.vector_store %arg13[%swap3A_91], %swap3A_94 {strides = array<i32>} : memref<64xi32, #tpu.memory_space<vmem>>, vector<16xi32>,
        %get3A_95 = arith.constant 32 : index
        %get3A_96 = tpu.vector_load %arg11[%get3A_95] {strides = array<i32>} : memref<64xi32, #tpu.memory_space<vmem>>, vector<16xi32>,
        %get3A_97 = vector.shape_cast %get3A_96 : vector<16xi32> to vector<16xi32>
        %swap3A_98 = arith.constant 32 : index
        %swap3A_99 = tpu.vector_load %arg13[%swap3A_98] {strides = array<i32>} : memref<64xi32, #tpu.memory_space<vmem>>, vector<16xi32>,
        %swap3A_100 = vector.shape_cast %swap3A_99 : vector<16xi32> to vector<16xi32>
        %swap3A_101 = vector.shape_cast %get3A_97 : vector<16xi32> to vector<16xi32>
        tpu.vector_store %arg13[%swap3A_98], %swap3A_101 {strides = array<i32>} : memref<64xi32, #tpu.memory_space<vmem>>, vector<16xi32>,
        %get3A_102 = arith.constant 48 : index
        %get3A_103 = tpu.vector_load %arg11[%get3A_102] {strides = array<i32>} : memref<64xi32, #tpu.memory_space<vmem>>, vector<16xi32>,
        %get3A_104 = vector.shape_cast %get3A_103 : vector<16xi32> to vector<16xi32>
        %swap3A_105 = arith.constant 48 : index
        %swap3A_106 = tpu.vector_load %arg13[%swap3A_105] {strides = array<i32>} : memref<64xi32, #tpu.memory_space<vmem>>, vector<16xi32>,
        %swap3A_107 = vector.shape_cast %swap3A_106 : vector<16xi32> to vector<16xi32>
        %swap3A_108 = vector.shape_cast %get3A_104 : vector<16xi32> to vector<16xi32>
        tpu.vector_store %arg13[%swap3A_105], %swap3A_108 {strides = array<i32>} : memref<64xi32, #tpu.memory_space<vmem>>, vector<16xi32>,
        %add3A_109 = arith.constant 1 : i32
        %add3A_110 = arith.addi %add3A_64, %add3A_109 : i32
        %lt3A_111 = arith.cmpi slt, %add3A_110, %add3A_8 : i32
        %convert_element_type3A_112 = arith.extui %lt3A_111 : i1 to i32
        %cond3A_113 = arith.constant 0 : i32
        %cond3A_114 = arith.cmpi ne, %convert_element_type3A_112, %cond3A_113 : i32
        scf.if %cond3A_114 {
          %dma_wait3A_131 = arith.constant 0 : i32
          %dma_wait3A_132 = tpu.memref_slice %arg5[%dma_wait3A_131] : memref<160000xi32, #tpu.memory_space<hbm>> -> memref<64xi32, #tpu.memory_space<hbm>>
          %dma_wait3A_133 = arith.constant 0 : i32
          %dma_wait3A_134 = tpu.memref_slice %arg5[%dma_wait3A_133] : memref<160000xi32, #tpu.memory_space<hbm>> -> memref<64xi32, #tpu.memory_space<hbm>>
          tpu.wait_dma2 semaphore(%arg21 : memref<!tpu.dma_semaphore, #tpu.memory_space<semaphore_mem>>) src(%dma_wait3A_134 : memref<64xi32, #tpu.memory_space<hbm>>) dst(%arg8 : memref<64xi32, #tpu.memory_space<vmem>>)
          %dma_wait3A_135 = arith.constant 0 : i32
          %dma_wait3A_136 = tpu.memref_slice %arg5[%dma_wait3A_135] : memref<160000xi32, #tpu.memory_space<hbm>> -> memref<64xi32, #tpu.memory_space<hbm>>
          %dma_wait3A_137 = arith.constant 0 : i32
          %dma_wait3A_138 = tpu.memref_slice %arg5[%dma_wait3A_137] : memref<160000xi32, #tpu.memory_space<hbm>> -> memref<64xi32, #tpu.memory_space<hbm>>
          tpu.wait_dma2 semaphore(%arg21 : memref<!tpu.dma_semaphore, #tpu.memory_space<semaphore_mem>>) src(%dma_wait3A_138 : memref<64xi32, #tpu.memory_space<hbm>>) dst(%arg8 : memref<64xi32, #tpu.memory_space<vmem>>)
        } else {
        }
        %add3A_115 = arith.constant 1 : i32
        %add3A_116 = arith.addi %add3A_64, %add3A_115 : i32
        %lt3A_117 = arith.cmpi slt, %add3A_116, %add3A_8 : i32
        %convert_element_type3A_118 = arith.extui %lt3A_117 : i1 to i32
        %cond3A_119 = arith.constant 0 : i32
        %cond3A_120 = arith.cmpi ne, %convert_element_type3A_118, %cond3A_119 : i32
        scf.if %cond3A_120 {
          %add3A_131 = arith.addi %add3A_4, %add3A_116 : i32
          %mul3A_132 = arith.constant 64 : i32
          %mul3A_133 = arith.muli %add3A_131, %mul3A_132 : i32
          %multiple_of3A_134 = tpu.assume_multiple %mul3A_133, 8 : i32
          %dma_start3A_135 = arith.constant 0 : i32
          %dma_start3A_136 = arith.constant 0 : i32
          %dma_start3A_137 = tpu.memref_slice %arg2[%dma_start3A_135, %dma_start3A_136] : memref<10000x128xf32, #tpu.memory_space<hbm>> -> memref<10000x128xf32, #tpu.memory_space<hbm>>
          tpu.enqueue_indirect_dma source(%dma_start3A_137 : memref<10000x128xf32, #tpu.memory_space<hbm>>) target(%arg14 : memref<64x128xf32, #tpu.memory_space<vmem>>) offsets(%arg8 : memref<64xi32, #tpu.memory_space<vmem>>) semaphore(%arg23 : memref<!tpu.dma_semaphore, #tpu.memory_space<semaphore_mem>>)
          %dma_start3A_138 = arith.constant 0 : i32
          %dma_start3A_139 = tpu.memref_slice %arg3[%multiple_of3A_134, %dma_start3A_138] : memref<80000x128xf32, #tpu.memory_space<hbm>> -> memref<64x128xf32, #tpu.memory_space<hbm>>
          %dma_start3A_140 = arith.constant 0 : i32
          %dma_start3A_141 = tpu.memref_slice %arg3[%multiple_of3A_134, %dma_start3A_140] : memref<80000x128xf32, #tpu.memory_space<hbm>> -> memref<64x128xf32, #tpu.memory_space<hbm>>
          tpu.enqueue_dma source(%dma_start3A_141 : memref<64x128xf32, #tpu.memory_space<hbm>>) target(%arg16 : memref<64x128xf32, #tpu.memory_space<vmem>>) target_semaphore(%arg25 : memref<!tpu.dma_semaphore, #tpu.memory_space<semaphore_mem>>)
        } else {
        }
        %add3A_121 = arith.constant 2 : i32
        %add3A_122 = arith.addi %add3A_64, %add3A_121 : i32
        %lt3A_123 = arith.cmpi slt, %add3A_122, %add3A_8 : i32
        %convert_element_type3A_124 = arith.extui %lt3A_123 : i1 to i32
        %cond3A_125 = arith.constant 0 : i32
        %cond3A_126 = arith.cmpi ne, %convert_element_type3A_124, %cond3A_125 : i32
        scf.if %cond3A_126 {
          %add3A_131 = arith.addi %add3A_4, %add3A_122 : i32
          %mul3A_132 = arith.constant 64 : i32
          %mul3A_133 = arith.muli %add3A_131, %mul3A_132 : i32
          %add3A_134 = arith.constant 0 : i32
          %add3A_135 = arith.addi %add3A_134, %mul3A_133 : i32
          %multiple_of3A_136 = tpu.assume_multiple %add3A_135, 8 : i32
          %dma_start3A_137 = tpu.memref_slice %arg5[%multiple_of3A_136] : memref<160000xi32, #tpu.memory_space<hbm>> -> memref<64xi32, #tpu.memory_space<hbm>>
          %dma_start3A_138 = tpu.memref_slice %arg5[%multiple_of3A_136] : memref<160000xi32, #tpu.memory_space<hbm>> -> memref<64xi32, #tpu.memory_space<hbm>>
          tpu.enqueue_dma source(%dma_start3A_138 : memref<64xi32, #tpu.memory_space<hbm>>) target(%arg9 : memref<64xi32, #tpu.memory_space<vmem>>) target_semaphore(%arg22 : memref<!tpu.dma_semaphore, #tpu.memory_space<semaphore_mem>>)
          %dma_start3A_139 = tpu.memref_slice %arg6[%multiple_of3A_136] : memref<160000xi32, #tpu.memory_space<hbm>> -> memref<64xi32, #tpu.memory_space<hbm>>
          %dma_start3A_140 = tpu.memref_slice %arg6[%multiple_of3A_136] : memref<160000xi32, #tpu.memory_space<hbm>> -> memref<64xi32, #tpu.memory_space<hbm>>
          tpu.enqueue_dma source(%dma_start3A_140 : memref<64xi32, #tpu.memory_space<hbm>>) target(%arg11 : memref<64xi32, #tpu.memory_space<vmem>>) target_semaphore(%arg22 : memref<!tpu.dma_semaphore, #tpu.memory_space<semaphore_mem>>)
        } else {
        }
        %parallel_loop3A = arith.constant 0 : i32
        %parallel_loop3A_127 = arith.constant 64 : i32
        %parallel_loop3A_128 = arith.constant 1 : i32
        scf.for %parallel_loop3A_131 = %parallel_loop3A to %parallel_loop3A_127 step %parallel_loop3A_128  : i32 {
          %parallel_loop3A_132 = arith.index_cast %parallel_loop3A_131 : i32 to index
          %parallel_loop3A_133 = arith.constant 0 : index
          %parallel_loop3A_134 = tpu.vector_load %arg15[%parallel_loop3A_132, %parallel_loop3A_133] {strides = array<i32>} : memref<64x128xf32, #tpu.memory_space<vmem>>, vector<1x16xf32>,
          %parallel_loop3A_135 = vector.shape_cast %parallel_loop3A_134 : vector<1x16xf32> to vector<16xf32>
          %parallel_loop3A_136 = arith.index_cast %parallel_loop3A_131 : i32 to index
          %parallel_loop3A_137 = arith.constant 0 : index
          %parallel_loop3A_138 = tpu.vector_load %arg17[%parallel_loop3A_136, %parallel_loop3A_137] {strides = array<i32>} : memref<64x128xf32, #tpu.memory_space<vmem>>, vector<1x16xf32>,
          %parallel_loop3A_139 = vector.shape_cast %parallel_loop3A_138 : vector<1x16xf32> to vector<16xf32>
          %parallel_loop3A_140 = arith.mulf %parallel_loop3A_135, %parallel_loop3A_139 : vector<16xf32>
          %parallel_loop3A_141 = arith.index_cast %parallel_loop3A_131 : i32 to index
          %parallel_loop3A_142 = arith.constant 0 : index
          %parallel_loop3A_143 = tpu.vector_load %arg19[%parallel_loop3A_141, %parallel_loop3A_142] {strides = array<i32>} : memref<64x128xf32, #tpu.memory_space<vmem>>, vector<1x16xf32>,
          %parallel_loop3A_144 = vector.shape_cast %parallel_loop3A_143 : vector<1x16xf32> to vector<16xf32>
          %parallel_loop3A_145 = vector.shape_cast %parallel_loop3A_140 : vector<16xf32> to vector<1x16xf32>
          tpu.vector_store %arg19[%parallel_loop3A_141, %parallel_loop3A_142], %parallel_loop3A_145 {strides = array<i32>} : memref<64x128xf32, #tpu.memory_space<vmem>>, vector<1x16xf32>,
          %parallel_loop3A_146 = arith.index_cast %parallel_loop3A_131 : i32 to index
          %parallel_loop3A_147 = arith.constant 16 : index
          %parallel_loop3A_148 = tpu.vector_load %arg15[%parallel_loop3A_146, %parallel_loop3A_147] {strides = array<i32>} : memref<64x128xf32, #tpu.memory_space<vmem>>, vector<1x16xf32>,
          %parallel_loop3A_149 = vector.shape_cast %parallel_loop3A_148 : vector<1x16xf32> to vector<16xf32>
          %parallel_loop3A_150 = arith.index_cast %parallel_loop3A_131 : i32 to index
          %parallel_loop3A_151 = arith.constant 16 : index
          %parallel_loop3A_152 = tpu.vector_load %arg17[%parallel_loop3A_150, %parallel_loop3A_151] {strides = array<i32>} : memref<64x128xf32, #tpu.memory_space<vmem>>, vector<1x16xf32>,
          %parallel_loop3A_153 = vector.shape_cast %parallel_loop3A_152 : vector<1x16xf32> to vector<16xf32>
          %parallel_loop3A_154 = arith.mulf %parallel_loop3A_149, %parallel_loop3A_153 : vector<16xf32>
          %parallel_loop3A_155 = arith.index_cast %parallel_loop3A_131 : i32 to index
          %parallel_loop3A_156 = arith.constant 16 : index
          %parallel_loop3A_157 = tpu.vector_load %arg19[%parallel_loop3A_155, %parallel_loop3A_156] {strides = array<i32>} : memref<64x128xf32, #tpu.memory_space<vmem>>, vector<1x16xf32>,
          %parallel_loop3A_158 = vector.shape_cast %parallel_loop3A_157 : vector<1x16xf32> to vector<16xf32>
          %parallel_loop3A_159 = vector.shape_cast %parallel_loop3A_154 : vector<16xf32> to vector<1x16xf32>
          tpu.vector_store %arg19[%parallel_loop3A_155, %parallel_loop3A_156], %parallel_loop3A_159 {strides = array<i32>} : memref<64x128xf32, #tpu.memory_space<vmem>>, vector<1x16xf32>,
          %parallel_loop3A_160 = arith.index_cast %parallel_loop3A_131 : i32 to index
          %parallel_loop3A_161 = arith.constant 32 : index
          %parallel_loop3A_162 = tpu.vector_load %arg15[%parallel_loop3A_160, %parallel_loop3A_161] {strides = array<i32>} : memref<64x128xf32, #tpu.memory_space<vmem>>, vector<1x16xf32>,
          %parallel_loop3A_163 = vector.shape_cast %parallel_loop3A_162 : vector<1x16xf32> to vector<16xf32>
          %parallel_loop3A_164 = arith.index_cast %parallel_loop3A_131 : i32 to index
          %parallel_loop3A_165 = arith.constant 32 : index
          %parallel_loop3A_166 = tpu.vector_load %arg17[%parallel_loop3A_164, %parallel_loop3A_165] {strides = array<i32>} : memref<64x128xf32, #tpu.memory_space<vmem>>, vector<1x16xf32>,
          %parallel_loop3A_167 = vector.shape_cast %parallel_loop3A_166 : vector<1x16xf32> to vector<16xf32>
          %parallel_loop3A_168 = arith.mulf %parallel_loop3A_163, %parallel_loop3A_167 : vector<16xf32>
          %parallel_loop3A_169 = arith.index_cast %parallel_loop3A_131 : i32 to index
          %parallel_loop3A_170 = arith.constant 32 : index
          %parallel_loop3A_171 = tpu.vector_load %arg19[%parallel_loop3A_169, %parallel_loop3A_170] {strides = array<i32>} : memref<64x128xf32, #tpu.memory_space<vmem>>, vector<1x16xf32>,
          %parallel_loop3A_172 = vector.shape_cast %parallel_loop3A_171 : vector<1x16xf32> to vector<16xf32>
          %parallel_loop3A_173 = vector.shape_cast %parallel_loop3A_168 : vector<16xf32> to vector<1x16xf32>
          tpu.vector_store %arg19[%parallel_loop3A_169, %parallel_loop3A_170], %parallel_loop3A_173 {strides = array<i32>} : memref<64x128xf32, #tpu.memory_space<vmem>>, vector<1x16xf32>,
          %parallel_loop3A_174 = arith.index_cast %parallel_loop3A_131 : i32 to index
          %parallel_loop3A_175 = arith.constant 48 : index
          %parallel_loop3A_176 = tpu.vector_load %arg15[%parallel_loop3A_174, %parallel_loop3A_175] {strides = array<i32>} : memref<64x128xf32, #tpu.memory_space<vmem>>, vector<1x16xf32>,
          %parallel_loop3A_177 = vector.shape_cast %parallel_loop3A_176 : vector<1x16xf32> to vector<16xf32>
          %parallel_loop3A_178 = arith.index_cast %parallel_loop3A_131 : i32 to index
          %parallel_loop3A_179 = arith.constant 48 : index
          %parallel_loop3A_180 = tpu.vector_load %arg17[%parallel_loop3A_178, %parallel_loop3A_179] {strides = array<i32>} : memref<64x128xf32, #tpu.memory_space<vmem>>, vector<1x16xf32>,
          %parallel_loop3A_181 = vector.shape_cast %parallel_loop3A_180 : vector<1x16xf32> to vector<16xf32>
          %parallel_loop3A_182 = arith.mulf %parallel_loop3A_177, %parallel_loop3A_181 : vector<16xf32>
          %parallel_loop3A_183 = arith.index_cast %parallel_loop3A_131 : i32 to index
          %parallel_loop3A_184 = arith.constant 48 : index
          %parallel_loop3A_185 = tpu.vector_load %arg19[%parallel_loop3A_183, %parallel_loop3A_184] {strides = array<i32>} : memref<64x128xf32, #tpu.memory_space<vmem>>, vector<1x16xf32>,
          %parallel_loop3A_186 = vector.shape_cast %parallel_loop3A_185 : vector<1x16xf32> to vector<16xf32>
          %parallel_loop3A_187 = vector.shape_cast %parallel_loop3A_182 : vector<16xf32> to vector<1x16xf32>
          tpu.vector_store %arg19[%parallel_loop3A_183, %parallel_loop3A_184], %parallel_loop3A_187 {strides = array<i32>} : memref<64x128xf32, #tpu.memory_space<vmem>>, vector<1x16xf32>,
          %parallel_loop3A_188 = arith.index_cast %parallel_loop3A_131 : i32 to index
          %parallel_loop3A_189 = arith.constant 64 : index
          %parallel_loop3A_190 = tpu.vector_load %arg15[%parallel_loop3A_188, %parallel_loop3A_189] {strides = array<i32>} : memref<64x128xf32, #tpu.memory_space<vmem>>, vector<1x16xf32>,
          %parallel_loop3A_191 = vector.shape_cast %parallel_loop3A_190 : vector<1x16xf32> to vector<16xf32>
          %parallel_loop3A_192 = arith.index_cast %parallel_loop3A_131 : i32 to index
          %parallel_loop3A_193 = arith.constant 64 : index
          %parallel_loop3A_194 = tpu.vector_load %arg17[%parallel_loop3A_192, %parallel_loop3A_193] {strides = array<i32>} : memref<64x128xf32, #tpu.memory_space<vmem>>, vector<1x16xf32>,
          %parallel_loop3A_195 = vector.shape_cast %parallel_loop3A_194 : vector<1x16xf32> to vector<16xf32>
          %parallel_loop3A_196 = arith.mulf %parallel_loop3A_191, %parallel_loop3A_195 : vector<16xf32>
          %parallel_loop3A_197 = arith.index_cast %parallel_loop3A_131 : i32 to index
          %parallel_loop3A_198 = arith.constant 64 : index
          %parallel_loop3A_199 = tpu.vector_load %arg19[%parallel_loop3A_197, %parallel_loop3A_198] {strides = array<i32>} : memref<64x128xf32, #tpu.memory_space<vmem>>, vector<1x16xf32>,
          %parallel_loop3A_200 = vector.shape_cast %parallel_loop3A_199 : vector<1x16xf32> to vector<16xf32>
          %parallel_loop3A_201 = vector.shape_cast %parallel_loop3A_196 : vector<16xf32> to vector<1x16xf32>
          tpu.vector_store %arg19[%parallel_loop3A_197, %parallel_loop3A_198], %parallel_loop3A_201 {strides = array<i32>} : memref<64x128xf32, #tpu.memory_space<vmem>>, vector<1x16xf32>,
          %parallel_loop3A_202 = arith.index_cast %parallel_loop3A_131 : i32 to index
          %parallel_loop3A_203 = arith.constant 80 : index
          %parallel_loop3A_204 = tpu.vector_load %arg15[%parallel_loop3A_202, %parallel_loop3A_203] {strides = array<i32>} : memref<64x128xf32, #tpu.memory_space<vmem>>, vector<1x16xf32>,
          %parallel_loop3A_205 = vector.shape_cast %parallel_loop3A_204 : vector<1x16xf32> to vector<16xf32>
          %parallel_loop3A_206 = arith.index_cast %parallel_loop3A_131 : i32 to index
          %parallel_loop3A_207 = arith.constant 80 : index
          %parallel_loop3A_208 = tpu.vector_load %arg17[%parallel_loop3A_206, %parallel_loop3A_207] {strides = array<i32>} : memref<64x128xf32, #tpu.memory_space<vmem>>, vector<1x16xf32>,
          %parallel_loop3A_209 = vector.shape_cast %parallel_loop3A_208 : vector<1x16xf32> to vector<16xf32>
          %parallel_loop3A_210 = arith.mulf %parallel_loop3A_205, %parallel_loop3A_209 : vector<16xf32>
          %parallel_loop3A_211 = arith.index_cast %parallel_loop3A_131 : i32 to index
          %parallel_loop3A_212 = arith.constant 80 : index
          %parallel_loop3A_213 = tpu.vector_load %arg19[%parallel_loop3A_211, %parallel_loop3A_212] {strides = array<i32>} : memref<64x128xf32, #tpu.memory_space<vmem>>, vector<1x16xf32>,
          %parallel_loop3A_214 = vector.shape_cast %parallel_loop3A_213 : vector<1x16xf32> to vector<16xf32>
          %parallel_loop3A_215 = vector.shape_cast %parallel_loop3A_210 : vector<16xf32> to vector<1x16xf32>
          tpu.vector_store %arg19[%parallel_loop3A_211, %parallel_loop3A_212], %parallel_loop3A_215 {strides = array<i32>} : memref<64x128xf32, #tpu.memory_space<vmem>>, vector<1x16xf32>,
          %parallel_loop3A_216 = arith.index_cast %parallel_loop3A_131 : i32 to index
          %parallel_loop3A_217 = arith.constant 96 : index
          %parallel_loop3A_218 = tpu.vector_load %arg15[%parallel_loop3A_216, %parallel_loop3A_217] {strides = array<i32>} : memref<64x128xf32, #tpu.memory_space<vmem>>, vector<1x16xf32>,
          %parallel_loop3A_219 = vector.shape_cast %parallel_loop3A_218 : vector<1x16xf32> to vector<16xf32>
          %parallel_loop3A_220 = arith.index_cast %parallel_loop3A_131 : i32 to index
          %parallel_loop3A_221 = arith.constant 96 : index
          %parallel_loop3A_222 = tpu.vector_load %arg17[%parallel_loop3A_220, %parallel_loop3A_221] {strides = array<i32>} : memref<64x128xf32, #tpu.memory_space<vmem>>, vector<1x16xf32>,
          %parallel_loop3A_223 = vector.shape_cast %parallel_loop3A_222 : vector<1x16xf32> to vector<16xf32>
          %parallel_loop3A_224 = arith.mulf %parallel_loop3A_219, %parallel_loop3A_223 : vector<16xf32>
          %parallel_loop3A_225 = arith.index_cast %parallel_loop3A_131 : i32 to index
          %parallel_loop3A_226 = arith.constant 96 : index
          %parallel_loop3A_227 = tpu.vector_load %arg19[%parallel_loop3A_225, %parallel_loop3A_226] {strides = array<i32>} : memref<64x128xf32, #tpu.memory_space<vmem>>, vector<1x16xf32>,
          %parallel_loop3A_228 = vector.shape_cast %parallel_loop3A_227 : vector<1x16xf32> to vector<16xf32>
          %parallel_loop3A_229 = vector.shape_cast %parallel_loop3A_224 : vector<16xf32> to vector<1x16xf32>
          tpu.vector_store %arg19[%parallel_loop3A_225, %parallel_loop3A_226], %parallel_loop3A_229 {strides = array<i32>} : memref<64x128xf32, #tpu.memory_space<vmem>>, vector<1x16xf32>,
          %parallel_loop3A_230 = arith.index_cast %parallel_loop3A_131 : i32 to index
          %parallel_loop3A_231 = arith.constant 112 : index
          %parallel_loop3A_232 = tpu.vector_load %arg15[%parallel_loop3A_230, %parallel_loop3A_231] {strides = array<i32>} : memref<64x128xf32, #tpu.memory_space<vmem>>, vector<1x16xf32>,
          %parallel_loop3A_233 = vector.shape_cast %parallel_loop3A_232 : vector<1x16xf32> to vector<16xf32>
          %parallel_loop3A_234 = arith.index_cast %parallel_loop3A_131 : i32 to index
          %parallel_loop3A_235 = arith.constant 112 : index
          %parallel_loop3A_236 = tpu.vector_load %arg17[%parallel_loop3A_234, %parallel_loop3A_235] {strides = array<i32>} : memref<64x128xf32, #tpu.memory_space<vmem>>, vector<1x16xf32>,
          %parallel_loop3A_237 = vector.shape_cast %parallel_loop3A_236 : vector<1x16xf32> to vector<16xf32>
          %parallel_loop3A_238 = arith.mulf %parallel_loop3A_233, %parallel_loop3A_237 : vector<16xf32>
          %parallel_loop3A_239 = arith.index_cast %parallel_loop3A_131 : i32 to index
          %parallel_loop3A_240 = arith.constant 112 : index
          %parallel_loop3A_241 = tpu.vector_load %arg19[%parallel_loop3A_239, %parallel_loop3A_240] {strides = array<i32>} : memref<64x128xf32, #tpu.memory_space<vmem>>, vector<1x16xf32>,
          %parallel_loop3A_242 = vector.shape_cast %parallel_loop3A_241 : vector<1x16xf32> to vector<16xf32>
          %parallel_loop3A_243 = vector.shape_cast %parallel_loop3A_238 : vector<16xf32> to vector<1x16xf32>
          tpu.vector_store %arg19[%parallel_loop3A_239, %parallel_loop3A_240], %parallel_loop3A_243 {strides = array<i32>} : memref<64x128xf32, #tpu.memory_space<vmem>>, vector<1x16xf32>,
        } {sc.loop_unroll_factor = 4 : i64, sc.parallel_access}
        %dma_start3A = arith.constant 0 : i32
        %dma_start3A_129 = arith.constant 0 : i32
        %dma_start3A_130 = tpu.memref_slice %arg20[%dma_start3A, %dma_start3A_129] : memref<10000x128xf32, #tpu.memory_space<vmem_shared>> -> memref<10000x128xf32, #tpu.memory_space<vmem_shared>>
        tpu.enqueue_indirect_dma source(%arg19 : memref<64x128xf32, #tpu.memory_space<vmem>>) target(%dma_start3A_130 : memref<10000x128xf32, #tpu.memory_space<vmem_shared>>) offsets(%arg13 : memref<64xi32, #tpu.memory_space<vmem>>) semaphore(%arg28 : memref<!tpu.dma_semaphore, #tpu.memory_space<semaphore_mem>>) {add = true}
      } else {
      }
      %scan3A_69 = arith.constant 0 : i32
      scf.yield %scan3A_69 : i32
    }
    %scan3A_41 = arith.constant 20 : i32
    %dma_wait3A = arith.constant 0 : i32
    %dma_wait3A_42 = arith.constant 0 : i32
    %dma_wait3A_43 = tpu.memref_slice %arg20[%dma_wait3A, %dma_wait3A_42] : memref<10000x128xf32, #tpu.memory_space<vmem_shared>> -> memref<10000x128xf32, #tpu.memory_space<vmem_shared>>
    tpu.wait_indirect_dma semaphore(%arg27 : memref<!tpu.dma_semaphore, #tpu.memory_space<semaphore_mem>>) src(%arg18 : memref<64x128xf32, #tpu.memory_space<vmem>>) dst(%dma_wait3A_43 : memref<10000x128xf32, #tpu.memory_space<vmem_shared>>)
    %dma_wait3A_44 = arith.constant 0 : i32
    %dma_wait3A_45 = arith.constant 0 : i32
    %dma_wait3A_46 = tpu.memref_slice %arg20[%dma_wait3A_44, %dma_wait3A_45] : memref<10000x128xf32, #tpu.memory_space<vmem_shared>> -> memref<10000x128xf32, #tpu.memory_space<vmem_shared>>
    tpu.wait_indirect_dma semaphore(%arg28 : memref<!tpu.dma_semaphore, #tpu.memory_space<semaphore_mem>>) src(%arg19 : memref<64x128xf32, #tpu.memory_space<vmem>>) dst(%dma_wait3A_46 : memref<10000x128xf32, #tpu.memory_space<vmem_shared>>)
    %barrier3A_47 = arith.constant 0 : index
    tpu.barrier barrier_id(%barrier3A_47)
    "tpu.region"() ({
      %run_scoped3A = tpu.sem_alloc : memref<!tpu.dma_semaphore, #tpu.memory_space<semaphore_mem>>
      %dma_start3A = arith.constant 0 : i32
      %dma_start3A_53 = tpu.memref_slice %arg7[%arg0, %multiple_of3A, %dma_start3A] : memref<2x10000x128xf32, #tpu.memory_space<hbm>> -> memref<1x624x128xf32, #tpu.memory_space<hbm>>
      %dma_start3A_54 = tpu.memref_squeeze %dma_start3A_53 : memref<1x624x128xf32, #tpu.memory_space<hbm>> -> memref<624x128xf32, #tpu.memory_space<hbm>>
      %dma_start3A_55 = arith.constant 0 : i32
      %dma_start3A_56 = tpu.memref_slice %arg20[%multiple_of3A, %dma_start3A_55] : memref<10000x128xf32, #tpu.memory_space<vmem_shared>> -> memref<624x128xf32, #tpu.memory_space<vmem_shared>>
      tpu.enqueue_dma source(%dma_start3A_56 : memref<624x128xf32, #tpu.memory_space<vmem_shared>>) target(%dma_start3A_54 : memref<624x128xf32, #tpu.memory_space<hbm>>) target_semaphore(%run_scoped3A : memref<!tpu.dma_semaphore, #tpu.memory_space<semaphore_mem>>)
      %dma_wait3A_57 = arith.constant 0 : i32
      %dma_wait3A_58 = tpu.memref_slice %arg7[%arg0, %multiple_of3A, %dma_wait3A_57] : memref<2x10000x128xf32, #tpu.memory_space<hbm>> -> memref<1x624x128xf32, #tpu.memory_space<hbm>>
      %dma_wait3A_59 = tpu.memref_squeeze %dma_wait3A_58 : memref<1x624x128xf32, #tpu.memory_space<hbm>> -> memref<624x128xf32, #tpu.memory_space<hbm>>
      %dma_wait3A_60 = arith.constant 0 : i32
      %dma_wait3A_61 = tpu.memref_slice %arg20[%multiple_of3A, %dma_wait3A_60] : memref<10000x128xf32, #tpu.memory_space<vmem_shared>> -> memref<624x128xf32, #tpu.memory_space<vmem_shared>>
      tpu.wait_dma2 semaphore(%run_scoped3A : memref<!tpu.dma_semaphore, #tpu.memory_space<semaphore_mem>>) src(%dma_wait3A_61 : memref<624x128xf32, #tpu.memory_space<vmem_shared>>) dst(%dma_wait3A_59 : memref<624x128xf32, #tpu.memory_space<hbm>>)
      tpu.yield
    }) : () -> ()
    %eq3A_48 = arith.constant 15 : i32
    %eq3A_49 = arith.cmpi eq, %arg1, %eq3A_48 : i32
    %convert_element_type3A_50 = arith.extui %eq3A_49 : i1 to i32
    %cond3A_51 = arith.constant 0 : i32
    %cond3A_52 = arith.cmpi ne, %convert_element_type3A_50, %cond3A_51 : i32
    scf.if %cond3A_52 {
      "tpu.region"() ({
        %run_scoped3A = tpu.sem_alloc : memref<!tpu.dma_semaphore, #tpu.memory_space<semaphore_mem>>
        %dma_start3A = arith.constant 9984 : i32
        %dma_start3A_53 = arith.constant 0 : i32
        %dma_start3A_54 = tpu.memref_slice %arg7[%arg0, %dma_start3A, %dma_start3A_53] : memref<2x10000x128xf32, #tpu.memory_space<hbm>> -> memref<1x16x128xf32, #tpu.memory_space<hbm>>
        %dma_start3A_55 = tpu.memref_squeeze %dma_start3A_54 : memref<1x16x128xf32, #tpu.memory_space<hbm>> -> memref<16x128xf32, #tpu.memory_space<hbm>>
        %dma_start3A_56 = arith.constant 9984 : i32
        %dma_start3A_57 = arith.constant 0 : i32
        %dma_start3A_58 = tpu.memref_slice %arg20[%dma_start3A_56, %dma_start3A_57] : memref<10000x128xf32, #tpu.memory_space<vmem_shared>> -> memref<16x128xf32, #tpu.memory_space<vmem_shared>>
        tpu.enqueue_dma source(%dma_start3A_58 : memref<16x128xf32, #tpu.memory_space<vmem_shared>>) target(%dma_start3A_55 : memref<16x128xf32, #tpu.memory_space<hbm>>) target_semaphore(%run_scoped3A : memref<!tpu.dma_semaphore, #tpu.memory_space<semaphore_mem>>)
        %dma_wait3A_59 = arith.constant 9984 : i32
        %dma_wait3A_60 = arith.constant 0 : i32
        %dma_wait3A_61 = tpu.memref_slice %arg7[%arg0, %dma_wait3A_59, %dma_wait3A_60] : memref<2x10000x128xf32, #tpu.memory_space<hbm>> -> memref<1x16x128xf32, #tpu.memory_space<hbm>>
        %dma_wait3A_62 = tpu.memref_squeeze %dma_wait3A_61 : memref<1x16x128xf32, #tpu.memory_space<hbm>> -> memref<16x128xf32, #tpu.memory_space<hbm>>
        %dma_wait3A_63 = arith.constant 9984 : i32
        %dma_wait3A_64 = arith.constant 0 : i32
        %dma_wait3A_65 = tpu.memref_slice %arg20[%dma_wait3A_63, %dma_wait3A_64] : memref<10000x128xf32, #tpu.memory_space<vmem_shared>> -> memref<16x128xf32, #tpu.memory_space<vmem_shared>>
        tpu.wait_dma2 semaphore(%run_scoped3A : memref<!tpu.dma_semaphore, #tpu.memory_space<semaphore_mem>>) src(%dma_wait3A_65 : memref<16x128xf32, #tpu.memory_space<vmem_shared>>) dst(%dma_wait3A_62 : memref<16x128xf32, #tpu.memory_space<hbm>>)
        tpu.yield
      }) : () -> ()
    } else {
    }
    return
  }
}

#map = affine_map<(d0, d1) -> (0, 0)>
#map1 = affine_map<(d0, d1) -> (0, 0, 0)>
#map2 = affine_map<(d0, d1) -> (0)>
module attributes {stable_mosaic.version = 14 : i64} {
  func.func @sc_kernel(%arg0: i32, %arg1: i32, %arg2: memref<10000x128xf32, #tpu.memory_space<hbm>>, %arg3: memref<80000x128xf32, #tpu.memory_space<hbm>>, %arg4: memref<2x10000x128xf32, #tpu.memory_space<hbm>>, %arg5: memref<160000xi32, #tpu.memory_space<hbm>>, %arg6: memref<160000xi32, #tpu.memory_space<hbm>>, %arg7: memref<2x10000x128xf32, #tpu.memory_space<hbm>>, %arg8: memref<64xi32, #tpu.memory_space<vmem>>, %arg9: memref<64xi32, #tpu.memory_space<vmem>>, %arg10: memref<64xi32, #tpu.memory_space<vmem>>, %arg11: memref<64xi32, #tpu.memory_space<vmem>>, %arg12: memref<64xi32, #tpu.memory_space<vmem>>, %arg13: memref<64xi32, #tpu.memory_space<vmem>>, %arg14: memref<64x128xf32, #tpu.memory_space<vmem>>, %arg15: memref<64x128xf32, #tpu.memory_space<vmem>>, %arg16: memref<64x128xf32, #tpu.memory_space<vmem>>, %arg17: memref<64x128xf32, #tpu.memory_space<vmem>>, %arg18: memref<64x128xf32, #tpu.memory_space<vmem>>, %arg19: memref<64x128xf32, #tpu.memory_space<vmem>>, %arg20: memref<10000x128xf32, #tpu.memory_space<vmem_shared>>, %arg21: memref<!tpu.dma_semaphore, #tpu.memory_space<semaphore_mem>>, %arg22: memref<!tpu.dma_semaphore, #tpu.memory_space<semaphore_mem>>, %arg23: memref<!tpu.dma_semaphore, #tpu.memory_space<semaphore_mem>>, %arg24: memref<!tpu.dma_semaphore, #tpu.memory_space<semaphore_mem>>, %arg25: memref<!tpu.dma_semaphore, #tpu.memory_space<semaphore_mem>>, %arg26: memref<!tpu.dma_semaphore, #tpu.memory_space<semaphore_mem>>, %arg27: memref<!tpu.dma_semaphore, #tpu.memory_space<semaphore_mem>>, %arg28: memref<!tpu.dma_semaphore, #tpu.memory_space<semaphore_mem>>) attributes {dimension_semantics = [#tpu.dimension_semantics<core_parallel>, #tpu.dimension_semantics<subcore_parallel>], iteration_bounds = array<i64: 2, 16>, scalar_prefetch = 0 : i64, scratch_operands = 21 : i64, tpu.core_type = #tpu.core_type<sc_vector_subcore>, window_params = [{transform_indices = #map}, {transform_indices = #map}, {transform_indices = #map1}, {transform_indices = #map2}, {transform_indices = #map2}, {transform_indices = #map1}]} {
    %mul3A = arith.constant 2 : i32
    %mul3A_0 = arith.muli %arg1, %mul3A : i32
    %add3A = arith.addi %mul3A_0, %arg0 : i32
    %mul3A_1 = arith.constant 39 : i32
    %mul3A_2 = arith.muli %add3A, %mul3A_1 : i32
    %min3A = arith.constant 2 : i32
    %min3A_3 = arith.minsi %add3A, %min3A : i32
    %add3A_4 = arith.addi %mul3A_2, %min3A_3 : i32
    %lt3A = arith.constant 2 : i32
    %lt3A_5 = arith.cmpi slt, %add3A, %lt3A : i32
    %jit3A = arith.constant 1 : i32
    %jit3A_6 = arith.constant 0 : i32
    %select_n3A = arith.select %lt3A_5, %jit3A, %jit3A_6 : i32
    %add3A_7 = arith.constant 39 : i32
    %add3A_8 = arith.addi %add3A_7, %select_n3A : i32
    %lt3A_9 = arith.constant 0 : i32
    %lt3A_10 = arith.cmpi slt, %lt3A_9, %add3A_8 : i32
    %convert_element_type3A = arith.extui %lt3A_10 : i1 to i32
    %cond3A = arith.constant 0 : i32
    %cond3A_11 = arith.constant 0 : i32
    %cond3A_12 = arith.cmpi ne, %convert_element_type3A, %cond3A_11 : i32
    scf.if %cond3A_12 {
      %add3A_53 = arith.addi %add3A_4, %cond3A : i32
      %mul3A_54 = arith.constant 64 : i32
      %mul3A_55 = arith.muli %add3A_53, %mul3A_54 : i32
      %add3A_56 = arith.constant 80000 : i32
      %add3A_57 = arith.addi %add3A_56, %mul3A_55 : i32
      %multiple_of3A_58 = tpu.assume_multiple %add3A_57, 8 : i32
      %dma_start3A = tpu.memref_slice %arg5[%multiple_of3A_58] : memref<160000xi32, #tpu.memory_space<hbm>> -> memref<64xi32, #tpu.memory_space<hbm>>
      %dma_start3A_59 = tpu.memref_slice %arg5[%multiple_of3A_58] : memref<160000xi32, #tpu.memory_space<hbm>> -> memref<64xi32, #tpu.memory_space<hbm>>
      tpu.enqueue_dma source(%dma_start3A_59 : memref<64xi32, #tpu.memory_space<hbm>>) target(%arg8 : memref<64xi32, #tpu.memory_space<vmem>>) target_semaphore(%arg21 : memref<!tpu.dma_semaphore, #tpu.memory_space<semaphore_mem>>)
      %dma_start3A_60 = tpu.memref_slice %arg6[%multiple_of3A_58] : memref<160000xi32, #tpu.memory_space<hbm>> -> memref<64xi32, #tpu.memory_space<hbm>>
      %dma_start3A_61 = tpu.memref_slice %arg6[%multiple_of3A_58] : memref<160000xi32, #tpu.memory_space<hbm>> -> memref<64xi32, #tpu.memory_space<hbm>>
      tpu.enqueue_dma source(%dma_start3A_61 : memref<64xi32, #tpu.memory_space<hbm>>) target(%arg10 : memref<64xi32, #tpu.memory_space<vmem>>) target_semaphore(%arg21 : memref<!tpu.dma_semaphore, #tpu.memory_space<semaphore_mem>>)
    } else {
    }
    %lt3A_13 = arith.constant 1 : i32
    %lt3A_14 = arith.cmpi slt, %lt3A_13, %add3A_8 : i32
    %convert_element_type3A_15 = arith.extui %lt3A_14 : i1 to i32
    %cond3A_16 = arith.constant 1 : i32
    %cond3A_17 = arith.constant 0 : i32
    %cond3A_18 = arith.cmpi ne, %convert_element_type3A_15, %cond3A_17 : i32
    scf.if %cond3A_18 {
      %add3A_53 = arith.addi %add3A_4, %cond3A_16 : i32
      %mul3A_54 = arith.constant 64 : i32
      %mul3A_55 = arith.muli %add3A_53, %mul3A_54 : i32
      %add3A_56 = arith.constant 80000 : i32
      %add3A_57 = arith.addi %add3A_56, %mul3A_55 : i32
      %multiple_of3A_58 = tpu.assume_multiple %add3A_57, 8 : i32
      %dma_start3A = tpu.memref_slice %arg5[%multiple_of3A_58] : memref<160000xi32, #tpu.memory_space<hbm>> -> memref<64xi32, #tpu.memory_space<hbm>>
      %dma_start3A_59 = tpu.memref_slice %arg5[%multiple_of3A_58] : memref<160000xi32, #tpu.memory_space<hbm>> -> memref<64xi32, #tpu.memory_space<hbm>>
      tpu.enqueue_dma source(%dma_start3A_59 : memref<64xi32, #tpu.memory_space<hbm>>) target(%arg9 : memref<64xi32, #tpu.memory_space<vmem>>) target_semaphore(%arg22 : memref<!tpu.dma_semaphore, #tpu.memory_space<semaphore_mem>>)
      %dma_start3A_60 = tpu.memref_slice %arg6[%multiple_of3A_58] : memref<160000xi32, #tpu.memory_space<hbm>> -> memref<64xi32, #tpu.memory_space<hbm>>
      %dma_start3A_61 = tpu.memref_slice %arg6[%multiple_of3A_58] : memref<160000xi32, #tpu.memory_space<hbm>> -> memref<64xi32, #tpu.memory_space<hbm>>
      tpu.enqueue_dma source(%dma_start3A_61 : memref<64xi32, #tpu.memory_space<hbm>>) target(%arg11 : memref<64xi32, #tpu.memory_space<vmem>>) target_semaphore(%arg22 : memref<!tpu.dma_semaphore, #tpu.memory_space<semaphore_mem>>)
    } else {
    }
    %mul3A_19 = arith.constant 624 : i32
    %mul3A_20 = arith.muli %arg1, %mul3A_19 : i32
    %multiple_of3A = tpu.assume_multiple %mul3A_20, 8 : i32
    "tpu.region"() ({
      %run_scoped3A = tpu.sem_alloc : memref<!tpu.dma_semaphore, #tpu.memory_space<semaphore_mem>>
      %dma_start3A = arith.constant 0 : i32
      %dma_start3A_53 = tpu.memref_slice %arg20[%multiple_of3A, %dma_start3A] : memref<10000x128xf32, #tpu.memory_space<vmem_shared>> -> memref<624x128xf32, #tpu.memory_space<vmem_shared>>
      %dma_start3A_54 = arith.constant 0 : i32
      %dma_start3A_55 = arith.constant 0 : i32
      %dma_start3A_56 = tpu.memref_slice %arg4[%arg0, %dma_start3A_54, %dma_start3A_55] : memref<2x10000x128xf32, #tpu.memory_space<hbm>> -> memref<1x10000x128xf32, #tpu.memory_space<hbm>>
      %dma_start3A_57 = tpu.memref_squeeze %dma_start3A_56 : memref<1x10000x128xf32, #tpu.memory_space<hbm>> -> memref<10000x128xf32, #tpu.memory_space<hbm>>
      %dma_start3A_58 = arith.constant 0 : i32
      %dma_start3A_59 = tpu.memref_slice %dma_start3A_57[%multiple_of3A, %dma_start3A_58] : memref<10000x128xf32, #tpu.memory_space<hbm>> -> memref<624x128xf32, #tpu.memory_space<hbm>>
      tpu.enqueue_dma source(%dma_start3A_59 : memref<624x128xf32, #tpu.memory_space<hbm>>) target(%dma_start3A_53 : memref<624x128xf32, #tpu.memory_space<vmem_shared>>) target_semaphore(%run_scoped3A : memref<!tpu.dma_semaphore, #tpu.memory_space<semaphore_mem>>)
      %dma_wait3A_60 = arith.constant 0 : i32
      %dma_wait3A_61 = tpu.memref_slice %arg20[%multiple_of3A, %dma_wait3A_60] : memref<10000x128xf32, #tpu.memory_space<vmem_shared>> -> memref<624x128xf32, #tpu.memory_space<vmem_shared>>
      %dma_wait3A_62 = arith.constant 0 : i32
      %dma_wait3A_63 = arith.constant 0 : i32
      %dma_wait3A_64 = tpu.memref_slice %arg4[%arg0, %dma_wait3A_62, %dma_wait3A_63] : memref<2x10000x128xf32, #tpu.memory_space<hbm>> -> memref<1x10000x128xf32, #tpu.memory_space<hbm>>
      %dma_wait3A_65 = tpu.memref_squeeze %dma_wait3A_64 : memref<1x10000x128xf32, #tpu.memory_space<hbm>> -> memref<10000x128xf32, #tpu.memory_space<hbm>>
      %dma_wait3A_66 = arith.constant 0 : i32
      %dma_wait3A_67 = tpu.memref_slice %dma_wait3A_65[%multiple_of3A, %dma_wait3A_66] : memref<10000x128xf32, #tpu.memory_space<hbm>> -> memref<624x128xf32, #tpu.memory_space<hbm>>
      tpu.wait_dma2 semaphore(%run_scoped3A : memref<!tpu.dma_semaphore, #tpu.memory_space<semaphore_mem>>) src(%dma_wait3A_67 : memref<624x128xf32, #tpu.memory_space<hbm>>) dst(%dma_wait3A_61 : memref<624x128xf32, #tpu.memory_space<vmem_shared>>)
      tpu.yield
    }) : () -> ()
    %eq3A = arith.constant 15 : i32
    %eq3A_21 = arith.cmpi eq, %arg1, %eq3A : i32
    %convert_element_type3A_22 = arith.extui %eq3A_21 : i1 to i32
    %cond3A_23 = arith.constant 0 : i32
    %cond3A_24 = arith.cmpi ne, %convert_element_type3A_22, %cond3A_23 : i32
    scf.if %cond3A_24 {
      "tpu.region"() ({
        %run_scoped3A = tpu.sem_alloc : memref<!tpu.dma_semaphore, #tpu.memory_space<semaphore_mem>>
        %dma_start3A = arith.constant 9984 : i32
        %dma_start3A_53 = arith.constant 0 : i32
        %dma_start3A_54 = tpu.memref_slice %arg20[%dma_start3A, %dma_start3A_53] : memref<10000x128xf32, #tpu.memory_space<vmem_shared>> -> memref<16x128xf32, #tpu.memory_space<vmem_shared>>
        %dma_start3A_55 = arith.constant 0 : i32
        %dma_start3A_56 = arith.constant 0 : i32
        %dma_start3A_57 = tpu.memref_slice %arg4[%arg0, %dma_start3A_55, %dma_start3A_56] : memref<2x10000x128xf32, #tpu.memory_space<hbm>> -> memref<1x10000x128xf32, #tpu.memory_space<hbm>>
        %dma_start3A_58 = tpu.memref_squeeze %dma_start3A_57 : memref<1x10000x128xf32, #tpu.memory_space<hbm>> -> memref<10000x128xf32, #tpu.memory_space<hbm>>
        %dma_start3A_59 = arith.constant 9984 : i32
        %dma_start3A_60 = arith.constant 0 : i32
        %dma_start3A_61 = tpu.memref_slice %dma_start3A_58[%dma_start3A_59, %dma_start3A_60] : memref<10000x128xf32, #tpu.memory_space<hbm>> -> memref<16x128xf32, #tpu.memory_space<hbm>>
        tpu.enqueue_dma source(%dma_start3A_61 : memref<16x128xf32, #tpu.memory_space<hbm>>) target(%dma_start3A_54 : memref<16x128xf32, #tpu.memory_space<vmem_shared>>) target_semaphore(%run_scoped3A : memref<!tpu.dma_semaphore, #tpu.memory_space<semaphore_mem>>)
        %dma_wait3A_62 = arith.constant 9984 : i32
        %dma_wait3A_63 = arith.constant 0 : i32
        %dma_wait3A_64 = tpu.memref_slice %arg20[%dma_wait3A_62, %dma_wait3A_63] : memref<10000x128xf32, #tpu.memory_space<vmem_shared>> -> memref<16x128xf32, #tpu.memory_space<vmem_shared>>
        %dma_wait3A_65 = arith.constant 0 : i32
        %dma_wait3A_66 = arith.constant 0 : i32
        %dma_wait3A_67 = tpu.memref_slice %arg4[%arg0, %dma_wait3A_65, %dma_wait3A_66] : memref<2x10000x128xf32, #tpu.memory_space<hbm>> -> memref<1x10000x128xf32, #tpu.memory_space<hbm>>
        %dma_wait3A_68 = tpu.memref_squeeze %dma_wait3A_67 : memref<1x10000x128xf32, #tpu.memory_space<hbm>> -> memref<10000x128xf32, #tpu.memory_space<hbm>>
        %dma_wait3A_69 = arith.constant 9984 : i32
        %dma_wait3A_70 = arith.constant 0 : i32
        %dma_wait3A_71 = tpu.memref_slice %dma_wait3A_68[%dma_wait3A_69, %dma_wait3A_70] : memref<10000x128xf32, #tpu.memory_space<hbm>> -> memref<16x128xf32, #tpu.memory_space<hbm>>
        tpu.wait_dma2 semaphore(%run_scoped3A : memref<!tpu.dma_semaphore, #tpu.memory_space<semaphore_mem>>) src(%dma_wait3A_71 : memref<16x128xf32, #tpu.memory_space<hbm>>) dst(%dma_wait3A_64 : memref<16x128xf32, #tpu.memory_space<vmem_shared>>)
        tpu.yield
      }) : () -> ()
    } else {
    }
    %barrier3A = arith.constant 0 : index
    tpu.barrier barrier_id(%barrier3A)
    %lt3A_25 = arith.constant 0 : i32
    %lt3A_26 = arith.cmpi slt, %lt3A_25, %add3A_8 : i32
    %convert_element_type3A_27 = arith.extui %lt3A_26 : i1 to i32
    %cond3A_28 = arith.constant 0 : i32
    %cond3A_29 = arith.cmpi ne, %convert_element_type3A_27, %cond3A_28 : i32
    scf.if %cond3A_29 {
      %dma_wait3A_53 = arith.constant 0 : i32
      %dma_wait3A_54 = tpu.memref_slice %arg5[%dma_wait3A_53] : memref<160000xi32, #tpu.memory_space<hbm>> -> memref<64xi32, #tpu.memory_space<hbm>>
      %dma_wait3A_55 = arith.constant 0 : i32
      %dma_wait3A_56 = tpu.memref_slice %arg5[%dma_wait3A_55] : memref<160000xi32, #tpu.memory_space<hbm>> -> memref<64xi32, #tpu.memory_space<hbm>>
      tpu.wait_dma2 semaphore(%arg21 : memref<!tpu.dma_semaphore, #tpu.memory_space<semaphore_mem>>) src(%dma_wait3A_56 : memref<64xi32, #tpu.memory_space<hbm>>) dst(%arg8 : memref<64xi32, #tpu.memory_space<vmem>>)
      %dma_wait3A_57 = arith.constant 0 : i32
      %dma_wait3A_58 = tpu.memref_slice %arg5[%dma_wait3A_57] : memref<160000xi32, #tpu.memory_space<hbm>> -> memref<64xi32, #tpu.memory_space<hbm>>
      %dma_wait3A_59 = arith.constant 0 : i32
      %dma_wait3A_60 = tpu.memref_slice %arg5[%dma_wait3A_59] : memref<160000xi32, #tpu.memory_space<hbm>> -> memref<64xi32, #tpu.memory_space<hbm>>
      tpu.wait_dma2 semaphore(%arg21 : memref<!tpu.dma_semaphore, #tpu.memory_space<semaphore_mem>>) src(%dma_wait3A_60 : memref<64xi32, #tpu.memory_space<hbm>>) dst(%arg8 : memref<64xi32, #tpu.memory_space<vmem>>)
    } else {
    }
    %lt3A_30 = arith.constant 0 : i32
    %lt3A_31 = arith.cmpi slt, %lt3A_30, %add3A_8 : i32
    %convert_element_type3A_32 = arith.extui %lt3A_31 : i1 to i32
    %cond3A_33 = arith.constant 0 : i32
    %cond3A_34 = arith.constant 0 : i32
    %cond3A_35 = arith.cmpi ne, %convert_element_type3A_32, %cond3A_34 : i32
    scf.if %cond3A_35 {
      %add3A_53 = arith.addi %add3A_4, %cond3A_33 : i32
      %mul3A_54 = arith.constant 64 : i32
      %mul3A_55 = arith.muli %add3A_53, %mul3A_54 : i32
      %multiple_of3A_56 = tpu.assume_multiple %mul3A_55, 8 : i32
      %dma_start3A = arith.constant 0 : i32
      %dma_start3A_57 = arith.constant 0 : i32
      %dma_start3A_58 = tpu.memref_slice %arg2[%dma_start3A, %dma_start3A_57] : memref<10000x128xf32, #tpu.memory_space<hbm>> -> memref<10000x128xf32, #tpu.memory_space<hbm>>
      tpu.enqueue_indirect_dma source(%dma_start3A_58 : memref<10000x128xf32, #tpu.memory_space<hbm>>) target(%arg14 : memref<64x128xf32, #tpu.memory_space<vmem>>) offsets(%arg8 : memref<64xi32, #tpu.memory_space<vmem>>) semaphore(%arg23 : memref<!tpu.dma_semaphore, #tpu.memory_space<semaphore_mem>>)
      %dma_start3A_59 = arith.constant 0 : i32
      %dma_start3A_60 = tpu.memref_slice %arg3[%multiple_of3A_56, %dma_start3A_59] : memref<80000x128xf32, #tpu.memory_space<hbm>> -> memref<64x128xf32, #tpu.memory_space<hbm>>
      %dma_start3A_61 = arith.constant 0 : i32
      %dma_start3A_62 = tpu.memref_slice %arg3[%multiple_of3A_56, %dma_start3A_61] : memref<80000x128xf32, #tpu.memory_space<hbm>> -> memref<64x128xf32, #tpu.memory_space<hbm>>
      tpu.enqueue_dma source(%dma_start3A_62 : memref<64x128xf32, #tpu.memory_space<hbm>>) target(%arg16 : memref<64x128xf32, #tpu.memory_space<vmem>>) target_semaphore(%arg25 : memref<!tpu.dma_semaphore, #tpu.memory_space<semaphore_mem>>)
    } else {
    }
    %scan3A = arith.constant 0 : i32
    %scan3A_36 = arith.constant 0 : i32
    %scan3A_37 = arith.constant 20 : i32
    %scan3A_38 = arith.addi %scan3A_36, %scan3A_37 : i32
    %scan3A_39 = arith.constant 1 : i32
    %scan3A_40 = scf.for %scan3A_53 = %scan3A_36 to %scan3A_38 step %scan3A_39 iter_args(%scan3A_54 = %scan3A) -> (i32)  : i32 {
      %mul3A_55 = arith.constant 2 : i32
      %mul3A_56 = arith.muli %mul3A_55, %scan3A_53 : i32
      %lt3A_57 = arith.cmpi slt, %mul3A_56, %add3A_8 : i32
      %convert_element_type3A_58 = arith.extui %lt3A_57 : i1 to i32
      %cond3A_59 = arith.constant 0 : i32
      %cond3A_60 = arith.cmpi ne, %convert_element_type3A_58, %cond3A_59 : i32
      scf.if %cond3A_60 {
        %ge3A = arith.constant 2 : i32
        %ge3A_70 = arith.cmpi sge, %mul3A_56, %ge3A : i32
        %convert_element_type3A_71 = arith.extui %ge3A_70 : i1 to i32
        %cond3A_72 = arith.constant 0 : i32
        %cond3A_73 = arith.cmpi ne, %convert_element_type3A_71, %cond3A_72 : i32
        scf.if %cond3A_73 {
          %dma_wait3A_131 = arith.constant 0 : i32
          %dma_wait3A_132 = arith.constant 0 : i32
          %dma_wait3A_133 = tpu.memref_slice %arg20[%dma_wait3A_131, %dma_wait3A_132] : memref<10000x128xf32, #tpu.memory_space<vmem_shared>> -> memref<10000x128xf32, #tpu.memory_space<vmem_shared>>
          tpu.wait_indirect_dma semaphore(%arg27 : memref<!tpu.dma_semaphore, #tpu.memory_space<semaphore_mem>>) src(%arg18 : memref<64x128xf32, #tpu.memory_space<vmem>>) dst(%dma_wait3A_133 : memref<10000x128xf32, #tpu.memory_space<vmem_shared>>)
        } else {
        }
        %dma_wait3A_74 = arith.constant 0 : i32
        %dma_wait3A_75 = arith.constant 0 : i32
        %dma_wait3A_76 = tpu.memref_slice %arg2[%dma_wait3A_74, %dma_wait3A_75] : memref<10000x128xf32, #tpu.memory_space<hbm>> -> memref<10000x128xf32, #tpu.memory_space<hbm>>
        tpu.wait_indirect_dma semaphore(%arg23 : memref<!tpu.dma_semaphore, #tpu.memory_space<semaphore_mem>>) src(%dma_wait3A_76 : memref<10000x128xf32, #tpu.memory_space<hbm>>) dst(%arg14 : memref<64x128xf32, #tpu.memory_space<vmem>>)
        %dma_wait3A_77 = arith.constant 0 : i32
        %dma_wait3A_78 = arith.constant 0 : i32
        %dma_wait3A_79 = tpu.memref_slice %arg3[%dma_wait3A_77, %dma_wait3A_78] : memref<80000x128xf32, #tpu.memory_space<hbm>> -> memref<64x128xf32, #tpu.memory_space<hbm>>
        %dma_wait3A_80 = arith.constant 0 : i32
        %dma_wait3A_81 = arith.constant 0 : i32
        %dma_wait3A_82 = tpu.memref_slice %arg3[%dma_wait3A_80, %dma_wait3A_81] : memref<80000x128xf32, #tpu.memory_space<hbm>> -> memref<64x128xf32, #tpu.memory_space<hbm>>
        tpu.wait_dma2 semaphore(%arg25 : memref<!tpu.dma_semaphore, #tpu.memory_space<semaphore_mem>>) src(%dma_wait3A_82 : memref<64x128xf32, #tpu.memory_space<hbm>>) dst(%arg16 : memref<64x128xf32, #tpu.memory_space<vmem>>)
        %get3A = arith.constant 0 : index
        %get3A_83 = tpu.vector_load %arg10[%get3A] {strides = array<i32>} : memref<64xi32, #tpu.memory_space<vmem>>, vector<16xi32>,
        %get3A_84 = vector.shape_cast %get3A_83 : vector<16xi32> to vector<16xi32>
        %swap3A = arith.constant 0 : index
        %swap3A_85 = tpu.vector_load %arg12[%swap3A] {strides = array<i32>} : memref<64xi32, #tpu.memory_space<vmem>>, vector<16xi32>,
        %swap3A_86 = vector.shape_cast %swap3A_85 : vector<16xi32> to vector<16xi32>
        %swap3A_87 = vector.shape_cast %get3A_84 : vector<16xi32> to vector<16xi32>
        tpu.vector_store %arg12[%swap3A], %swap3A_87 {strides = array<i32>} : memref<64xi32, #tpu.memory_space<vmem>>, vector<16xi32>,
        %get3A_88 = arith.constant 16 : index
        %get3A_89 = tpu.vector_load %arg10[%get3A_88] {strides = array<i32>} : memref<64xi32, #tpu.memory_space<vmem>>, vector<16xi32>,
        %get3A_90 = vector.shape_cast %get3A_89 : vector<16xi32> to vector<16xi32>
        %swap3A_91 = arith.constant 16 : index
        %swap3A_92 = tpu.vector_load %arg12[%swap3A_91] {strides = array<i32>} : memref<64xi32, #tpu.memory_space<vmem>>, vector<16xi32>,
        %swap3A_93 = vector.shape_cast %swap3A_92 : vector<16xi32> to vector<16xi32>
        %swap3A_94 = vector.shape_cast %get3A_90 : vector<16xi32> to vector<16xi32>
        tpu.vector_store %arg12[%swap3A_91], %swap3A_94 {strides = array<i32>} : memref<64xi32, #tpu.memory_space<vmem>>, vector<16xi32>,
        %get3A_95 = arith.constant 32 : index
        %get3A_96 = tpu.vector_load %arg10[%get3A_95] {strides = array<i32>} : memref<64xi32, #tpu.memory_space<vmem>>, vector<16xi32>,
        %get3A_97 = vector.shape_cast %get3A_96 : vector<16xi32> to vector<16xi32>
        %swap3A_98 = arith.constant 32 : index
        %swap3A_99 = tpu.vector_load %arg12[%swap3A_98] {strides = array<i32>} : memref<64xi32, #tpu.memory_space<vmem>>, vector<16xi32>,
        %swap3A_100 = vector.shape_cast %swap3A_99 : vector<16xi32> to vector<16xi32>
        %swap3A_101 = vector.shape_cast %get3A_97 : vector<16xi32> to vector<16xi32>
        tpu.vector_store %arg12[%swap3A_98], %swap3A_101 {strides = array<i32>} : memref<64xi32, #tpu.memory_space<vmem>>, vector<16xi32>,
        %get3A_102 = arith.constant 48 : index
        %get3A_103 = tpu.vector_load %arg10[%get3A_102] {strides = array<i32>} : memref<64xi32, #tpu.memory_space<vmem>>, vector<16xi32>,
        %get3A_104 = vector.shape_cast %get3A_103 : vector<16xi32> to vector<16xi32>
        %swap3A_105 = arith.constant 48 : index
        %swap3A_106 = tpu.vector_load %arg12[%swap3A_105] {strides = array<i32>} : memref<64xi32, #tpu.memory_space<vmem>>, vector<16xi32>,
        %swap3A_107 = vector.shape_cast %swap3A_106 : vector<16xi32> to vector<16xi32>
        %swap3A_108 = vector.shape_cast %get3A_104 : vector<16xi32> to vector<16xi32>
        tpu.vector_store %arg12[%swap3A_105], %swap3A_108 {strides = array<i32>} : memref<64xi32, #tpu.memory_space<vmem>>, vector<16xi32>,
        %add3A_109 = arith.constant 1 : i32
        %add3A_110 = arith.addi %mul3A_56, %add3A_109 : i32
        %lt3A_111 = arith.cmpi slt, %add3A_110, %add3A_8 : i32
        %convert_element_type3A_112 = arith.extui %lt3A_111 : i1 to i32
        %cond3A_113 = arith.constant 0 : i32
        %cond3A_114 = arith.cmpi ne, %convert_element_type3A_112, %cond3A_113 : i32
        scf.if %cond3A_114 {
          %dma_wait3A_131 = arith.constant 0 : i32
          %dma_wait3A_132 = tpu.memref_slice %arg5[%dma_wait3A_131] : memref<160000xi32, #tpu.memory_space<hbm>> -> memref<64xi32, #tpu.memory_space<hbm>>
          %dma_wait3A_133 = arith.constant 0 : i32
          %dma_wait3A_134 = tpu.memref_slice %arg5[%dma_wait3A_133] : memref<160000xi32, #tpu.memory_space<hbm>> -> memref<64xi32, #tpu.memory_space<hbm>>
          tpu.wait_dma2 semaphore(%arg22 : memref<!tpu.dma_semaphore, #tpu.memory_space<semaphore_mem>>) src(%dma_wait3A_134 : memref<64xi32, #tpu.memory_space<hbm>>) dst(%arg9 : memref<64xi32, #tpu.memory_space<vmem>>)
          %dma_wait3A_135 = arith.constant 0 : i32
          %dma_wait3A_136 = tpu.memref_slice %arg5[%dma_wait3A_135] : memref<160000xi32, #tpu.memory_space<hbm>> -> memref<64xi32, #tpu.memory_space<hbm>>
          %dma_wait3A_137 = arith.constant 0 : i32
          %dma_wait3A_138 = tpu.memref_slice %arg5[%dma_wait3A_137] : memref<160000xi32, #tpu.memory_space<hbm>> -> memref<64xi32, #tpu.memory_space<hbm>>
          tpu.wait_dma2 semaphore(%arg22 : memref<!tpu.dma_semaphore, #tpu.memory_space<semaphore_mem>>) src(%dma_wait3A_138 : memref<64xi32, #tpu.memory_space<hbm>>) dst(%arg9 : memref<64xi32, #tpu.memory_space<vmem>>)
        } else {
        }
        %add3A_115 = arith.constant 1 : i32
        %add3A_116 = arith.addi %mul3A_56, %add3A_115 : i32
        %lt3A_117 = arith.cmpi slt, %add3A_116, %add3A_8 : i32
        %convert_element_type3A_118 = arith.extui %lt3A_117 : i1 to i32
        %cond3A_119 = arith.constant 0 : i32
        %cond3A_120 = arith.cmpi ne, %convert_element_type3A_118, %cond3A_119 : i32
        scf.if %cond3A_120 {
          %add3A_131 = arith.addi %add3A_4, %add3A_116 : i32
          %mul3A_132 = arith.constant 64 : i32
          %mul3A_133 = arith.muli %add3A_131, %mul3A_132 : i32
          %multiple_of3A_134 = tpu.assume_multiple %mul3A_133, 8 : i32
          %dma_start3A_135 = arith.constant 0 : i32
          %dma_start3A_136 = arith.constant 0 : i32
          %dma_start3A_137 = tpu.memref_slice %arg2[%dma_start3A_135, %dma_start3A_136] : memref<10000x128xf32, #tpu.memory_space<hbm>> -> memref<10000x128xf32, #tpu.memory_space<hbm>>
          tpu.enqueue_indirect_dma source(%dma_start3A_137 : memref<10000x128xf32, #tpu.memory_space<hbm>>) target(%arg15 : memref<64x128xf32, #tpu.memory_space<vmem>>) offsets(%arg9 : memref<64xi32, #tpu.memory_space<vmem>>) semaphore(%arg24 : memref<!tpu.dma_semaphore, #tpu.memory_space<semaphore_mem>>)
          %dma_start3A_138 = arith.constant 0 : i32
          %dma_start3A_139 = tpu.memref_slice %arg3[%multiple_of3A_134, %dma_start3A_138] : memref<80000x128xf32, #tpu.memory_space<hbm>> -> memref<64x128xf32, #tpu.memory_space<hbm>>
          %dma_start3A_140 = arith.constant 0 : i32
          %dma_start3A_141 = tpu.memref_slice %arg3[%multiple_of3A_134, %dma_start3A_140] : memref<80000x128xf32, #tpu.memory_space<hbm>> -> memref<64x128xf32, #tpu.memory_space<hbm>>
          tpu.enqueue_dma source(%dma_start3A_141 : memref<64x128xf32, #tpu.memory_space<hbm>>) target(%arg17 : memref<64x128xf32, #tpu.memory_space<vmem>>) target_semaphore(%arg26 : memref<!tpu.dma_semaphore, #tpu.memory_space<semaphore_mem>>)
        } else {
        }
        %add3A_121 = arith.constant 2 : i32
        %add3A_122 = arith.addi %mul3A_56, %add3A_121 : i32
        %lt3A_123 = arith.cmpi slt, %add3A_122, %add3A_8 : i32
        %convert_element_type3A_124 = arith.extui %lt3A_123 : i1 to i32
        %cond3A_125 = arith.constant 0 : i32
        %cond3A_126 = arith.cmpi ne, %convert_element_type3A_124, %cond3A_125 : i32
        scf.if %cond3A_126 {
          %add3A_131 = arith.addi %add3A_4, %add3A_122 : i32
          %mul3A_132 = arith.constant 64 : i32
          %mul3A_133 = arith.muli %add3A_131, %mul3A_132 : i32
          %add3A_134 = arith.constant 80000 : i32
          %add3A_135 = arith.addi %add3A_134, %mul3A_133 : i32
          %multiple_of3A_136 = tpu.assume_multiple %add3A_135, 8 : i32
          %dma_start3A_137 = tpu.memref_slice %arg5[%multiple_of3A_136] : memref<160000xi32, #tpu.memory_space<hbm>> -> memref<64xi32, #tpu.memory_space<hbm>>
          %dma_start3A_138 = tpu.memref_slice %arg5[%multiple_of3A_136] : memref<160000xi32, #tpu.memory_space<hbm>> -> memref<64xi32, #tpu.memory_space<hbm>>
          tpu.enqueue_dma source(%dma_start3A_138 : memref<64xi32, #tpu.memory_space<hbm>>) target(%arg8 : memref<64xi32, #tpu.memory_space<vmem>>) target_semaphore(%arg21 : memref<!tpu.dma_semaphore, #tpu.memory_space<semaphore_mem>>)
          %dma_start3A_139 = tpu.memref_slice %arg6[%multiple_of3A_136] : memref<160000xi32, #tpu.memory_space<hbm>> -> memref<64xi32, #tpu.memory_space<hbm>>
          %dma_start3A_140 = tpu.memref_slice %arg6[%multiple_of3A_136] : memref<160000xi32, #tpu.memory_space<hbm>> -> memref<64xi32, #tpu.memory_space<hbm>>
          tpu.enqueue_dma source(%dma_start3A_140 : memref<64xi32, #tpu.memory_space<hbm>>) target(%arg10 : memref<64xi32, #tpu.memory_space<vmem>>) target_semaphore(%arg21 : memref<!tpu.dma_semaphore, #tpu.memory_space<semaphore_mem>>)
        } else {
        }
        %parallel_loop3A = arith.constant 0 : i32
        %parallel_loop3A_127 = arith.constant 64 : i32
        %parallel_loop3A_128 = arith.constant 1 : i32
        scf.for %parallel_loop3A_131 = %parallel_loop3A to %parallel_loop3A_127 step %parallel_loop3A_128  : i32 {
          %parallel_loop3A_132 = arith.index_cast %parallel_loop3A_131 : i32 to index
          %parallel_loop3A_133 = arith.constant 0 : index
          %parallel_loop3A_134 = tpu.vector_load %arg14[%parallel_loop3A_132, %parallel_loop3A_133] {strides = array<i32>} : memref<64x128xf32, #tpu.memory_space<vmem>>, vector<1x16xf32>,
          %parallel_loop3A_135 = vector.shape_cast %parallel_loop3A_134 : vector<1x16xf32> to vector<16xf32>
          %parallel_loop3A_136 = arith.index_cast %parallel_loop3A_131 : i32 to index
          %parallel_loop3A_137 = arith.constant 0 : index
          %parallel_loop3A_138 = tpu.vector_load %arg16[%parallel_loop3A_136, %parallel_loop3A_137] {strides = array<i32>} : memref<64x128xf32, #tpu.memory_space<vmem>>, vector<1x16xf32>,
          %parallel_loop3A_139 = vector.shape_cast %parallel_loop3A_138 : vector<1x16xf32> to vector<16xf32>
          %parallel_loop3A_140 = arith.mulf %parallel_loop3A_135, %parallel_loop3A_139 : vector<16xf32>
          %parallel_loop3A_141 = arith.index_cast %parallel_loop3A_131 : i32 to index
          %parallel_loop3A_142 = arith.constant 0 : index
          %parallel_loop3A_143 = tpu.vector_load %arg18[%parallel_loop3A_141, %parallel_loop3A_142] {strides = array<i32>} : memref<64x128xf32, #tpu.memory_space<vmem>>, vector<1x16xf32>,
          %parallel_loop3A_144 = vector.shape_cast %parallel_loop3A_143 : vector<1x16xf32> to vector<16xf32>
          %parallel_loop3A_145 = vector.shape_cast %parallel_loop3A_140 : vector<16xf32> to vector<1x16xf32>
          tpu.vector_store %arg18[%parallel_loop3A_141, %parallel_loop3A_142], %parallel_loop3A_145 {strides = array<i32>} : memref<64x128xf32, #tpu.memory_space<vmem>>, vector<1x16xf32>,
          %parallel_loop3A_146 = arith.index_cast %parallel_loop3A_131 : i32 to index
          %parallel_loop3A_147 = arith.constant 16 : index
          %parallel_loop3A_148 = tpu.vector_load %arg14[%parallel_loop3A_146, %parallel_loop3A_147] {strides = array<i32>} : memref<64x128xf32, #tpu.memory_space<vmem>>, vector<1x16xf32>,
          %parallel_loop3A_149 = vector.shape_cast %parallel_loop3A_148 : vector<1x16xf32> to vector<16xf32>
          %parallel_loop3A_150 = arith.index_cast %parallel_loop3A_131 : i32 to index
          %parallel_loop3A_151 = arith.constant 16 : index
          %parallel_loop3A_152 = tpu.vector_load %arg16[%parallel_loop3A_150, %parallel_loop3A_151] {strides = array<i32>} : memref<64x128xf32, #tpu.memory_space<vmem>>, vector<1x16xf32>,
          %parallel_loop3A_153 = vector.shape_cast %parallel_loop3A_152 : vector<1x16xf32> to vector<16xf32>
          %parallel_loop3A_154 = arith.mulf %parallel_loop3A_149, %parallel_loop3A_153 : vector<16xf32>
          %parallel_loop3A_155 = arith.index_cast %parallel_loop3A_131 : i32 to index
          %parallel_loop3A_156 = arith.constant 16 : index
          %parallel_loop3A_157 = tpu.vector_load %arg18[%parallel_loop3A_155, %parallel_loop3A_156] {strides = array<i32>} : memref<64x128xf32, #tpu.memory_space<vmem>>, vector<1x16xf32>,
          %parallel_loop3A_158 = vector.shape_cast %parallel_loop3A_157 : vector<1x16xf32> to vector<16xf32>
          %parallel_loop3A_159 = vector.shape_cast %parallel_loop3A_154 : vector<16xf32> to vector<1x16xf32>
          tpu.vector_store %arg18[%parallel_loop3A_155, %parallel_loop3A_156], %parallel_loop3A_159 {strides = array<i32>} : memref<64x128xf32, #tpu.memory_space<vmem>>, vector<1x16xf32>,
          %parallel_loop3A_160 = arith.index_cast %parallel_loop3A_131 : i32 to index
          %parallel_loop3A_161 = arith.constant 32 : index
          %parallel_loop3A_162 = tpu.vector_load %arg14[%parallel_loop3A_160, %parallel_loop3A_161] {strides = array<i32>} : memref<64x128xf32, #tpu.memory_space<vmem>>, vector<1x16xf32>,
          %parallel_loop3A_163 = vector.shape_cast %parallel_loop3A_162 : vector<1x16xf32> to vector<16xf32>
          %parallel_loop3A_164 = arith.index_cast %parallel_loop3A_131 : i32 to index
          %parallel_loop3A_165 = arith.constant 32 : index
          %parallel_loop3A_166 = tpu.vector_load %arg16[%parallel_loop3A_164, %parallel_loop3A_165] {strides = array<i32>} : memref<64x128xf32, #tpu.memory_space<vmem>>, vector<1x16xf32>,
          %parallel_loop3A_167 = vector.shape_cast %parallel_loop3A_166 : vector<1x16xf32> to vector<16xf32>
          %parallel_loop3A_168 = arith.mulf %parallel_loop3A_163, %parallel_loop3A_167 : vector<16xf32>
          %parallel_loop3A_169 = arith.index_cast %parallel_loop3A_131 : i32 to index
          %parallel_loop3A_170 = arith.constant 32 : index
          %parallel_loop3A_171 = tpu.vector_load %arg18[%parallel_loop3A_169, %parallel_loop3A_170] {strides = array<i32>} : memref<64x128xf32, #tpu.memory_space<vmem>>, vector<1x16xf32>,
          %parallel_loop3A_172 = vector.shape_cast %parallel_loop3A_171 : vector<1x16xf32> to vector<16xf32>
          %parallel_loop3A_173 = vector.shape_cast %parallel_loop3A_168 : vector<16xf32> to vector<1x16xf32>
          tpu.vector_store %arg18[%parallel_loop3A_169, %parallel_loop3A_170], %parallel_loop3A_173 {strides = array<i32>} : memref<64x128xf32, #tpu.memory_space<vmem>>, vector<1x16xf32>,
          %parallel_loop3A_174 = arith.index_cast %parallel_loop3A_131 : i32 to index
          %parallel_loop3A_175 = arith.constant 48 : index
          %parallel_loop3A_176 = tpu.vector_load %arg14[%parallel_loop3A_174, %parallel_loop3A_175] {strides = array<i32>} : memref<64x128xf32, #tpu.memory_space<vmem>>, vector<1x16xf32>,
          %parallel_loop3A_177 = vector.shape_cast %parallel_loop3A_176 : vector<1x16xf32> to vector<16xf32>
          %parallel_loop3A_178 = arith.index_cast %parallel_loop3A_131 : i32 to index
          %parallel_loop3A_179 = arith.constant 48 : index
          %parallel_loop3A_180 = tpu.vector_load %arg16[%parallel_loop3A_178, %parallel_loop3A_179] {strides = array<i32>} : memref<64x128xf32, #tpu.memory_space<vmem>>, vector<1x16xf32>,
          %parallel_loop3A_181 = vector.shape_cast %parallel_loop3A_180 : vector<1x16xf32> to vector<16xf32>
          %parallel_loop3A_182 = arith.mulf %parallel_loop3A_177, %parallel_loop3A_181 : vector<16xf32>
          %parallel_loop3A_183 = arith.index_cast %parallel_loop3A_131 : i32 to index
          %parallel_loop3A_184 = arith.constant 48 : index
          %parallel_loop3A_185 = tpu.vector_load %arg18[%parallel_loop3A_183, %parallel_loop3A_184] {strides = array<i32>} : memref<64x128xf32, #tpu.memory_space<vmem>>, vector<1x16xf32>,
          %parallel_loop3A_186 = vector.shape_cast %parallel_loop3A_185 : vector<1x16xf32> to vector<16xf32>
          %parallel_loop3A_187 = vector.shape_cast %parallel_loop3A_182 : vector<16xf32> to vector<1x16xf32>
          tpu.vector_store %arg18[%parallel_loop3A_183, %parallel_loop3A_184], %parallel_loop3A_187 {strides = array<i32>} : memref<64x128xf32, #tpu.memory_space<vmem>>, vector<1x16xf32>,
          %parallel_loop3A_188 = arith.index_cast %parallel_loop3A_131 : i32 to index
          %parallel_loop3A_189 = arith.constant 64 : index
          %parallel_loop3A_190 = tpu.vector_load %arg14[%parallel_loop3A_188, %parallel_loop3A_189] {strides = array<i32>} : memref<64x128xf32, #tpu.memory_space<vmem>>, vector<1x16xf32>,
          %parallel_loop3A_191 = vector.shape_cast %parallel_loop3A_190 : vector<1x16xf32> to vector<16xf32>
          %parallel_loop3A_192 = arith.index_cast %parallel_loop3A_131 : i32 to index
          %parallel_loop3A_193 = arith.constant 64 : index
          %parallel_loop3A_194 = tpu.vector_load %arg16[%parallel_loop3A_192, %parallel_loop3A_193] {strides = array<i32>} : memref<64x128xf32, #tpu.memory_space<vmem>>, vector<1x16xf32>,
          %parallel_loop3A_195 = vector.shape_cast %parallel_loop3A_194 : vector<1x16xf32> to vector<16xf32>
          %parallel_loop3A_196 = arith.mulf %parallel_loop3A_191, %parallel_loop3A_195 : vector<16xf32>
          %parallel_loop3A_197 = arith.index_cast %parallel_loop3A_131 : i32 to index
          %parallel_loop3A_198 = arith.constant 64 : index
          %parallel_loop3A_199 = tpu.vector_load %arg18[%parallel_loop3A_197, %parallel_loop3A_198] {strides = array<i32>} : memref<64x128xf32, #tpu.memory_space<vmem>>, vector<1x16xf32>,
          %parallel_loop3A_200 = vector.shape_cast %parallel_loop3A_199 : vector<1x16xf32> to vector<16xf32>
          %parallel_loop3A_201 = vector.shape_cast %parallel_loop3A_196 : vector<16xf32> to vector<1x16xf32>
          tpu.vector_store %arg18[%parallel_loop3A_197, %parallel_loop3A_198], %parallel_loop3A_201 {strides = array<i32>} : memref<64x128xf32, #tpu.memory_space<vmem>>, vector<1x16xf32>,
          %parallel_loop3A_202 = arith.index_cast %parallel_loop3A_131 : i32 to index
          %parallel_loop3A_203 = arith.constant 80 : index
          %parallel_loop3A_204 = tpu.vector_load %arg14[%parallel_loop3A_202, %parallel_loop3A_203] {strides = array<i32>} : memref<64x128xf32, #tpu.memory_space<vmem>>, vector<1x16xf32>,
          %parallel_loop3A_205 = vector.shape_cast %parallel_loop3A_204 : vector<1x16xf32> to vector<16xf32>
          %parallel_loop3A_206 = arith.index_cast %parallel_loop3A_131 : i32 to index
          %parallel_loop3A_207 = arith.constant 80 : index
          %parallel_loop3A_208 = tpu.vector_load %arg16[%parallel_loop3A_206, %parallel_loop3A_207] {strides = array<i32>} : memref<64x128xf32, #tpu.memory_space<vmem>>, vector<1x16xf32>,
          %parallel_loop3A_209 = vector.shape_cast %parallel_loop3A_208 : vector<1x16xf32> to vector<16xf32>
          %parallel_loop3A_210 = arith.mulf %parallel_loop3A_205, %parallel_loop3A_209 : vector<16xf32>
          %parallel_loop3A_211 = arith.index_cast %parallel_loop3A_131 : i32 to index
          %parallel_loop3A_212 = arith.constant 80 : index
          %parallel_loop3A_213 = tpu.vector_load %arg18[%parallel_loop3A_211, %parallel_loop3A_212] {strides = array<i32>} : memref<64x128xf32, #tpu.memory_space<vmem>>, vector<1x16xf32>,
          %parallel_loop3A_214 = vector.shape_cast %parallel_loop3A_213 : vector<1x16xf32> to vector<16xf32>
          %parallel_loop3A_215 = vector.shape_cast %parallel_loop3A_210 : vector<16xf32> to vector<1x16xf32>
          tpu.vector_store %arg18[%parallel_loop3A_211, %parallel_loop3A_212], %parallel_loop3A_215 {strides = array<i32>} : memref<64x128xf32, #tpu.memory_space<vmem>>, vector<1x16xf32>,
          %parallel_loop3A_216 = arith.index_cast %parallel_loop3A_131 : i32 to index
          %parallel_loop3A_217 = arith.constant 96 : index
          %parallel_loop3A_218 = tpu.vector_load %arg14[%parallel_loop3A_216, %parallel_loop3A_217] {strides = array<i32>} : memref<64x128xf32, #tpu.memory_space<vmem>>, vector<1x16xf32>,
          %parallel_loop3A_219 = vector.shape_cast %parallel_loop3A_218 : vector<1x16xf32> to vector<16xf32>
          %parallel_loop3A_220 = arith.index_cast %parallel_loop3A_131 : i32 to index
          %parallel_loop3A_221 = arith.constant 96 : index
          %parallel_loop3A_222 = tpu.vector_load %arg16[%parallel_loop3A_220, %parallel_loop3A_221] {strides = array<i32>} : memref<64x128xf32, #tpu.memory_space<vmem>>, vector<1x16xf32>,
          %parallel_loop3A_223 = vector.shape_cast %parallel_loop3A_222 : vector<1x16xf32> to vector<16xf32>
          %parallel_loop3A_224 = arith.mulf %parallel_loop3A_219, %parallel_loop3A_223 : vector<16xf32>
          %parallel_loop3A_225 = arith.index_cast %parallel_loop3A_131 : i32 to index
          %parallel_loop3A_226 = arith.constant 96 : index
          %parallel_loop3A_227 = tpu.vector_load %arg18[%parallel_loop3A_225, %parallel_loop3A_226] {strides = array<i32>} : memref<64x128xf32, #tpu.memory_space<vmem>>, vector<1x16xf32>,
          %parallel_loop3A_228 = vector.shape_cast %parallel_loop3A_227 : vector<1x16xf32> to vector<16xf32>
          %parallel_loop3A_229 = vector.shape_cast %parallel_loop3A_224 : vector<16xf32> to vector<1x16xf32>
          tpu.vector_store %arg18[%parallel_loop3A_225, %parallel_loop3A_226], %parallel_loop3A_229 {strides = array<i32>} : memref<64x128xf32, #tpu.memory_space<vmem>>, vector<1x16xf32>,
          %parallel_loop3A_230 = arith.index_cast %parallel_loop3A_131 : i32 to index
          %parallel_loop3A_231 = arith.constant 112 : index
          %parallel_loop3A_232 = tpu.vector_load %arg14[%parallel_loop3A_230, %parallel_loop3A_231] {strides = array<i32>} : memref<64x128xf32, #tpu.memory_space<vmem>>, vector<1x16xf32>,
          %parallel_loop3A_233 = vector.shape_cast %parallel_loop3A_232 : vector<1x16xf32> to vector<16xf32>
          %parallel_loop3A_234 = arith.index_cast %parallel_loop3A_131 : i32 to index
          %parallel_loop3A_235 = arith.constant 112 : index
          %parallel_loop3A_236 = tpu.vector_load %arg16[%parallel_loop3A_234, %parallel_loop3A_235] {strides = array<i32>} : memref<64x128xf32, #tpu.memory_space<vmem>>, vector<1x16xf32>,
          %parallel_loop3A_237 = vector.shape_cast %parallel_loop3A_236 : vector<1x16xf32> to vector<16xf32>
          %parallel_loop3A_238 = arith.mulf %parallel_loop3A_233, %parallel_loop3A_237 : vector<16xf32>
          %parallel_loop3A_239 = arith.index_cast %parallel_loop3A_131 : i32 to index
          %parallel_loop3A_240 = arith.constant 112 : index
          %parallel_loop3A_241 = tpu.vector_load %arg18[%parallel_loop3A_239, %parallel_loop3A_240] {strides = array<i32>} : memref<64x128xf32, #tpu.memory_space<vmem>>, vector<1x16xf32>,
          %parallel_loop3A_242 = vector.shape_cast %parallel_loop3A_241 : vector<1x16xf32> to vector<16xf32>
          %parallel_loop3A_243 = vector.shape_cast %parallel_loop3A_238 : vector<16xf32> to vector<1x16xf32>
          tpu.vector_store %arg18[%parallel_loop3A_239, %parallel_loop3A_240], %parallel_loop3A_243 {strides = array<i32>} : memref<64x128xf32, #tpu.memory_space<vmem>>, vector<1x16xf32>,
        } {sc.loop_unroll_factor = 4 : i64, sc.parallel_access}
        %dma_start3A = arith.constant 0 : i32
        %dma_start3A_129 = arith.constant 0 : i32
        %dma_start3A_130 = tpu.memref_slice %arg20[%dma_start3A, %dma_start3A_129] : memref<10000x128xf32, #tpu.memory_space<vmem_shared>> -> memref<10000x128xf32, #tpu.memory_space<vmem_shared>>
        tpu.enqueue_indirect_dma source(%arg18 : memref<64x128xf32, #tpu.memory_space<vmem>>) target(%dma_start3A_130 : memref<10000x128xf32, #tpu.memory_space<vmem_shared>>) offsets(%arg12 : memref<64xi32, #tpu.memory_space<vmem>>) semaphore(%arg27 : memref<!tpu.dma_semaphore, #tpu.memory_space<semaphore_mem>>) {add = true}
      } else {
      }
      %mul3A_61 = arith.constant 2 : i32
      %mul3A_62 = arith.muli %mul3A_61, %scan3A_53 : i32
      %add3A_63 = arith.constant 1 : i32
      %add3A_64 = arith.addi %mul3A_62, %add3A_63 : i32
      %lt3A_65 = arith.cmpi slt, %add3A_64, %add3A_8 : i32
      %convert_element_type3A_66 = arith.extui %lt3A_65 : i1 to i32
      %cond3A_67 = arith.constant 0 : i32
      %cond3A_68 = arith.cmpi ne, %convert_element_type3A_66, %cond3A_67 : i32
      scf.if %cond3A_68 {
        %ge3A = arith.constant 2 : i32
        %ge3A_70 = arith.cmpi sge, %add3A_64, %ge3A : i32
        %convert_element_type3A_71 = arith.extui %ge3A_70 : i1 to i32
        %cond3A_72 = arith.constant 0 : i32
        %cond3A_73 = arith.cmpi ne, %convert_element_type3A_71, %cond3A_72 : i32
        scf.if %cond3A_73 {
          %dma_wait3A_131 = arith.constant 0 : i32
          %dma_wait3A_132 = arith.constant 0 : i32
          %dma_wait3A_133 = tpu.memref_slice %arg20[%dma_wait3A_131, %dma_wait3A_132] : memref<10000x128xf32, #tpu.memory_space<vmem_shared>> -> memref<10000x128xf32, #tpu.memory_space<vmem_shared>>
          tpu.wait_indirect_dma semaphore(%arg28 : memref<!tpu.dma_semaphore, #tpu.memory_space<semaphore_mem>>) src(%arg19 : memref<64x128xf32, #tpu.memory_space<vmem>>) dst(%dma_wait3A_133 : memref<10000x128xf32, #tpu.memory_space<vmem_shared>>)
        } else {
        }
        %dma_wait3A_74 = arith.constant 0 : i32
        %dma_wait3A_75 = arith.constant 0 : i32
        %dma_wait3A_76 = tpu.memref_slice %arg2[%dma_wait3A_74, %dma_wait3A_75] : memref<10000x128xf32, #tpu.memory_space<hbm>> -> memref<10000x128xf32, #tpu.memory_space<hbm>>
        tpu.wait_indirect_dma semaphore(%arg24 : memref<!tpu.dma_semaphore, #tpu.memory_space<semaphore_mem>>) src(%dma_wait3A_76 : memref<10000x128xf32, #tpu.memory_space<hbm>>) dst(%arg15 : memref<64x128xf32, #tpu.memory_space<vmem>>)
        %dma_wait3A_77 = arith.constant 0 : i32
        %dma_wait3A_78 = arith.constant 0 : i32
        %dma_wait3A_79 = tpu.memref_slice %arg3[%dma_wait3A_77, %dma_wait3A_78] : memref<80000x128xf32, #tpu.memory_space<hbm>> -> memref<64x128xf32, #tpu.memory_space<hbm>>
        %dma_wait3A_80 = arith.constant 0 : i32
        %dma_wait3A_81 = arith.constant 0 : i32
        %dma_wait3A_82 = tpu.memref_slice %arg3[%dma_wait3A_80, %dma_wait3A_81] : memref<80000x128xf32, #tpu.memory_space<hbm>> -> memref<64x128xf32, #tpu.memory_space<hbm>>
        tpu.wait_dma2 semaphore(%arg26 : memref<!tpu.dma_semaphore, #tpu.memory_space<semaphore_mem>>) src(%dma_wait3A_82 : memref<64x128xf32, #tpu.memory_space<hbm>>) dst(%arg17 : memref<64x128xf32, #tpu.memory_space<vmem>>)
        %get3A = arith.constant 0 : index
        %get3A_83 = tpu.vector_load %arg11[%get3A] {strides = array<i32>} : memref<64xi32, #tpu.memory_space<vmem>>, vector<16xi32>,
        %get3A_84 = vector.shape_cast %get3A_83 : vector<16xi32> to vector<16xi32>
        %swap3A = arith.constant 0 : index
        %swap3A_85 = tpu.vector_load %arg13[%swap3A] {strides = array<i32>} : memref<64xi32, #tpu.memory_space<vmem>>, vector<16xi32>,
        %swap3A_86 = vector.shape_cast %swap3A_85 : vector<16xi32> to vector<16xi32>
        %swap3A_87 = vector.shape_cast %get3A_84 : vector<16xi32> to vector<16xi32>
        tpu.vector_store %arg13[%swap3A], %swap3A_87 {strides = array<i32>} : memref<64xi32, #tpu.memory_space<vmem>>, vector<16xi32>,
        %get3A_88 = arith.constant 16 : index
        %get3A_89 = tpu.vector_load %arg11[%get3A_88] {strides = array<i32>} : memref<64xi32, #tpu.memory_space<vmem>>, vector<16xi32>,
        %get3A_90 = vector.shape_cast %get3A_89 : vector<16xi32> to vector<16xi32>
        %swap3A_91 = arith.constant 16 : index
        %swap3A_92 = tpu.vector_load %arg13[%swap3A_91] {strides = array<i32>} : memref<64xi32, #tpu.memory_space<vmem>>, vector<16xi32>,
        %swap3A_93 = vector.shape_cast %swap3A_92 : vector<16xi32> to vector<16xi32>
        %swap3A_94 = vector.shape_cast %get3A_90 : vector<16xi32> to vector<16xi32>
        tpu.vector_store %arg13[%swap3A_91], %swap3A_94 {strides = array<i32>} : memref<64xi32, #tpu.memory_space<vmem>>, vector<16xi32>,
        %get3A_95 = arith.constant 32 : index
        %get3A_96 = tpu.vector_load %arg11[%get3A_95] {strides = array<i32>} : memref<64xi32, #tpu.memory_space<vmem>>, vector<16xi32>,
        %get3A_97 = vector.shape_cast %get3A_96 : vector<16xi32> to vector<16xi32>
        %swap3A_98 = arith.constant 32 : index
        %swap3A_99 = tpu.vector_load %arg13[%swap3A_98] {strides = array<i32>} : memref<64xi32, #tpu.memory_space<vmem>>, vector<16xi32>,
        %swap3A_100 = vector.shape_cast %swap3A_99 : vector<16xi32> to vector<16xi32>
        %swap3A_101 = vector.shape_cast %get3A_97 : vector<16xi32> to vector<16xi32>
        tpu.vector_store %arg13[%swap3A_98], %swap3A_101 {strides = array<i32>} : memref<64xi32, #tpu.memory_space<vmem>>, vector<16xi32>,
        %get3A_102 = arith.constant 48 : index
        %get3A_103 = tpu.vector_load %arg11[%get3A_102] {strides = array<i32>} : memref<64xi32, #tpu.memory_space<vmem>>, vector<16xi32>,
        %get3A_104 = vector.shape_cast %get3A_103 : vector<16xi32> to vector<16xi32>
        %swap3A_105 = arith.constant 48 : index
        %swap3A_106 = tpu.vector_load %arg13[%swap3A_105] {strides = array<i32>} : memref<64xi32, #tpu.memory_space<vmem>>, vector<16xi32>,
        %swap3A_107 = vector.shape_cast %swap3A_106 : vector<16xi32> to vector<16xi32>
        %swap3A_108 = vector.shape_cast %get3A_104 : vector<16xi32> to vector<16xi32>
        tpu.vector_store %arg13[%swap3A_105], %swap3A_108 {strides = array<i32>} : memref<64xi32, #tpu.memory_space<vmem>>, vector<16xi32>,
        %add3A_109 = arith.constant 1 : i32
        %add3A_110 = arith.addi %add3A_64, %add3A_109 : i32
        %lt3A_111 = arith.cmpi slt, %add3A_110, %add3A_8 : i32
        %convert_element_type3A_112 = arith.extui %lt3A_111 : i1 to i32
        %cond3A_113 = arith.constant 0 : i32
        %cond3A_114 = arith.cmpi ne, %convert_element_type3A_112, %cond3A_113 : i32
        scf.if %cond3A_114 {
          %dma_wait3A_131 = arith.constant 0 : i32
          %dma_wait3A_132 = tpu.memref_slice %arg5[%dma_wait3A_131] : memref<160000xi32, #tpu.memory_space<hbm>> -> memref<64xi32, #tpu.memory_space<hbm>>
          %dma_wait3A_133 = arith.constant 0 : i32
          %dma_wait3A_134 = tpu.memref_slice %arg5[%dma_wait3A_133] : memref<160000xi32, #tpu.memory_space<hbm>> -> memref<64xi32, #tpu.memory_space<hbm>>
          tpu.wait_dma2 semaphore(%arg21 : memref<!tpu.dma_semaphore, #tpu.memory_space<semaphore_mem>>) src(%dma_wait3A_134 : memref<64xi32, #tpu.memory_space<hbm>>) dst(%arg8 : memref<64xi32, #tpu.memory_space<vmem>>)
          %dma_wait3A_135 = arith.constant 0 : i32
          %dma_wait3A_136 = tpu.memref_slice %arg5[%dma_wait3A_135] : memref<160000xi32, #tpu.memory_space<hbm>> -> memref<64xi32, #tpu.memory_space<hbm>>
          %dma_wait3A_137 = arith.constant 0 : i32
          %dma_wait3A_138 = tpu.memref_slice %arg5[%dma_wait3A_137] : memref<160000xi32, #tpu.memory_space<hbm>> -> memref<64xi32, #tpu.memory_space<hbm>>
          tpu.wait_dma2 semaphore(%arg21 : memref<!tpu.dma_semaphore, #tpu.memory_space<semaphore_mem>>) src(%dma_wait3A_138 : memref<64xi32, #tpu.memory_space<hbm>>) dst(%arg8 : memref<64xi32, #tpu.memory_space<vmem>>)
        } else {
        }
        %add3A_115 = arith.constant 1 : i32
        %add3A_116 = arith.addi %add3A_64, %add3A_115 : i32
        %lt3A_117 = arith.cmpi slt, %add3A_116, %add3A_8 : i32
        %convert_element_type3A_118 = arith.extui %lt3A_117 : i1 to i32
        %cond3A_119 = arith.constant 0 : i32
        %cond3A_120 = arith.cmpi ne, %convert_element_type3A_118, %cond3A_119 : i32
        scf.if %cond3A_120 {
          %add3A_131 = arith.addi %add3A_4, %add3A_116 : i32
          %mul3A_132 = arith.constant 64 : i32
          %mul3A_133 = arith.muli %add3A_131, %mul3A_132 : i32
          %multiple_of3A_134 = tpu.assume_multiple %mul3A_133, 8 : i32
          %dma_start3A_135 = arith.constant 0 : i32
          %dma_start3A_136 = arith.constant 0 : i32
          %dma_start3A_137 = tpu.memref_slice %arg2[%dma_start3A_135, %dma_start3A_136] : memref<10000x128xf32, #tpu.memory_space<hbm>> -> memref<10000x128xf32, #tpu.memory_space<hbm>>
          tpu.enqueue_indirect_dma source(%dma_start3A_137 : memref<10000x128xf32, #tpu.memory_space<hbm>>) target(%arg14 : memref<64x128xf32, #tpu.memory_space<vmem>>) offsets(%arg8 : memref<64xi32, #tpu.memory_space<vmem>>) semaphore(%arg23 : memref<!tpu.dma_semaphore, #tpu.memory_space<semaphore_mem>>)
          %dma_start3A_138 = arith.constant 0 : i32
          %dma_start3A_139 = tpu.memref_slice %arg3[%multiple_of3A_134, %dma_start3A_138] : memref<80000x128xf32, #tpu.memory_space<hbm>> -> memref<64x128xf32, #tpu.memory_space<hbm>>
          %dma_start3A_140 = arith.constant 0 : i32
          %dma_start3A_141 = tpu.memref_slice %arg3[%multiple_of3A_134, %dma_start3A_140] : memref<80000x128xf32, #tpu.memory_space<hbm>> -> memref<64x128xf32, #tpu.memory_space<hbm>>
          tpu.enqueue_dma source(%dma_start3A_141 : memref<64x128xf32, #tpu.memory_space<hbm>>) target(%arg16 : memref<64x128xf32, #tpu.memory_space<vmem>>) target_semaphore(%arg25 : memref<!tpu.dma_semaphore, #tpu.memory_space<semaphore_mem>>)
        } else {
        }
        %add3A_121 = arith.constant 2 : i32
        %add3A_122 = arith.addi %add3A_64, %add3A_121 : i32
        %lt3A_123 = arith.cmpi slt, %add3A_122, %add3A_8 : i32
        %convert_element_type3A_124 = arith.extui %lt3A_123 : i1 to i32
        %cond3A_125 = arith.constant 0 : i32
        %cond3A_126 = arith.cmpi ne, %convert_element_type3A_124, %cond3A_125 : i32
        scf.if %cond3A_126 {
          %add3A_131 = arith.addi %add3A_4, %add3A_122 : i32
          %mul3A_132 = arith.constant 64 : i32
          %mul3A_133 = arith.muli %add3A_131, %mul3A_132 : i32
          %add3A_134 = arith.constant 80000 : i32
          %add3A_135 = arith.addi %add3A_134, %mul3A_133 : i32
          %multiple_of3A_136 = tpu.assume_multiple %add3A_135, 8 : i32
          %dma_start3A_137 = tpu.memref_slice %arg5[%multiple_of3A_136] : memref<160000xi32, #tpu.memory_space<hbm>> -> memref<64xi32, #tpu.memory_space<hbm>>
          %dma_start3A_138 = tpu.memref_slice %arg5[%multiple_of3A_136] : memref<160000xi32, #tpu.memory_space<hbm>> -> memref<64xi32, #tpu.memory_space<hbm>>
          tpu.enqueue_dma source(%dma_start3A_138 : memref<64xi32, #tpu.memory_space<hbm>>) target(%arg9 : memref<64xi32, #tpu.memory_space<vmem>>) target_semaphore(%arg22 : memref<!tpu.dma_semaphore, #tpu.memory_space<semaphore_mem>>)
          %dma_start3A_139 = tpu.memref_slice %arg6[%multiple_of3A_136] : memref<160000xi32, #tpu.memory_space<hbm>> -> memref<64xi32, #tpu.memory_space<hbm>>
          %dma_start3A_140 = tpu.memref_slice %arg6[%multiple_of3A_136] : memref<160000xi32, #tpu.memory_space<hbm>> -> memref<64xi32, #tpu.memory_space<hbm>>
          tpu.enqueue_dma source(%dma_start3A_140 : memref<64xi32, #tpu.memory_space<hbm>>) target(%arg11 : memref<64xi32, #tpu.memory_space<vmem>>) target_semaphore(%arg22 : memref<!tpu.dma_semaphore, #tpu.memory_space<semaphore_mem>>)
        } else {
        }
        %parallel_loop3A = arith.constant 0 : i32
        %parallel_loop3A_127 = arith.constant 64 : i32
        %parallel_loop3A_128 = arith.constant 1 : i32
        scf.for %parallel_loop3A_131 = %parallel_loop3A to %parallel_loop3A_127 step %parallel_loop3A_128  : i32 {
          %parallel_loop3A_132 = arith.index_cast %parallel_loop3A_131 : i32 to index
          %parallel_loop3A_133 = arith.constant 0 : index
          %parallel_loop3A_134 = tpu.vector_load %arg15[%parallel_loop3A_132, %parallel_loop3A_133] {strides = array<i32>} : memref<64x128xf32, #tpu.memory_space<vmem>>, vector<1x16xf32>,
          %parallel_loop3A_135 = vector.shape_cast %parallel_loop3A_134 : vector<1x16xf32> to vector<16xf32>
          %parallel_loop3A_136 = arith.index_cast %parallel_loop3A_131 : i32 to index
          %parallel_loop3A_137 = arith.constant 0 : index
          %parallel_loop3A_138 = tpu.vector_load %arg17[%parallel_loop3A_136, %parallel_loop3A_137] {strides = array<i32>} : memref<64x128xf32, #tpu.memory_space<vmem>>, vector<1x16xf32>,
          %parallel_loop3A_139 = vector.shape_cast %parallel_loop3A_138 : vector<1x16xf32> to vector<16xf32>
          %parallel_loop3A_140 = arith.mulf %parallel_loop3A_135, %parallel_loop3A_139 : vector<16xf32>
          %parallel_loop3A_141 = arith.index_cast %parallel_loop3A_131 : i32 to index
          %parallel_loop3A_142 = arith.constant 0 : index
          %parallel_loop3A_143 = tpu.vector_load %arg19[%parallel_loop3A_141, %parallel_loop3A_142] {strides = array<i32>} : memref<64x128xf32, #tpu.memory_space<vmem>>, vector<1x16xf32>,
          %parallel_loop3A_144 = vector.shape_cast %parallel_loop3A_143 : vector<1x16xf32> to vector<16xf32>
          %parallel_loop3A_145 = vector.shape_cast %parallel_loop3A_140 : vector<16xf32> to vector<1x16xf32>
          tpu.vector_store %arg19[%parallel_loop3A_141, %parallel_loop3A_142], %parallel_loop3A_145 {strides = array<i32>} : memref<64x128xf32, #tpu.memory_space<vmem>>, vector<1x16xf32>,
          %parallel_loop3A_146 = arith.index_cast %parallel_loop3A_131 : i32 to index
          %parallel_loop3A_147 = arith.constant 16 : index
          %parallel_loop3A_148 = tpu.vector_load %arg15[%parallel_loop3A_146, %parallel_loop3A_147] {strides = array<i32>} : memref<64x128xf32, #tpu.memory_space<vmem>>, vector<1x16xf32>,
          %parallel_loop3A_149 = vector.shape_cast %parallel_loop3A_148 : vector<1x16xf32> to vector<16xf32>
          %parallel_loop3A_150 = arith.index_cast %parallel_loop3A_131 : i32 to index
          %parallel_loop3A_151 = arith.constant 16 : index
          %parallel_loop3A_152 = tpu.vector_load %arg17[%parallel_loop3A_150, %parallel_loop3A_151] {strides = array<i32>} : memref<64x128xf32, #tpu.memory_space<vmem>>, vector<1x16xf32>,
          %parallel_loop3A_153 = vector.shape_cast %parallel_loop3A_152 : vector<1x16xf32> to vector<16xf32>
          %parallel_loop3A_154 = arith.mulf %parallel_loop3A_149, %parallel_loop3A_153 : vector<16xf32>
          %parallel_loop3A_155 = arith.index_cast %parallel_loop3A_131 : i32 to index
          %parallel_loop3A_156 = arith.constant 16 : index
          %parallel_loop3A_157 = tpu.vector_load %arg19[%parallel_loop3A_155, %parallel_loop3A_156] {strides = array<i32>} : memref<64x128xf32, #tpu.memory_space<vmem>>, vector<1x16xf32>,
          %parallel_loop3A_158 = vector.shape_cast %parallel_loop3A_157 : vector<1x16xf32> to vector<16xf32>
          %parallel_loop3A_159 = vector.shape_cast %parallel_loop3A_154 : vector<16xf32> to vector<1x16xf32>
          tpu.vector_store %arg19[%parallel_loop3A_155, %parallel_loop3A_156], %parallel_loop3A_159 {strides = array<i32>} : memref<64x128xf32, #tpu.memory_space<vmem>>, vector<1x16xf32>,
          %parallel_loop3A_160 = arith.index_cast %parallel_loop3A_131 : i32 to index
          %parallel_loop3A_161 = arith.constant 32 : index
          %parallel_loop3A_162 = tpu.vector_load %arg15[%parallel_loop3A_160, %parallel_loop3A_161] {strides = array<i32>} : memref<64x128xf32, #tpu.memory_space<vmem>>, vector<1x16xf32>,
          %parallel_loop3A_163 = vector.shape_cast %parallel_loop3A_162 : vector<1x16xf32> to vector<16xf32>
          %parallel_loop3A_164 = arith.index_cast %parallel_loop3A_131 : i32 to index
          %parallel_loop3A_165 = arith.constant 32 : index
          %parallel_loop3A_166 = tpu.vector_load %arg17[%parallel_loop3A_164, %parallel_loop3A_165] {strides = array<i32>} : memref<64x128xf32, #tpu.memory_space<vmem>>, vector<1x16xf32>,
          %parallel_loop3A_167 = vector.shape_cast %parallel_loop3A_166 : vector<1x16xf32> to vector<16xf32>
          %parallel_loop3A_168 = arith.mulf %parallel_loop3A_163, %parallel_loop3A_167 : vector<16xf32>
          %parallel_loop3A_169 = arith.index_cast %parallel_loop3A_131 : i32 to index
          %parallel_loop3A_170 = arith.constant 32 : index
          %parallel_loop3A_171 = tpu.vector_load %arg19[%parallel_loop3A_169, %parallel_loop3A_170] {strides = array<i32>} : memref<64x128xf32, #tpu.memory_space<vmem>>, vector<1x16xf32>,
          %parallel_loop3A_172 = vector.shape_cast %parallel_loop3A_171 : vector<1x16xf32> to vector<16xf32>
          %parallel_loop3A_173 = vector.shape_cast %parallel_loop3A_168 : vector<16xf32> to vector<1x16xf32>
          tpu.vector_store %arg19[%parallel_loop3A_169, %parallel_loop3A_170], %parallel_loop3A_173 {strides = array<i32>} : memref<64x128xf32, #tpu.memory_space<vmem>>, vector<1x16xf32>,
          %parallel_loop3A_174 = arith.index_cast %parallel_loop3A_131 : i32 to index
          %parallel_loop3A_175 = arith.constant 48 : index
          %parallel_loop3A_176 = tpu.vector_load %arg15[%parallel_loop3A_174, %parallel_loop3A_175] {strides = array<i32>} : memref<64x128xf32, #tpu.memory_space<vmem>>, vector<1x16xf32>,
          %parallel_loop3A_177 = vector.shape_cast %parallel_loop3A_176 : vector<1x16xf32> to vector<16xf32>
          %parallel_loop3A_178 = arith.index_cast %parallel_loop3A_131 : i32 to index
          %parallel_loop3A_179 = arith.constant 48 : index
          %parallel_loop3A_180 = tpu.vector_load %arg17[%parallel_loop3A_178, %parallel_loop3A_179] {strides = array<i32>} : memref<64x128xf32, #tpu.memory_space<vmem>>, vector<1x16xf32>,
          %parallel_loop3A_181 = vector.shape_cast %parallel_loop3A_180 : vector<1x16xf32> to vector<16xf32>
          %parallel_loop3A_182 = arith.mulf %parallel_loop3A_177, %parallel_loop3A_181 : vector<16xf32>
          %parallel_loop3A_183 = arith.index_cast %parallel_loop3A_131 : i32 to index
          %parallel_loop3A_184 = arith.constant 48 : index
          %parallel_loop3A_185 = tpu.vector_load %arg19[%parallel_loop3A_183, %parallel_loop3A_184] {strides = array<i32>} : memref<64x128xf32, #tpu.memory_space<vmem>>, vector<1x16xf32>,
          %parallel_loop3A_186 = vector.shape_cast %parallel_loop3A_185 : vector<1x16xf32> to vector<16xf32>
          %parallel_loop3A_187 = vector.shape_cast %parallel_loop3A_182 : vector<16xf32> to vector<1x16xf32>
          tpu.vector_store %arg19[%parallel_loop3A_183, %parallel_loop3A_184], %parallel_loop3A_187 {strides = array<i32>} : memref<64x128xf32, #tpu.memory_space<vmem>>, vector<1x16xf32>,
          %parallel_loop3A_188 = arith.index_cast %parallel_loop3A_131 : i32 to index
          %parallel_loop3A_189 = arith.constant 64 : index
          %parallel_loop3A_190 = tpu.vector_load %arg15[%parallel_loop3A_188, %parallel_loop3A_189] {strides = array<i32>} : memref<64x128xf32, #tpu.memory_space<vmem>>, vector<1x16xf32>,
          %parallel_loop3A_191 = vector.shape_cast %parallel_loop3A_190 : vector<1x16xf32> to vector<16xf32>
          %parallel_loop3A_192 = arith.index_cast %parallel_loop3A_131 : i32 to index
          %parallel_loop3A_193 = arith.constant 64 : index
          %parallel_loop3A_194 = tpu.vector_load %arg17[%parallel_loop3A_192, %parallel_loop3A_193] {strides = array<i32>} : memref<64x128xf32, #tpu.memory_space<vmem>>, vector<1x16xf32>,
          %parallel_loop3A_195 = vector.shape_cast %parallel_loop3A_194 : vector<1x16xf32> to vector<16xf32>
          %parallel_loop3A_196 = arith.mulf %parallel_loop3A_191, %parallel_loop3A_195 : vector<16xf32>
          %parallel_loop3A_197 = arith.index_cast %parallel_loop3A_131 : i32 to index
          %parallel_loop3A_198 = arith.constant 64 : index
          %parallel_loop3A_199 = tpu.vector_load %arg19[%parallel_loop3A_197, %parallel_loop3A_198] {strides = array<i32>} : memref<64x128xf32, #tpu.memory_space<vmem>>, vector<1x16xf32>,
          %parallel_loop3A_200 = vector.shape_cast %parallel_loop3A_199 : vector<1x16xf32> to vector<16xf32>
          %parallel_loop3A_201 = vector.shape_cast %parallel_loop3A_196 : vector<16xf32> to vector<1x16xf32>
          tpu.vector_store %arg19[%parallel_loop3A_197, %parallel_loop3A_198], %parallel_loop3A_201 {strides = array<i32>} : memref<64x128xf32, #tpu.memory_space<vmem>>, vector<1x16xf32>,
          %parallel_loop3A_202 = arith.index_cast %parallel_loop3A_131 : i32 to index
          %parallel_loop3A_203 = arith.constant 80 : index
          %parallel_loop3A_204 = tpu.vector_load %arg15[%parallel_loop3A_202, %parallel_loop3A_203] {strides = array<i32>} : memref<64x128xf32, #tpu.memory_space<vmem>>, vector<1x16xf32>,
          %parallel_loop3A_205 = vector.shape_cast %parallel_loop3A_204 : vector<1x16xf32> to vector<16xf32>
          %parallel_loop3A_206 = arith.index_cast %parallel_loop3A_131 : i32 to index
          %parallel_loop3A_207 = arith.constant 80 : index
          %parallel_loop3A_208 = tpu.vector_load %arg17[%parallel_loop3A_206, %parallel_loop3A_207] {strides = array<i32>} : memref<64x128xf32, #tpu.memory_space<vmem>>, vector<1x16xf32>,
          %parallel_loop3A_209 = vector.shape_cast %parallel_loop3A_208 : vector<1x16xf32> to vector<16xf32>
          %parallel_loop3A_210 = arith.mulf %parallel_loop3A_205, %parallel_loop3A_209 : vector<16xf32>
          %parallel_loop3A_211 = arith.index_cast %parallel_loop3A_131 : i32 to index
          %parallel_loop3A_212 = arith.constant 80 : index
          %parallel_loop3A_213 = tpu.vector_load %arg19[%parallel_loop3A_211, %parallel_loop3A_212] {strides = array<i32>} : memref<64x128xf32, #tpu.memory_space<vmem>>, vector<1x16xf32>,
          %parallel_loop3A_214 = vector.shape_cast %parallel_loop3A_213 : vector<1x16xf32> to vector<16xf32>
          %parallel_loop3A_215 = vector.shape_cast %parallel_loop3A_210 : vector<16xf32> to vector<1x16xf32>
          tpu.vector_store %arg19[%parallel_loop3A_211, %parallel_loop3A_212], %parallel_loop3A_215 {strides = array<i32>} : memref<64x128xf32, #tpu.memory_space<vmem>>, vector<1x16xf32>,
          %parallel_loop3A_216 = arith.index_cast %parallel_loop3A_131 : i32 to index
          %parallel_loop3A_217 = arith.constant 96 : index
          %parallel_loop3A_218 = tpu.vector_load %arg15[%parallel_loop3A_216, %parallel_loop3A_217] {strides = array<i32>} : memref<64x128xf32, #tpu.memory_space<vmem>>, vector<1x16xf32>,
          %parallel_loop3A_219 = vector.shape_cast %parallel_loop3A_218 : vector<1x16xf32> to vector<16xf32>
          %parallel_loop3A_220 = arith.index_cast %parallel_loop3A_131 : i32 to index
          %parallel_loop3A_221 = arith.constant 96 : index
          %parallel_loop3A_222 = tpu.vector_load %arg17[%parallel_loop3A_220, %parallel_loop3A_221] {strides = array<i32>} : memref<64x128xf32, #tpu.memory_space<vmem>>, vector<1x16xf32>,
          %parallel_loop3A_223 = vector.shape_cast %parallel_loop3A_222 : vector<1x16xf32> to vector<16xf32>
          %parallel_loop3A_224 = arith.mulf %parallel_loop3A_219, %parallel_loop3A_223 : vector<16xf32>
          %parallel_loop3A_225 = arith.index_cast %parallel_loop3A_131 : i32 to index
          %parallel_loop3A_226 = arith.constant 96 : index
          %parallel_loop3A_227 = tpu.vector_load %arg19[%parallel_loop3A_225, %parallel_loop3A_226] {strides = array<i32>} : memref<64x128xf32, #tpu.memory_space<vmem>>, vector<1x16xf32>,
          %parallel_loop3A_228 = vector.shape_cast %parallel_loop3A_227 : vector<1x16xf32> to vector<16xf32>
          %parallel_loop3A_229 = vector.shape_cast %parallel_loop3A_224 : vector<16xf32> to vector<1x16xf32>
          tpu.vector_store %arg19[%parallel_loop3A_225, %parallel_loop3A_226], %parallel_loop3A_229 {strides = array<i32>} : memref<64x128xf32, #tpu.memory_space<vmem>>, vector<1x16xf32>,
          %parallel_loop3A_230 = arith.index_cast %parallel_loop3A_131 : i32 to index
          %parallel_loop3A_231 = arith.constant 112 : index
          %parallel_loop3A_232 = tpu.vector_load %arg15[%parallel_loop3A_230, %parallel_loop3A_231] {strides = array<i32>} : memref<64x128xf32, #tpu.memory_space<vmem>>, vector<1x16xf32>,
          %parallel_loop3A_233 = vector.shape_cast %parallel_loop3A_232 : vector<1x16xf32> to vector<16xf32>
          %parallel_loop3A_234 = arith.index_cast %parallel_loop3A_131 : i32 to index
          %parallel_loop3A_235 = arith.constant 112 : index
          %parallel_loop3A_236 = tpu.vector_load %arg17[%parallel_loop3A_234, %parallel_loop3A_235] {strides = array<i32>} : memref<64x128xf32, #tpu.memory_space<vmem>>, vector<1x16xf32>,
          %parallel_loop3A_237 = vector.shape_cast %parallel_loop3A_236 : vector<1x16xf32> to vector<16xf32>
          %parallel_loop3A_238 = arith.mulf %parallel_loop3A_233, %parallel_loop3A_237 : vector<16xf32>
          %parallel_loop3A_239 = arith.index_cast %parallel_loop3A_131 : i32 to index
          %parallel_loop3A_240 = arith.constant 112 : index
          %parallel_loop3A_241 = tpu.vector_load %arg19[%parallel_loop3A_239, %parallel_loop3A_240] {strides = array<i32>} : memref<64x128xf32, #tpu.memory_space<vmem>>, vector<1x16xf32>,
          %parallel_loop3A_242 = vector.shape_cast %parallel_loop3A_241 : vector<1x16xf32> to vector<16xf32>
          %parallel_loop3A_243 = vector.shape_cast %parallel_loop3A_238 : vector<16xf32> to vector<1x16xf32>
          tpu.vector_store %arg19[%parallel_loop3A_239, %parallel_loop3A_240], %parallel_loop3A_243 {strides = array<i32>} : memref<64x128xf32, #tpu.memory_space<vmem>>, vector<1x16xf32>,
        } {sc.loop_unroll_factor = 4 : i64, sc.parallel_access}
        %dma_start3A = arith.constant 0 : i32
        %dma_start3A_129 = arith.constant 0 : i32
        %dma_start3A_130 = tpu.memref_slice %arg20[%dma_start3A, %dma_start3A_129] : memref<10000x128xf32, #tpu.memory_space<vmem_shared>> -> memref<10000x128xf32, #tpu.memory_space<vmem_shared>>
        tpu.enqueue_indirect_dma source(%arg19 : memref<64x128xf32, #tpu.memory_space<vmem>>) target(%dma_start3A_130 : memref<10000x128xf32, #tpu.memory_space<vmem_shared>>) offsets(%arg13 : memref<64xi32, #tpu.memory_space<vmem>>) semaphore(%arg28 : memref<!tpu.dma_semaphore, #tpu.memory_space<semaphore_mem>>) {add = true}
      } else {
      }
      %scan3A_69 = arith.constant 0 : i32
      scf.yield %scan3A_69 : i32
    }
    %scan3A_41 = arith.constant 20 : i32
    %dma_wait3A = arith.constant 0 : i32
    %dma_wait3A_42 = arith.constant 0 : i32
    %dma_wait3A_43 = tpu.memref_slice %arg20[%dma_wait3A, %dma_wait3A_42] : memref<10000x128xf32, #tpu.memory_space<vmem_shared>> -> memref<10000x128xf32, #tpu.memory_space<vmem_shared>>
    tpu.wait_indirect_dma semaphore(%arg27 : memref<!tpu.dma_semaphore, #tpu.memory_space<semaphore_mem>>) src(%arg18 : memref<64x128xf32, #tpu.memory_space<vmem>>) dst(%dma_wait3A_43 : memref<10000x128xf32, #tpu.memory_space<vmem_shared>>)
    %dma_wait3A_44 = arith.constant 0 : i32
    %dma_wait3A_45 = arith.constant 0 : i32
    %dma_wait3A_46 = tpu.memref_slice %arg20[%dma_wait3A_44, %dma_wait3A_45] : memref<10000x128xf32, #tpu.memory_space<vmem_shared>> -> memref<10000x128xf32, #tpu.memory_space<vmem_shared>>
    tpu.wait_indirect_dma semaphore(%arg28 : memref<!tpu.dma_semaphore, #tpu.memory_space<semaphore_mem>>) src(%arg19 : memref<64x128xf32, #tpu.memory_space<vmem>>) dst(%dma_wait3A_46 : memref<10000x128xf32, #tpu.memory_space<vmem_shared>>)
    %barrier3A_47 = arith.constant 0 : index
    tpu.barrier barrier_id(%barrier3A_47)
    "tpu.region"() ({
      %run_scoped3A = tpu.sem_alloc : memref<!tpu.dma_semaphore, #tpu.memory_space<semaphore_mem>>
      %dma_start3A = arith.constant 0 : i32
      %dma_start3A_53 = tpu.memref_slice %arg7[%arg0, %multiple_of3A, %dma_start3A] : memref<2x10000x128xf32, #tpu.memory_space<hbm>> -> memref<1x624x128xf32, #tpu.memory_space<hbm>>
      %dma_start3A_54 = tpu.memref_squeeze %dma_start3A_53 : memref<1x624x128xf32, #tpu.memory_space<hbm>> -> memref<624x128xf32, #tpu.memory_space<hbm>>
      %dma_start3A_55 = arith.constant 0 : i32
      %dma_start3A_56 = tpu.memref_slice %arg20[%multiple_of3A, %dma_start3A_55] : memref<10000x128xf32, #tpu.memory_space<vmem_shared>> -> memref<624x128xf32, #tpu.memory_space<vmem_shared>>
      tpu.enqueue_dma source(%dma_start3A_56 : memref<624x128xf32, #tpu.memory_space<vmem_shared>>) target(%dma_start3A_54 : memref<624x128xf32, #tpu.memory_space<hbm>>) target_semaphore(%run_scoped3A : memref<!tpu.dma_semaphore, #tpu.memory_space<semaphore_mem>>)
      %dma_wait3A_57 = arith.constant 0 : i32
      %dma_wait3A_58 = tpu.memref_slice %arg7[%arg0, %multiple_of3A, %dma_wait3A_57] : memref<2x10000x128xf32, #tpu.memory_space<hbm>> -> memref<1x624x128xf32, #tpu.memory_space<hbm>>
      %dma_wait3A_59 = tpu.memref_squeeze %dma_wait3A_58 : memref<1x624x128xf32, #tpu.memory_space<hbm>> -> memref<624x128xf32, #tpu.memory_space<hbm>>
      %dma_wait3A_60 = arith.constant 0 : i32
      %dma_wait3A_61 = tpu.memref_slice %arg20[%multiple_of3A, %dma_wait3A_60] : memref<10000x128xf32, #tpu.memory_space<vmem_shared>> -> memref<624x128xf32, #tpu.memory_space<vmem_shared>>
      tpu.wait_dma2 semaphore(%run_scoped3A : memref<!tpu.dma_semaphore, #tpu.memory_space<semaphore_mem>>) src(%dma_wait3A_61 : memref<624x128xf32, #tpu.memory_space<vmem_shared>>) dst(%dma_wait3A_59 : memref<624x128xf32, #tpu.memory_space<hbm>>)
      tpu.yield
    }) : () -> ()
    %eq3A_48 = arith.constant 15 : i32
    %eq3A_49 = arith.cmpi eq, %arg1, %eq3A_48 : i32
    %convert_element_type3A_50 = arith.extui %eq3A_49 : i1 to i32
    %cond3A_51 = arith.constant 0 : i32
    %cond3A_52 = arith.cmpi ne, %convert_element_type3A_50, %cond3A_51 : i32
    scf.if %cond3A_52 {
      "tpu.region"() ({
        %run_scoped3A = tpu.sem_alloc : memref<!tpu.dma_semaphore, #tpu.memory_space<semaphore_mem>>
        %dma_start3A = arith.constant 9984 : i32
        %dma_start3A_53 = arith.constant 0 : i32
        %dma_start3A_54 = tpu.memref_slice %arg7[%arg0, %dma_start3A, %dma_start3A_53] : memref<2x10000x128xf32, #tpu.memory_space<hbm>> -> memref<1x16x128xf32, #tpu.memory_space<hbm>>
        %dma_start3A_55 = tpu.memref_squeeze %dma_start3A_54 : memref<1x16x128xf32, #tpu.memory_space<hbm>> -> memref<16x128xf32, #tpu.memory_space<hbm>>
        %dma_start3A_56 = arith.constant 9984 : i32
        %dma_start3A_57 = arith.constant 0 : i32
        %dma_start3A_58 = tpu.memref_slice %arg20[%dma_start3A_56, %dma_start3A_57] : memref<10000x128xf32, #tpu.memory_space<vmem_shared>> -> memref<16x128xf32, #tpu.memory_space<vmem_shared>>
        tpu.enqueue_dma source(%dma_start3A_58 : memref<16x128xf32, #tpu.memory_space<vmem_shared>>) target(%dma_start3A_55 : memref<16x128xf32, #tpu.memory_space<hbm>>) target_semaphore(%run_scoped3A : memref<!tpu.dma_semaphore, #tpu.memory_space<semaphore_mem>>)
        %dma_wait3A_59 = arith.constant 9984 : i32
        %dma_wait3A_60 = arith.constant 0 : i32
        %dma_wait3A_61 = tpu.memref_slice %arg7[%arg0, %dma_wait3A_59, %dma_wait3A_60] : memref<2x10000x128xf32, #tpu.memory_space<hbm>> -> memref<1x16x128xf32, #tpu.memory_space<hbm>>
        %dma_wait3A_62 = tpu.memref_squeeze %dma_wait3A_61 : memref<1x16x128xf32, #tpu.memory_space<hbm>> -> memref<16x128xf32, #tpu.memory_space<hbm>>
        %dma_wait3A_63 = arith.constant 9984 : i32
        %dma_wait3A_64 = arith.constant 0 : i32
        %dma_wait3A_65 = tpu.memref_slice %arg20[%dma_wait3A_63, %dma_wait3A_64] : memref<10000x128xf32, #tpu.memory_space<vmem_shared>> -> memref<16x128xf32, #tpu.memory_space<vmem_shared>>
        tpu.wait_dma2 semaphore(%run_scoped3A : memref<!tpu.dma_semaphore, #tpu.memory_space<semaphore_mem>>) src(%dma_wait3A_65 : memref<16x128xf32, #tpu.memory_space<vmem_shared>>) dst(%dma_wait3A_62 : memref<16x128xf32, #tpu.memory_space<hbm>>)
        tpu.yield
      }) : () -> ()
    } else {
    }
    return
  }
}

module attributes {stable_mosaic.version = 14 : i64} {
  func.func @_edge_body(%arg0: i32, %arg1: memref<8x3200xf32, #tpu.memory_space<vmem>>, %arg2: memref<4x3200xf32, #tpu.memory_space<vmem>>, %arg3: memref<64x8xf32, #tpu.memory_space<vmem>>, %arg4: memref<64x64xf32, #tpu.memory_space<vmem>>, %arg5: memref<64x64xf32, #tpu.memory_space<vmem>>, %arg6: memref<256x128xbf16, #tpu.memory_space<vmem>>, %arg7: memref<3200x128xf32, #tpu.memory_space<vmem>>) attributes {dimension_semantics = [#tpu.dimension_semantics<arbitrary>], iteration_bounds = array<i64: 25>, scalar_prefetch = 0 : i64, scratch_operands = 0 : i64, tpu.core_type = #tpu.core_type<tc>, window_params = [{transform_indices = @transform_0, window_bounds = array<i64: 8, 3200>}, {transform_indices = @transform_1, window_bounds = array<i64: 4, 3200>}, {pipeline_mode = #tpu.pipeline_mode<synchronous>, transform_indices = @transform_2, window_bounds = array<i64: 64, 8>}, {pipeline_mode = #tpu.pipeline_mode<synchronous>, transform_indices = @transform_3, window_bounds = array<i64: 64, 64>}, {pipeline_mode = #tpu.pipeline_mode<synchronous>, transform_indices = @transform_4, window_bounds = array<i64: 64, 64>}, {pipeline_mode = #tpu.pipeline_mode<synchronous>, transform_indices = @transform_5, window_bounds = array<i64: 256, 128>}, {transform_indices = @transform_6, window_bounds = array<i64: 3200, 128>}]} {
    %get3A = arith.constant 0 : index
    %get3A_0 = arith.constant 0 : index
    %get3A_1 = vector.load %arg3[%get3A, %get3A_0] : memref<64x8xf32, #tpu.memory_space<vmem>>, vector<64x8xf32>
    %get3A_2 = arith.constant 0 : index
    %get3A_3 = arith.constant 0 : index
    %get3A_4 = vector.load %arg1[%get3A_2, %get3A_3] : memref<8x3200xf32, #tpu.memory_space<vmem>>, vector<8x3200xf32>
    %dot_general3A = arith.constant dense<0.000000e+00> : vector<64x3200xf32>
    %dot_general3A_5 = tpu.matmul %get3A_1, %get3A_4, %dot_general3A {dimension_numbers = #tpu.dot_dimension_numbers<[1], [0], [0], [1], [0, 0, 1, 1], [], []>, transpose_lhs_hint = false} : vector<64x8xf32>, vector<8x3200xf32>, vector<64x3200xf32> -> vector<64x3200xf32>
    %neg3A = arith.constant 0.000000e+00 : f32
    %neg3A_6 = vector.broadcast %neg3A : f32 to vector<64x3200xf32>
    %neg3A_7 = arith.subf %neg3A_6, %dot_general3A_5 : vector<64x3200xf32>
    %exp3A = math.exp %neg3A_7 : vector<64x3200xf32>
    %add3A = arith.constant 1.000000e+00 : f32
    %add3A_8 = vector.broadcast %add3A : f32 to vector<64x3200xf32>
    %add3A_9 = arith.addf %add3A_8, %exp3A : vector<64x3200xf32>
    %div3A = arith.constant 1.000000e+00 : f32
    %div3A_10 = vector.broadcast %div3A : f32 to vector<64x3200xf32>
    %div3A_11 = arith.divf %div3A_10, %add3A_9 : vector<64x3200xf32>
    %mul3A = arith.mulf %dot_general3A_5, %div3A_11 : vector<64x3200xf32>
    %get3A_12 = arith.constant 0 : index
    %get3A_13 = arith.constant 0 : index
    %get3A_14 = vector.load %arg4[%get3A_12, %get3A_13] : memref<64x64xf32, #tpu.memory_space<vmem>>, vector<64x64xf32>
    %dot_general3A_15 = arith.constant dense<0.000000e+00> : vector<64x3200xf32>
    %dot_general3A_16 = tpu.matmul %get3A_14, %mul3A, %dot_general3A_15 {dimension_numbers = #tpu.dot_dimension_numbers<[1], [0], [0], [1], [0, 0, 1, 1], [], []>, transpose_lhs_hint = false} : vector<64x64xf32>, vector<64x3200xf32>, vector<64x3200xf32> -> vector<64x3200xf32>
    %neg3A_17 = arith.constant 0.000000e+00 : f32
    %neg3A_18 = vector.broadcast %neg3A_17 : f32 to vector<64x3200xf32>
    %neg3A_19 = arith.subf %neg3A_18, %dot_general3A_16 : vector<64x3200xf32>
    %exp3A_20 = math.exp %neg3A_19 : vector<64x3200xf32>
    %add3A_21 = arith.constant 1.000000e+00 : f32
    %add3A_22 = vector.broadcast %add3A_21 : f32 to vector<64x3200xf32>
    %add3A_23 = arith.addf %add3A_22, %exp3A_20 : vector<64x3200xf32>
    %div3A_24 = arith.constant 1.000000e+00 : f32
    %div3A_25 = vector.broadcast %div3A_24 : f32 to vector<64x3200xf32>
    %div3A_26 = arith.divf %div3A_25, %add3A_23 : vector<64x3200xf32>
    %mul3A_27 = arith.mulf %dot_general3A_16, %div3A_26 : vector<64x3200xf32>
    %get3A_28 = arith.constant 0 : index
    %get3A_29 = arith.constant 0 : index
    %get3A_30 = vector.load %arg5[%get3A_28, %get3A_29] : memref<64x64xf32, #tpu.memory_space<vmem>>, vector<64x64xf32>
    %dot_general3A_31 = arith.constant dense<0.000000e+00> : vector<64x3200xf32>
    %dot_general3A_32 = tpu.matmul %get3A_30, %mul3A_27, %dot_general3A_31 {dimension_numbers = #tpu.dot_dimension_numbers<[1], [0], [0], [1], [0, 0, 1, 1], [], []>, transpose_lhs_hint = false} : vector<64x64xf32>, vector<64x3200xf32>, vector<64x3200xf32> -> vector<64x3200xf32>
    %neg3A_33 = arith.constant 0.000000e+00 : f32
    %neg3A_34 = vector.broadcast %neg3A_33 : f32 to vector<64x3200xf32>
    %neg3A_35 = arith.subf %neg3A_34, %dot_general3A_32 : vector<64x3200xf32>
    %exp3A_36 = math.exp %neg3A_35 : vector<64x3200xf32>
    %add3A_37 = arith.constant 1.000000e+00 : f32
    %add3A_38 = vector.broadcast %add3A_37 : f32 to vector<64x3200xf32>
    %add3A_39 = arith.addf %add3A_38, %exp3A_36 : vector<64x3200xf32>
    %div3A_40 = arith.constant 1.000000e+00 : f32
    %div3A_41 = vector.broadcast %div3A_40 : f32 to vector<64x3200xf32>
    %div3A_42 = arith.divf %div3A_41, %add3A_39 : vector<64x3200xf32>
    %mul3A_43 = arith.mulf %dot_general3A_32, %div3A_42 : vector<64x3200xf32>
    %get3A_44 = arith.constant 0 : index
    %get3A_45 = arith.constant 0 : index
    %get3A_46 = vector.load %arg2[%get3A_44, %get3A_45] : memref<4x3200xf32, #tpu.memory_space<vmem>>, vector<1x3200xf32>
    %mul3A_47 = vector.broadcast %get3A_46 : vector<1x3200xf32> to vector<64x3200xf32>
    %mul3A_48 = arith.mulf %mul3A_43, %mul3A_47 : vector<64x3200xf32>
    %get3A_49 = arith.constant 1 : index
    %get3A_50 = arith.constant 0 : index
    %get3A_51 = vector.load %arg2[%get3A_49, %get3A_50] : memref<4x3200xf32, #tpu.memory_space<vmem>>, vector<1x3200xf32>
    %mul3A_52 = vector.broadcast %get3A_51 : vector<1x3200xf32> to vector<64x3200xf32>
    %mul3A_53 = arith.mulf %mul3A_43, %mul3A_52 : vector<64x3200xf32>
    %get3A_54 = arith.constant 2 : index
    %get3A_55 = arith.constant 0 : index
    %get3A_56 = vector.load %arg2[%get3A_54, %get3A_55] : memref<4x3200xf32, #tpu.memory_space<vmem>>, vector<1x3200xf32>
    %mul3A_57 = vector.broadcast %get3A_56 : vector<1x3200xf32> to vector<64x3200xf32>
    %mul3A_58 = arith.mulf %mul3A_43, %mul3A_57 : vector<64x3200xf32>
    %get3A_59 = arith.constant 3 : index
    %get3A_60 = arith.constant 0 : index
    %get3A_61 = vector.load %arg2[%get3A_59, %get3A_60] : memref<4x3200xf32, #tpu.memory_space<vmem>>, vector<1x3200xf32>
    %mul3A_62 = vector.broadcast %get3A_61 : vector<1x3200xf32> to vector<64x3200xf32>
    %mul3A_63 = arith.mulf %mul3A_43, %mul3A_62 : vector<64x3200xf32>
    %concatenate3A = tpu.concatenate %mul3A_48, %mul3A_53, %mul3A_58, %mul3A_63 in 0 : vector<64x3200xf32>, vector<64x3200xf32>, vector<64x3200xf32>, vector<64x3200xf32> -> vector<256x3200xf32>
    %convert_element_type3A = arith.truncf %concatenate3A : vector<256x3200xf32> to vector<256x3200xbf16>
    %get3A_64 = arith.constant 0 : index
    %get3A_65 = arith.constant 0 : index
    %get3A_66 = vector.load %arg6[%get3A_64, %get3A_65] : memref<256x128xbf16, #tpu.memory_space<vmem>>, vector<256x128xbf16>
    %dot_general3A_67 = arith.constant dense<0.000000e+00> : vector<3200x128xf32>
    %dot_general3A_68 = tpu.matmul %convert_element_type3A, %get3A_66, %dot_general3A_67 {dimension_numbers = #tpu.dot_dimension_numbers<[0], [0], [1], [1], [0, 1, 1, 1], [], []>, transpose_lhs_hint = false} : vector<256x3200xbf16>, vector<256x128xbf16>, vector<3200x128xf32> -> vector<3200x128xf32>
    %swap3A = arith.constant 0 : index
    %swap3A_69 = arith.constant 0 : index
    %swap3A_70 = vector.load %arg7[%swap3A, %swap3A_69] : memref<3200x128xf32, #tpu.memory_space<vmem>>, vector<3200x128xf32>
    tpu.vector_store %arg7[%swap3A, %swap3A_69], %dot_general3A_68 {strides = array<i32>} : memref<3200x128xf32, #tpu.memory_space<vmem>>, vector<3200x128xf32>,
    return
  }
  func.func @transform_0(%arg0: i32) -> (i32, i32) {
    %add3A = arith.constant 0 : i32
    %add3A_0 = arith.addi %arg0, %add3A : i32
    %c0_i32 = arith.constant 0 : i32
    %c0_i32_1 = arith.constant 0 : i32
    return %c0_i32, %add3A_0 : i32, i32
  }
  func.func @transform_1(%arg0: i32) -> (i32, i32) {
    %add3A = arith.constant 0 : i32
    %add3A_0 = arith.addi %arg0, %add3A : i32
    %c0_i32 = arith.constant 0 : i32
    %c0_i32_1 = arith.constant 0 : i32
    return %c0_i32, %add3A_0 : i32, i32
  }
  func.func @transform_2(%arg0: i32) -> (i32, i32) {
    %c0_i32 = arith.constant 0 : i32
    %c0_i32_0 = arith.constant 0 : i32
    %c0_i32_1 = arith.constant 0 : i32
    return %c0_i32, %c0_i32_0 : i32, i32
  }
  func.func @transform_3(%arg0: i32) -> (i32, i32) {
    %c0_i32 = arith.constant 0 : i32
    %c0_i32_0 = arith.constant 0 : i32
    %c0_i32_1 = arith.constant 0 : i32
    return %c0_i32, %c0_i32_0 : i32, i32
  }
  func.func @transform_4(%arg0: i32) -> (i32, i32) {
    %c0_i32 = arith.constant 0 : i32
    %c0_i32_0 = arith.constant 0 : i32
    %c0_i32_1 = arith.constant 0 : i32
    return %c0_i32, %c0_i32_0 : i32, i32
  }
  func.func @transform_5(%arg0: i32) -> (i32, i32) {
    %c0_i32 = arith.constant 0 : i32
    %c0_i32_0 = arith.constant 0 : i32
    %c0_i32_1 = arith.constant 0 : i32
    return %c0_i32, %c0_i32_0 : i32, i32
  }
  func.func @transform_6(%arg0: i32) -> (i32, i32) {
    %c0_i32 = arith.constant 0 : i32
    %c0_i32_0 = arith.constant 0 : i32
    return %arg0, %c0_i32 : i32, i32
  }
}

module attributes {stable_mosaic.version = 14 : i64} {
  func.func @_nf2_body(%arg0: i32, %arg1: memref<1000x128xf32, #tpu.memory_space<vmem>>, %arg2: memref<128x128xf32, #tpu.memory_space<vmem>>, %arg3: memref<1000x128xf32, #tpu.memory_space<vmem>>) attributes {dimension_semantics = [#tpu.dimension_semantics<arbitrary>], iteration_bounds = array<i64: 10>, scalar_prefetch = 0 : i64, scratch_operands = 0 : i64, tpu.core_type = #tpu.core_type<tc>, window_params = [{transform_indices = @transform_0, window_bounds = array<i64: 1000, 128>}, {pipeline_mode = #tpu.pipeline_mode<synchronous>, transform_indices = @transform_1, window_bounds = array<i64: 128, 128>}, {transform_indices = @transform_2, window_bounds = array<i64: 1000, 128>}]} {
    %get3A = arith.constant 0 : index
    %get3A_0 = arith.constant 0 : index
    %get3A_1 = vector.load %arg1[%get3A, %get3A_0] : memref<1000x128xf32, #tpu.memory_space<vmem>>, vector<1000x128xf32>
    %get3A_2 = arith.constant 0 : index
    %get3A_3 = arith.constant 0 : index
    %get3A_4 = vector.load %arg2[%get3A_2, %get3A_3] : memref<128x128xf32, #tpu.memory_space<vmem>>, vector<128x128xf32>
    %dot_general3A = arith.constant dense<0.000000e+00> : vector<1000x128xf32>
    %dot_general3A_5 = tpu.matmul %get3A_1, %get3A_4, %dot_general3A {dimension_numbers = #tpu.dot_dimension_numbers<[1], [0], [0], [1], [0, 0, 1, 1], [], []>, transpose_lhs_hint = false} : vector<1000x128xf32>, vector<128x128xf32>, vector<1000x128xf32> -> vector<1000x128xf32>
    %swap3A = arith.constant 0 : index
    %swap3A_6 = arith.constant 0 : index
    %swap3A_7 = vector.load %arg3[%swap3A, %swap3A_6] : memref<1000x128xf32, #tpu.memory_space<vmem>>, vector<1000x128xf32>
    tpu.vector_store %arg3[%swap3A, %swap3A_6], %dot_general3A_5 {strides = array<i32>} : memref<1000x128xf32, #tpu.memory_space<vmem>>, vector<1000x128xf32>,
    return
  }
  func.func @transform_0(%arg0: i32) -> (i32, i32) {
    %c0_i32 = arith.constant 0 : i32
    %c0_i32_0 = arith.constant 0 : i32
    return %arg0, %c0_i32 : i32, i32
  }
  func.func @transform_1(%arg0: i32) -> (i32, i32) {
    %c0_i32 = arith.constant 0 : i32
    %c0_i32_0 = arith.constant 0 : i32
    %c0_i32_1 = arith.constant 0 : i32
    return %c0_i32, %c0_i32_0 : i32, i32
  }
  func.func @transform_2(%arg0: i32) -> (i32, i32) {
    %c0_i32 = arith.constant 0 : i32
    %c0_i32_0 = arith.constant 0 : i32
    return %arg0, %c0_i32 : i32, i32
  }
}

module attributes {stable_mosaic.version = 14 : i64} {
  func.func @_edge_body(%arg0: i32, %arg1: memref<8x3200xf32, #tpu.memory_space<vmem>>, %arg2: memref<4x3200xf32, #tpu.memory_space<vmem>>, %arg3: memref<64x8xf32, #tpu.memory_space<vmem>>, %arg4: memref<64x64xf32, #tpu.memory_space<vmem>>, %arg5: memref<64x64xf32, #tpu.memory_space<vmem>>, %arg6: memref<256x128xbf16, #tpu.memory_space<vmem>>, %arg7: memref<3200x128xf32, #tpu.memory_space<vmem>>) attributes {dimension_semantics = [#tpu.dimension_semantics<arbitrary>], iteration_bounds = array<i64: 25>, scalar_prefetch = 0 : i64, scratch_operands = 0 : i64, tpu.core_type = #tpu.core_type<tc>, window_params = [{transform_indices = @transform_0, window_bounds = array<i64: 8, 3200>}, {transform_indices = @transform_1, window_bounds = array<i64: 4, 3200>}, {pipeline_mode = #tpu.pipeline_mode<synchronous>, transform_indices = @transform_2, window_bounds = array<i64: 64, 8>}, {pipeline_mode = #tpu.pipeline_mode<synchronous>, transform_indices = @transform_3, window_bounds = array<i64: 64, 64>}, {pipeline_mode = #tpu.pipeline_mode<synchronous>, transform_indices = @transform_4, window_bounds = array<i64: 64, 64>}, {pipeline_mode = #tpu.pipeline_mode<synchronous>, transform_indices = @transform_5, window_bounds = array<i64: 256, 128>}, {transform_indices = @transform_6, window_bounds = array<i64: 3200, 128>}]} {
    %get3A = arith.constant 0 : index
    %get3A_0 = arith.constant 0 : index
    %get3A_1 = vector.load %arg3[%get3A, %get3A_0] : memref<64x8xf32, #tpu.memory_space<vmem>>, vector<64x8xf32>
    %get3A_2 = arith.constant 0 : index
    %get3A_3 = arith.constant 0 : index
    %get3A_4 = vector.load %arg1[%get3A_2, %get3A_3] : memref<8x3200xf32, #tpu.memory_space<vmem>>, vector<8x3200xf32>
    %dot_general3A = arith.constant dense<0.000000e+00> : vector<64x3200xf32>
    %dot_general3A_5 = tpu.matmul %get3A_1, %get3A_4, %dot_general3A {dimension_numbers = #tpu.dot_dimension_numbers<[1], [0], [0], [1], [0, 0, 1, 1], [], []>, transpose_lhs_hint = false} : vector<64x8xf32>, vector<8x3200xf32>, vector<64x3200xf32> -> vector<64x3200xf32>
    %neg3A = arith.constant 0.000000e+00 : f32
    %neg3A_6 = vector.broadcast %neg3A : f32 to vector<64x3200xf32>
    %neg3A_7 = arith.subf %neg3A_6, %dot_general3A_5 : vector<64x3200xf32>
    %exp3A = math.exp %neg3A_7 : vector<64x3200xf32>
    %add3A = arith.constant 1.000000e+00 : f32
    %add3A_8 = vector.broadcast %add3A : f32 to vector<64x3200xf32>
    %add3A_9 = arith.addf %add3A_8, %exp3A : vector<64x3200xf32>
    %div3A = arith.constant 1.000000e+00 : f32
    %div3A_10 = vector.broadcast %div3A : f32 to vector<64x3200xf32>
    %div3A_11 = arith.divf %div3A_10, %add3A_9 : vector<64x3200xf32>
    %mul3A = arith.mulf %dot_general3A_5, %div3A_11 : vector<64x3200xf32>
    %get3A_12 = arith.constant 0 : index
    %get3A_13 = arith.constant 0 : index
    %get3A_14 = vector.load %arg4[%get3A_12, %get3A_13] : memref<64x64xf32, #tpu.memory_space<vmem>>, vector<64x64xf32>
    %dot_general3A_15 = arith.constant dense<0.000000e+00> : vector<64x3200xf32>
    %dot_general3A_16 = tpu.matmul %get3A_14, %mul3A, %dot_general3A_15 {dimension_numbers = #tpu.dot_dimension_numbers<[1], [0], [0], [1], [0, 0, 1, 1], [], []>, transpose_lhs_hint = false} : vector<64x64xf32>, vector<64x3200xf32>, vector<64x3200xf32> -> vector<64x3200xf32>
    %neg3A_17 = arith.constant 0.000000e+00 : f32
    %neg3A_18 = vector.broadcast %neg3A_17 : f32 to vector<64x3200xf32>
    %neg3A_19 = arith.subf %neg3A_18, %dot_general3A_16 : vector<64x3200xf32>
    %exp3A_20 = math.exp %neg3A_19 : vector<64x3200xf32>
    %add3A_21 = arith.constant 1.000000e+00 : f32
    %add3A_22 = vector.broadcast %add3A_21 : f32 to vector<64x3200xf32>
    %add3A_23 = arith.addf %add3A_22, %exp3A_20 : vector<64x3200xf32>
    %div3A_24 = arith.constant 1.000000e+00 : f32
    %div3A_25 = vector.broadcast %div3A_24 : f32 to vector<64x3200xf32>
    %div3A_26 = arith.divf %div3A_25, %add3A_23 : vector<64x3200xf32>
    %mul3A_27 = arith.mulf %dot_general3A_16, %div3A_26 : vector<64x3200xf32>
    %get3A_28 = arith.constant 0 : index
    %get3A_29 = arith.constant 0 : index
    %get3A_30 = vector.load %arg5[%get3A_28, %get3A_29] : memref<64x64xf32, #tpu.memory_space<vmem>>, vector<64x64xf32>
    %dot_general3A_31 = arith.constant dense<0.000000e+00> : vector<64x3200xf32>
    %dot_general3A_32 = tpu.matmul %get3A_30, %mul3A_27, %dot_general3A_31 {dimension_numbers = #tpu.dot_dimension_numbers<[1], [0], [0], [1], [0, 0, 1, 1], [], []>, transpose_lhs_hint = false} : vector<64x64xf32>, vector<64x3200xf32>, vector<64x3200xf32> -> vector<64x3200xf32>
    %neg3A_33 = arith.constant 0.000000e+00 : f32
    %neg3A_34 = vector.broadcast %neg3A_33 : f32 to vector<64x3200xf32>
    %neg3A_35 = arith.subf %neg3A_34, %dot_general3A_32 : vector<64x3200xf32>
    %exp3A_36 = math.exp %neg3A_35 : vector<64x3200xf32>
    %add3A_37 = arith.constant 1.000000e+00 : f32
    %add3A_38 = vector.broadcast %add3A_37 : f32 to vector<64x3200xf32>
    %add3A_39 = arith.addf %add3A_38, %exp3A_36 : vector<64x3200xf32>
    %div3A_40 = arith.constant 1.000000e+00 : f32
    %div3A_41 = vector.broadcast %div3A_40 : f32 to vector<64x3200xf32>
    %div3A_42 = arith.divf %div3A_41, %add3A_39 : vector<64x3200xf32>
    %mul3A_43 = arith.mulf %dot_general3A_32, %div3A_42 : vector<64x3200xf32>
    %get3A_44 = arith.constant 0 : index
    %get3A_45 = arith.constant 0 : index
    %get3A_46 = vector.load %arg2[%get3A_44, %get3A_45] : memref<4x3200xf32, #tpu.memory_space<vmem>>, vector<1x3200xf32>
    %mul3A_47 = vector.broadcast %get3A_46 : vector<1x3200xf32> to vector<64x3200xf32>
    %mul3A_48 = arith.mulf %mul3A_43, %mul3A_47 : vector<64x3200xf32>
    %get3A_49 = arith.constant 1 : index
    %get3A_50 = arith.constant 0 : index
    %get3A_51 = vector.load %arg2[%get3A_49, %get3A_50] : memref<4x3200xf32, #tpu.memory_space<vmem>>, vector<1x3200xf32>
    %mul3A_52 = vector.broadcast %get3A_51 : vector<1x3200xf32> to vector<64x3200xf32>
    %mul3A_53 = arith.mulf %mul3A_43, %mul3A_52 : vector<64x3200xf32>
    %get3A_54 = arith.constant 2 : index
    %get3A_55 = arith.constant 0 : index
    %get3A_56 = vector.load %arg2[%get3A_54, %get3A_55] : memref<4x3200xf32, #tpu.memory_space<vmem>>, vector<1x3200xf32>
    %mul3A_57 = vector.broadcast %get3A_56 : vector<1x3200xf32> to vector<64x3200xf32>
    %mul3A_58 = arith.mulf %mul3A_43, %mul3A_57 : vector<64x3200xf32>
    %get3A_59 = arith.constant 3 : index
    %get3A_60 = arith.constant 0 : index
    %get3A_61 = vector.load %arg2[%get3A_59, %get3A_60] : memref<4x3200xf32, #tpu.memory_space<vmem>>, vector<1x3200xf32>
    %mul3A_62 = vector.broadcast %get3A_61 : vector<1x3200xf32> to vector<64x3200xf32>
    %mul3A_63 = arith.mulf %mul3A_43, %mul3A_62 : vector<64x3200xf32>
    %concatenate3A = tpu.concatenate %mul3A_48, %mul3A_53, %mul3A_58, %mul3A_63 in 0 : vector<64x3200xf32>, vector<64x3200xf32>, vector<64x3200xf32>, vector<64x3200xf32> -> vector<256x3200xf32>
    %convert_element_type3A = arith.truncf %concatenate3A : vector<256x3200xf32> to vector<256x3200xbf16>
    %get3A_64 = arith.constant 0 : index
    %get3A_65 = arith.constant 0 : index
    %get3A_66 = vector.load %arg6[%get3A_64, %get3A_65] : memref<256x128xbf16, #tpu.memory_space<vmem>>, vector<256x128xbf16>
    %dot_general3A_67 = arith.constant dense<0.000000e+00> : vector<3200x128xf32>
    %dot_general3A_68 = tpu.matmul %convert_element_type3A, %get3A_66, %dot_general3A_67 {dimension_numbers = #tpu.dot_dimension_numbers<[0], [0], [1], [1], [0, 1, 1, 1], [], []>, transpose_lhs_hint = false} : vector<256x3200xbf16>, vector<256x128xbf16>, vector<3200x128xf32> -> vector<3200x128xf32>
    %swap3A = arith.constant 0 : index
    %swap3A_69 = arith.constant 0 : index
    %swap3A_70 = vector.load %arg7[%swap3A, %swap3A_69] : memref<3200x128xf32, #tpu.memory_space<vmem>>, vector<3200x128xf32>
    tpu.vector_store %arg7[%swap3A, %swap3A_69], %dot_general3A_68 {strides = array<i32>} : memref<3200x128xf32, #tpu.memory_space<vmem>>, vector<3200x128xf32>,
    return
  }
  func.func @transform_0(%arg0: i32) -> (i32, i32) {
    %add3A = arith.constant 25 : i32
    %add3A_0 = arith.addi %arg0, %add3A : i32
    %c0_i32 = arith.constant 0 : i32
    %c0_i32_1 = arith.constant 0 : i32
    return %c0_i32, %add3A_0 : i32, i32
  }
  func.func @transform_1(%arg0: i32) -> (i32, i32) {
    %add3A = arith.constant 25 : i32
    %add3A_0 = arith.addi %arg0, %add3A : i32
    %c0_i32 = arith.constant 0 : i32
    %c0_i32_1 = arith.constant 0 : i32
    return %c0_i32, %add3A_0 : i32, i32
  }
  func.func @transform_2(%arg0: i32) -> (i32, i32) {
    %c0_i32 = arith.constant 0 : i32
    %c0_i32_0 = arith.constant 0 : i32
    %c0_i32_1 = arith.constant 0 : i32
    return %c0_i32, %c0_i32_0 : i32, i32
  }
  func.func @transform_3(%arg0: i32) -> (i32, i32) {
    %c0_i32 = arith.constant 0 : i32
    %c0_i32_0 = arith.constant 0 : i32
    %c0_i32_1 = arith.constant 0 : i32
    return %c0_i32, %c0_i32_0 : i32, i32
  }
  func.func @transform_4(%arg0: i32) -> (i32, i32) {
    %c0_i32 = arith.constant 0 : i32
    %c0_i32_0 = arith.constant 0 : i32
    %c0_i32_1 = arith.constant 0 : i32
    return %c0_i32, %c0_i32_0 : i32, i32
  }
  func.func @transform_5(%arg0: i32) -> (i32, i32) {
    %c0_i32 = arith.constant 0 : i32
    %c0_i32_0 = arith.constant 0 : i32
    %c0_i32_1 = arith.constant 0 : i32
    return %c0_i32, %c0_i32_0 : i32, i32
  }
  func.func @transform_6(%arg0: i32) -> (i32, i32) {
    %c0_i32 = arith.constant 0 : i32
    %c0_i32_0 = arith.constant 0 : i32
    return %arg0, %c0_i32 : i32, i32
  }
}

module attributes {stable_mosaic.version = 14 : i64} {
  func.func @_sc_body(%arg0: i32, %arg1: memref<1000x4xf32, #tpu.memory_space<vmem>>, %arg2: memref<1000x128xf32, #tpu.memory_space<vmem>>, %arg3: memref<512x128xf32, #tpu.memory_space<vmem>>, %arg4: memref<1000x128xf32, #tpu.memory_space<vmem>>) attributes {dimension_semantics = [#tpu.dimension_semantics<arbitrary>], iteration_bounds = array<i64: 10>, scalar_prefetch = 0 : i64, scratch_operands = 0 : i64, tpu.core_type = #tpu.core_type<tc>, window_params = [{transform_indices = @transform_0, window_bounds = array<i64: 1000, 4>}, {transform_indices = @transform_1, window_bounds = array<i64: 1000, 128>}, {pipeline_mode = #tpu.pipeline_mode<synchronous>, transform_indices = @transform_2, window_bounds = array<i64: 512, 128>}, {transform_indices = @transform_3, window_bounds = array<i64: 1000, 128>}]} {
    %get3A = arith.constant 0 : index
    %get3A_0 = arith.constant 0 : index
    %get3A_1 = vector.load %arg2[%get3A, %get3A_0] : memref<1000x128xf32, #tpu.memory_space<vmem>>, vector<1000x128xf32>
    %get3A_2 = arith.constant 0 : index
    %get3A_3 = arith.constant 0 : index
    %get3A_4 = vector.load %arg1[%get3A_2, %get3A_3] : memref<1000x4xf32, #tpu.memory_space<vmem>>, vector<1000x4xf32>
    %slice3A = vector.extract_strided_slice %get3A_4 {offsets = [0, 0], sizes = [1000, 1], strides = [1, 1]} : vector<1000x4xf32> to vector<1000x1xf32>
    %mul3A = vector.broadcast %slice3A : vector<1000x1xf32> to vector<1000x128xf32>
    %mul3A_5 = arith.mulf %mul3A, %get3A_1 : vector<1000x128xf32>
    %slice3A_6 = vector.extract_strided_slice %get3A_4 {offsets = [0, 1], sizes = [1000, 1], strides = [1, 1]} : vector<1000x4xf32> to vector<1000x1xf32>
    %mul3A_7 = vector.broadcast %slice3A_6 : vector<1000x1xf32> to vector<1000x128xf32>
    %mul3A_8 = arith.mulf %mul3A_7, %get3A_1 : vector<1000x128xf32>
    %slice3A_9 = vector.extract_strided_slice %get3A_4 {offsets = [0, 2], sizes = [1000, 1], strides = [1, 1]} : vector<1000x4xf32> to vector<1000x1xf32>
    %mul3A_10 = vector.broadcast %slice3A_9 : vector<1000x1xf32> to vector<1000x128xf32>
    %mul3A_11 = arith.mulf %mul3A_10, %get3A_1 : vector<1000x128xf32>
    %slice3A_12 = vector.extract_strided_slice %get3A_4 {offsets = [0, 3], sizes = [1000, 1], strides = [1, 1]} : vector<1000x4xf32> to vector<1000x1xf32>
    %mul3A_13 = vector.broadcast %slice3A_12 : vector<1000x1xf32> to vector<1000x128xf32>
    %mul3A_14 = arith.mulf %mul3A_13, %get3A_1 : vector<1000x128xf32>
    %concatenate3A = tpu.concatenate %mul3A_5, %mul3A_8, %mul3A_11, %mul3A_14 in 1 : vector<1000x128xf32>, vector<1000x128xf32>, vector<1000x128xf32>, vector<1000x128xf32> -> vector<1000x512xf32>
    %get3A_15 = arith.constant 0 : index
    %get3A_16 = arith.constant 0 : index
    %get3A_17 = vector.load %arg3[%get3A_15, %get3A_16] : memref<512x128xf32, #tpu.memory_space<vmem>>, vector<512x128xf32>
    %dot_general3A = arith.constant dense<0.000000e+00> : vector<1000x128xf32>
    %dot_general3A_18 = tpu.matmul %concatenate3A, %get3A_17, %dot_general3A {dimension_numbers = #tpu.dot_dimension_numbers<[1], [0], [0], [1], [0, 0, 1, 1], [], []>, transpose_lhs_hint = false} : vector<1000x512xf32>, vector<512x128xf32>, vector<1000x128xf32> -> vector<1000x128xf32>
    %swap3A = arith.constant 0 : index
    %swap3A_19 = arith.constant 0 : index
    %swap3A_20 = vector.load %arg4[%swap3A, %swap3A_19] : memref<1000x128xf32, #tpu.memory_space<vmem>>, vector<1000x128xf32>
    tpu.vector_store %arg4[%swap3A, %swap3A_19], %dot_general3A_18 {strides = array<i32>} : memref<1000x128xf32, #tpu.memory_space<vmem>>, vector<1000x128xf32>,
    return
  }
  func.func @transform_0(%arg0: i32) -> (i32, i32) {
    %c0_i32 = arith.constant 0 : i32
    %c0_i32_0 = arith.constant 0 : i32
    return %arg0, %c0_i32 : i32, i32
  }
  func.func @transform_1(%arg0: i32) -> (i32, i32) {
    %c0_i32 = arith.constant 0 : i32
    %c0_i32_0 = arith.constant 0 : i32
    return %arg0, %c0_i32 : i32, i32
  }
  func.func @transform_2(%arg0: i32) -> (i32, i32) {
    %c0_i32 = arith.constant 0 : i32
    %c0_i32_0 = arith.constant 0 : i32
    %c0_i32_1 = arith.constant 0 : i32
    return %c0_i32, %c0_i32_0 : i32, i32
  }
  func.func @transform_3(%arg0: i32) -> (i32, i32) {
    %c0_i32 = arith.constant 0 : i32
    %c0_i32_0 = arith.constant 0 : i32
    return %arg0, %c0_i32 : i32, i32
  }
}

module attributes {stable_mosaic.version = 14 : i64} {
  func.func @_final_body(%arg0: i32, %arg1: memref<2x1000x128xf32, #tpu.memory_space<vmem>>, %arg2: memref<128x128xf32, #tpu.memory_space<vmem>>, %arg3: memref<1000x128xf32, #tpu.memory_space<vmem>>) attributes {dimension_semantics = [#tpu.dimension_semantics<arbitrary>], iteration_bounds = array<i64: 10>, scalar_prefetch = 0 : i64, scratch_operands = 0 : i64, tpu.core_type = #tpu.core_type<tc>, window_params = [{transform_indices = @transform_0, window_bounds = array<i64: 2, 1000, 128>}, {pipeline_mode = #tpu.pipeline_mode<synchronous>, transform_indices = @transform_1, window_bounds = array<i64: 128, 128>}, {transform_indices = @transform_2, window_bounds = array<i64: 1000, 128>}]} {
    %get3A = arith.constant 0 : index
    %get3A_0 = arith.constant 0 : index
    %get3A_1 = arith.constant 0 : index
    %get3A_2 = vector.load %arg1[%get3A, %get3A_0, %get3A_1] : memref<2x1000x128xf32, #tpu.memory_space<vmem>>, vector<1x1000x128xf32>
    %get3A_3 = vector.shape_cast %get3A_2 : vector<1x1000x128xf32> to vector<1000x128xf32>
    %get3A_4 = arith.constant 1 : index
    %get3A_5 = arith.constant 0 : index
    %get3A_6 = arith.constant 0 : index
    %get3A_7 = vector.load %arg1[%get3A_4, %get3A_5, %get3A_6] : memref<2x1000x128xf32, #tpu.memory_space<vmem>>, vector<1x1000x128xf32>
    %get3A_8 = vector.shape_cast %get3A_7 : vector<1x1000x128xf32> to vector<1000x128xf32>
    %add3A = arith.addf %get3A_3, %get3A_8 : vector<1000x128xf32>
    %get3A_9 = arith.constant 0 : index
    %get3A_10 = arith.constant 0 : index
    %get3A_11 = vector.load %arg2[%get3A_9, %get3A_10] : memref<128x128xf32, #tpu.memory_space<vmem>>, vector<128x128xf32>
    %dot_general3A = arith.constant dense<0.000000e+00> : vector<1000x128xf32>
    %dot_general3A_12 = tpu.matmul %add3A, %get3A_11, %dot_general3A {dimension_numbers = #tpu.dot_dimension_numbers<[1], [0], [0], [1], [0, 0, 1, 1], [], []>, transpose_lhs_hint = false} : vector<1000x128xf32>, vector<128x128xf32>, vector<1000x128xf32> -> vector<1000x128xf32>
    %mul3A = arith.constant 6.250000e-02 : f32
    %mul3A_13 = vector.broadcast %mul3A : f32 to vector<1000x128xf32>
    %mul3A_14 = arith.mulf %dot_general3A_12, %mul3A_13 : vector<1000x128xf32>
    %swap3A = arith.constant 0 : index
    %swap3A_15 = arith.constant 0 : index
    %swap3A_16 = vector.load %arg3[%swap3A, %swap3A_15] : memref<1000x128xf32, #tpu.memory_space<vmem>>, vector<1000x128xf32>
    tpu.vector_store %arg3[%swap3A, %swap3A_15], %mul3A_14 {strides = array<i32>} : memref<1000x128xf32, #tpu.memory_space<vmem>>, vector<1000x128xf32>,
    return
  }
  func.func @transform_0(%arg0: i32) -> (i32, i32, i32) {
    %c0_i32 = arith.constant 0 : i32
    %c0_i32_0 = arith.constant 0 : i32
    %c0_i32_1 = arith.constant 0 : i32
    return %c0_i32, %arg0, %c0_i32_0 : i32, i32, i32
  }
  func.func @transform_1(%arg0: i32) -> (i32, i32) {
    %c0_i32 = arith.constant 0 : i32
    %c0_i32_0 = arith.constant 0 : i32
    %c0_i32_1 = arith.constant 0 : i32
    return %c0_i32, %c0_i32_0 : i32, i32
  }
  func.func @transform_2(%arg0: i32) -> (i32, i32) {
    %c0_i32 = arith.constant 0 : i32
    %c0_i32_0 = arith.constant 0 : i32
    return %arg0, %c0_i32 : i32, i32
  }
}

</mosaic_0001>

<sc_bundles>
// kernel: kernel.12.cloned.1.call-start
scs
__scs_entry_jumppad:
0x0: {  	(pc) =	sbr.rel $0x88, $3  }
0x1: {  	(tag) =	ssettag $0x0;
	lr =	simm.s32 $0x1  }
0x2: {  	[smem:$0x3F94] =	sst lr;
	_ =	strace $0xD0000000  }
0x3: {  	_ = 	snop  }
0x4: {  	_ = 	snop  }
0x5: {  	_ = 	snop  }
0x6: {  	_ = 	snop  }
0x7: {  	_ = 	snop  }
__scs_overlays_trampoline_lowered:
0x8: {  	[smem:$0x3FA3] =	sst s0  }
0x9: {  	[smem:$0x3FA4] =	sst s1  }
0xa: {  	[smem:$0x3FA5] =	sst s2  }
0xb: {  	[smem:$0x3FA6] =	sst s3  }
0xc: {  	[smem:$0x3FA7] =	sst s4  }
0xd: {  	[smem:$0x3FA8] =	sst s5  }
0xe: {  	[smem:$0x3FA9] =	sst s6  }
0xf: {  	[smem:$0x3FAA] =	sst s7  }
0x10: {  	[smem:$0x3FAB] =	sst s8  }
0x11: {  	[smem:$0x3FAC] =	sst s9;
	s0 =	simm.s32 @!p0 $0x0  }
0x12: {  	s1 =	sld [smem:$0x3F92];
	s0 =	simm.s32 @p0 $0x1  }
0x13: {  	[smem:$0x3FAD] =	sst s0;
	s0 =	simm.s32 @!p1 $0x0  }
0x14: {  	s2 =	sld [smem:$0x3F91];
	s0 =	simm.s32 @p1 $0x1  }
0x15: {  	[smem:$0x3FAE] =	sst s0;
	s0 =	simm.s32 @!p2 $0x0  }
0x16: {  	s3 =	sld [smem:$0x3FDB];
	s0 =	simm.s32 @p2 $0x1  }
0x17: {  	s4 =	simm.s32 $0x1BF5;
	[smem:$0x3FB0] =	sst s0  }
0x18: {  	s0 =	sld [smem:$0x3F93];
	_ =	swait.ge [sflag:s4], $0x0  }
0x19: {  	s7 =	sld [smem:$0x3F94]  }
0x1a: {  	s8 =	sadd.s32 $0xFFFFE003, lr  }
0x1b: {  	s9 =	sadd.s32 $0xFFFFFEF7, lr;
	s5 =	simm.s32 $0xFFFFFFFF;
	p2 =	slt.u32 s8, $0xFFFFF086  }
0x1c: {  	p1 =	slt.u32 s9, $0xF7A;
	s5 =	simm.s32 @!p2 $0x0  }
0x1d: {  	s5 =	simm.s32 @p1 $0x1;
	p0 =	seq.s32 s7, s2  }
0x1e: {  	s7 =	smul.u32 @!p0 $0xF7A, s2;
	p2 =	seq.s32 @!p0 s5, $0x0  }
0x1f: {  	s9 =	smul.u32 $0xF7A, s1;
	s8 =	simm.s32 @!p0 $0x1BF5;
	p2 =	por !p2, p0  }
0x20: {  	[sflag:s8] =	ssyncset.s32 @!p0 $0xFFFFF086;
	s6 =	sadd.s32 @!p0 s3, s7;
	s7 =	simm.s32 @!p0 $0x108  }
0x21: {  	s3 =	sadd.s32 s3, s9;
	s6 =	sadd.s32 @!p0 $0x88, s6;
	s7 =	simm.s32 @p2 $0x1082  }
0x22: {  	[simem:s7], [sflag:s8] =	dma.local @!p0 [hbm:s6], $0xF7A  }
0x23: {  	s9 =	sor.u32 $0xD0000000, s2;
	s6 =	simm.s32 $0x108;
	_ =	swait.ge @!p0 [sflag:s8], $0x0  }
0x24: {  	s3 =	sadd.s32 $0x88, s3;
	s6 =	simm.s32 @!p1 $0x1082;
	[sflag:s4] =	ssyncset.s32 $0xFFFFF086  }
0x25: {  	[simem:s6], [sflag:s4] =	dma.local [hbm:s3], $0xF7A  }
0x26: {  	[smem:$0x3F94] =	sst s1;
	(tag) =	ssettag s2;
	_ =	strace s9  }
0x27: {  	s1 =	sld [smem:$0x3FA4]  }
0x28: {  	s2 =	sld [smem:$0x3FA5]  }
0x29: {  	s4 =	sld [smem:$0x3FA7]  }
0x2a: {  	p0 =	seq.s32 s5, $0x0;
	s5 =	sld [smem:$0x3FA8]  }
0x2b: {  	s6 =	sld [smem:$0x3FA9]  }
0x2c: {  	s7 =	sld [smem:$0x3FAA]  }
0x2d: {  	s3 =	simm.s32 $0x108;
	s8 =	sld [smem:$0x3FAB]  }
0x2e: {  	s3 =	simm.s32 @!p0 $0x1082;
	s9 =	sld [smem:$0x3FAC]  }
0x2f: {  	lr =	sadd.s32 s0, s3;
	s0 =	sld [smem:$0x3FA3]  }
0x30: {  	s3 =	sld [smem:$0x3FA6]  }
0x31: {  	[smem:$0x3FAF] =	sst s10  }
0x32: {  	s10 =	sld [smem:$0x3FAD];
	_ =	sdelay $0x3  }
0x33: {  	p0 =	seq.s32 s10, $0x1;
	s10 =	sld [smem:$0x3FAF];
	_ =	sdelay $0x3  }
0x34: {  	[smem:$0x3FAF] =	sst s10  }
0x35: {  	s10 =	sld [smem:$0x3FAE];
	_ =	sdelay $0x3  }
0x36: {  	p1 =	seq.s32 s10, $0x1;
	s10 =	sld [smem:$0x3FAF];
	_ =	sdelay $0x3  }
0x37: {  	[smem:$0x3FAF] =	sst s10  }
0x38: {  	s10 =	sld [smem:$0x3FB0]  }
0x39: {  	_ = 	snop;
	(pc) =	sbr.ind lr, $3  }
0x3a: {  	_ = 	snop  }
0x3b: {  	_ = 	snop  }
0x3c: {  	p2 =	seq.s32 s10, $0x1;
	s10 =	sld [smem:$0x3FAF]  }
0x3d: {  	_ =	shalt  }
0x3e: {  	_ =	shalt  }
0x3f: {  	_ =	shalt  }
0x40: {  	_ =	shalt  }
0x41: {  	_ =	shalt  }
0x42: {  	_ =	shalt  }
0x43: {  	_ =	shalt  }
0x44: {  	_ =	shalt  }
0x45: {  	_ =	shalt  }
0x46: {  	_ =	shalt  }
0x47: {  	_ =	shalt  }
0x48: {  	_ =	shalt  }
0x49: {  	_ =	shalt  }
0x4a: {  	_ =	shalt  }
0x4b: {  	_ =	shalt  }
0x4c: {  	_ =	shalt  }
0x4d: {  	_ =	shalt  }
0x4e: {  	_ =	shalt  }
0x4f: {  	_ =	shalt  }
0x50: {  	_ =	shalt  }
0x51: {  	_ =	shalt  }
0x52: {  	_ =	shalt  }
0x53: {  	_ =	shalt  }
0x54: {  	_ =	shalt  }
0x55: {  	_ =	shalt  }
0x56: {  	_ =	shalt  }
0x57: {  	_ =	shalt  }
0x58: {  	_ =	shalt  }
0x59: {  	_ =	shalt  }
0x5a: {  	_ =	shalt  }
0x5b: {  	_ =	shalt  }
0x5c: {  	_ =	shalt  }
0x5d: {  	_ =	shalt  }
0x5e: {  	_ =	shalt  }
0x5f: {  	_ =	shalt  }
0x60: {  	_ =	shalt  }
0x61: {  	_ =	shalt  }
0x62: {  	_ =	shalt  }
0x63: {  	_ =	shalt  }
0x64: {  	_ =	shalt  }
0x65: {  	_ =	shalt  }
0x66: {  	_ =	shalt  }
0x67: {  	_ =	shalt  }
0x68: {  	_ =	shalt  }
0x69: {  	_ =	shalt  }
0x6a: {  	_ =	shalt  }
0x6b: {  	_ =	shalt  }
0x6c: {  	_ =	shalt  }
0x6d: {  	_ =	shalt  }
0x6e: {  	_ =	shalt  }
0x6f: {  	_ =	shalt  }
0x70: {  	_ =	shalt  }
0x71: {  	_ =	shalt  }
0x72: {  	_ =	shalt  }
0x73: {  	_ =	shalt  }
0x74: {  	_ =	shalt  }
0x75: {  	_ =	shalt  }
0x76: {  	_ =	shalt  }
0x77: {  	_ =	shalt  }
0x78: {  	_ =	shalt  }
0x79: {  	_ =	shalt  }
0x7a: {  	_ =	shalt  }
0x7b: {  	_ =	shalt  }
0x7c: {  	_ =	shalt  }
0x7d: {  	_ =	shalt  }
0x7e: {  	_ =	shalt  }
0x7f: {  	_ =	shalt  }
0x80: {  	_ =	shalt  }
0x81: {  	_ =	shalt  }
0x82: {  	_ =	shalt  }
0x83: {  	_ =	shalt  }
0x84: {  	_ =	shalt  }
0x85: {  	_ =	shalt  }
0x86: {  	_ =	shalt  }
0x87: {  	_ =	shalt  }
.Lfunc_end0:
.L_simem_size_0:
called_computation.1_lowered:
.L_overlay_start_0:
0x88: {  	s2 =	sld [smem:$0x3FD9]  }
0x89: {  	s3 =	sld [smem:$0x3FFE];
	_ =	sdelay $0x1  }
0x8a: {  	s1 =	srdreg.scid  }
0x8b: {  	s0 =	sand.u32 $0x1, s1  }
0x8c: {  	s14 =	sshll.u32 s0, $0xA;
	s2 =	sadd.s32 s3, s2  }
0x8d: {  	s2 =	sadd.s32 s2, s14  }
0x8e: {  	[smem:$0x3FBB] =	sst s2  }
0x8f: {  	_ = 	snop  }
0x90: {  	s2 =	sld [smem:$0x3FD0];
	_ =	sdelay $0x1  }
0x91: {  	s15 =	sld [smem:$0x3FC5]  }
0x92: {  	s5 =	simm.s32 $0xA;
	s6 =	simm.s32 $0x10;
	s4 =	sld [smem:$0x3FC4]  }
0x93: {  	[smem:s6], [sflag:s5] =	dma.local [hbm:s2], $0x1  }
0x94: {  	_ =	swait.eq [sflag:s5], $0x1  }
0x95: {  	[sflag:s5] =	ssyncset.done $0x0  }
0x96: {  	[sflag:s5] =	ssyncadd.s32 $0xFFFFFFFF  }
0x97: {  	s16 =	sld [smem:$0x10];
	(tm) =	ssettm $0x1  }
0x98: {  	s17 =	sld [smem:$0x3FFB];
	_ =	sdelay $0x3  }
0x99: {  	_ =	strace s17  }
0x9a: {  	s5 =	sld [smem:$0x3FFC];
	_ =	sdelay $0x3  }
0x9b: {  	_ =	strace s5  }
0x9c: {  	s5 =	sld [smem:$0x3FFD];
	_ =	sdelay $0x3  }
0x9d: {  	_ =	strace s5  }
0x9e: {  	_ =	strace $0x8FFFFFFF  }
0x9f: {  	s18 =	sld [smem:$0x3FDB];
	_ =	sdelay $0x1  }
0xa0: {  	s19 =	simm.s32 $_scs_section_size  }
0xa1: {  	s7 =	simm.s32 $_size__tile_overlayer_lowered;
	s8 =	simm.s32 $_tile_overlayer_lowered  }
0xa2: {  	s22 =	simm.s32 $0x1BFF;
	s21 =	sshll.u32 s8, $0x1;
	s5 =	sadd.s32 s19, s18  }
0xa3: {  	s9 =	simm.s32 $0x0;
	s20 =	sshll.u32 s7, $0x1;
	s7 =	sadd.s32 s21, s5  }
0xa4: {  	[timem:s9], [sflag:s22] =	dma.local [hbm:s7], s20  }
0xa5: {  	_ =	swait.ge [sflag:s22], s20  }
0xa6: {  	s6 =	ssub.s32 $0x0, s20;
	[sflag:s22] =	ssyncset.done $0x0  }
0xa7: {  	[sflag:s22] =	ssyncadd.s32 s6;
	_ =	sdelay $0x1  }
0xa8: {  	s23 =	simm.s32 $0x1B8B  }
0xa9: {  	_ =	swait.ge [sflag:s23], $0x1  }
0xaa: {  	[sflag:s23] =	ssyncset.done $0x0  }
0xab: {  	s25 =	simm.s32 $0x1B8E;
	s24 =	sld [smem:$0x3FFE];
	[sflag:s23] =	ssyncadd.s32 $0xFFFFFFFF  }
0xac: {  	s26 =	simm.s32 $execute0_lowered;
	[smem:$0x3FD2] =	sst s25  }
0xad: {  	s7 =	sshll.u32 s26, $0x1;
	_ =	strace $0x80000049;
	[dreg:$0x1] =	wrdreg $0xFFFFFFFF  }
0xae: {  	s28 =	simm.s32 $_size_execute0_lowered;
	s5 =	sadd.s32 s5, s7;
	[dreg:$0x0] =	wrdreg $0x0  }
0xaf: {  	s7 =	sshll.u32 s28, $0x1;
	[dreg:$0x2] =	wrdreg s5  }
0xb0: {  	[dreg:$0x3] =	wrdreg s7  }
0xb1: {  	[dreg:$0x4] =	wrdreg $0xC0  }
0xb2: {  	_ =	task [dreg:s9], $0x5FFFF  }
0xb3: {  	[dreg:$0x1] =	wrdreg $0xFFFFFFFF  }
0xb4: {  	[dreg:$0x0] =	wrdreg $0x60  }
0xb5: {  	[dreg:$0x2] =	wrdreg s16  }
0xb6: {  	[dreg:$0x3] =	wrdreg s24  }
0xb7: {  	[dreg:$0x4] =	wrdreg s15  }
0xb8: {  	[dreg:$0x5] =	wrdreg s4  }
0xb9: {  	[dreg:$0x6] =	wrdreg $0xC3000  }
0xba: {  	[dreg:$0x7] =	wrdreg $0x9  }
0xbb: {  	_ =	task.clear_ibuf [dreg:s9], $0x8FFFF;
	_ =	strace $0x90000049  }
0xbc: {  	s29 =	simm.s32 $0x9;
	_ =	strace $0x8000004B  }
0xbd: {  	_ =	swait.ge [sflag:s29], $0x1  }
0xbe: {  	[sflag:s29] =	ssyncadd.s32 $0xFFFFFFFF  }
0xbf: {  	_ =	strace $0x9000004B  }
0xc0: {  	_ =	sfence  }
0xc1: {  	s30 =	sld [smem:$0x0];
	_ =	sdelay $0x2  }
0xc2: {  	s31 =	sshll.u32 s1, $0xD;
	s1 =	sshrl.u32 s1, $0x2  }
0xc3: {  	s3 =	sand.u32 $0x4000, s31;
	s1 =	sadd.s32 s1, s30  }
0xc4: {  	s0 =	sor.u32 s3, s0;
	s1 =	sshll.u32 s1, $0x11  }
0xc5: {  	s0 =	sor.u32 s1, s0  }
0xc6: {  	s0 =	sadd.s32 $0x8F2B, s0  }
0xc7: {  	[sflag:s0] =	ssyncadd.remote.s32 $0x1  }
0xc8: {  	_ =	sfence.sel $0xFFFF  }
0xc9: {  	[dreg:$0x0] =	wrdreg $0xFFFFFFFF;
	(pc) =	sbr.abs _section_cstart, $3  }
0xca: {  	[dreg:$0x1] =	wrdreg $0xFFFFFFFF  }
0xcb: {  	_ =	task.clear_ibuf [dreg:s9], $0x2FFFF;
	_ =	strace $0x9FFFFFFF  }
0xcc: {  	(tm) =	ssettm $0x7FFFFFFF  }
0xcd: {  	_ =	shalt  }
tec
execute0_lowered:
.L_overlay_start_1:
0x0: {  	(tag) =	ssettag $0x1  }
0x1: {  	s1 =	rddreg [dreg:$0x0]  }
0x2: {  	s0 =	rddreg [dreg:$0x1]  }
0x3: {  	s2 =	rddreg [dreg:$0x2]  }
0x4: {  	s3 =	rddreg [dreg:$0x3]  }
0x5: {  	s4 =	rddreg [dreg:$0x4]  }
0x6: {  	s6 =	simm.s32 $0x0;
	s5 =	srdreg.scid;
	s17 =	stileid.u32  }
0x7: {  	s29 =	simm.s32 $0x1;
	s30 =	simm.s32 $0x40;
	s31 =	simm.s32 $0x4  }
0x8: {  	[smem:$0x7FF] =	sst s6;
	s5 =	sand.u32 $0x1, s5;
	s7 =	sadd.s32 $0x189200, s0  }
0x9: {  	s8 =	sshll.u32 s17, $0x1;
	p0 =	seq.s32 s17, $0x0;
	s26 =	smul.u32 $0x4E000, s17  }
0xa: {  	s15 =	smul.u32 $0x13800, s17;
	s20 =	sshll.u32 s17, $0x6;
	s21 =	sadd.s32 $0x138000, s4  }
0xb: {  	s24 =	smul.u32 $0x138800, s5;
	_ =	strace $0x8000004A;
	s9 =	ssub.s32 $0x2, s5  }
0xc: {  	s5 =	sor.u32 s5, s8;
	[dreg:$0xc] =	wrdreg s21;
	s25 =	sshrl.u32 s9, $0x1  }
0xd: {  	s12 =	smul.u32 $0x27, s5;
	s5 =	smin.u32 s5, $0x2;
	s18 =	sshrl.u32 s15, $0x3  }
0xe: {  	s10 =	sshrl.u32 s24, $0x3;
	s13 =	ssub.s32 s9, s25;
	s9 =	simm.s32 $0x28  }
0xf: {  	s6 =	sadd.s32 s15, s24;
	s11 =	sadd.s32 s10, s0;
	s0 =	sadd.s32 $0x2800, s0  }
0x10: {  	s8 =	sadd.s32 s5, s12;
	s9 =	simm.s32 @!p0 $0x27;
	s24 =	sshrl.u32 s6, $0x3  }
0x11: {  	p0 =	sne.s32 s17, $0xF;
	s6 =	simm.s32 $0x3;
	s5 =	sshll.u32 s8, $0x3  }
0x12: {  	s19 =	sadd.s32 s18, s11;
	s22 =	sadd.s32 $0x162000, s11;
	s23 =	sshll.u32 s8, $0xA  }
0x13: {  	s25 =	sadd.s32 s0, s10;
	s0 =	sadd.s32 s0, s24;
	s18 =	simm.s32 $0x9  }
0x14: {  	s24 =	simm.s32 $0x5;
	s14 =	sadd.s32 $0x2710, s5;
	[dreg:$0xd] =	wrdreg s22  }
0x15: {  	s10 =	simm.s32 $0x280;
	[dreg:$0xf] =	wrdreg s0;
	s16 =	sadd.s32 s2, s14  }
0x16: {  	s5 =	sadd.s32 $0x2718, s5;
	s14 =	sadd.s32 s3, s14;
	[dreg:$0x6] =	wrdreg s16  }
0x17: {  	s11 =	simm.s32 $0xA300;
	s28 =	sadd.s32 s2, s5;
	[dreg:$0x7] =	wrdreg s14  }
0x18: {  	s0 =	simm.s32 $0x6;
	s5 =	sadd.s32 s3, s5;
	[dreg:$0x8] =	wrdreg s28  }
0x19: {  	[dreg:$0x9] =	wrdreg s5;
	s16 =	sshrl.u32 s26, $0x2;
	s26 =	sadd.s32 $0x27000, s25  }
.Ltmp0:
0x1a: {  	s28 =	smax.u32 s13, $0x1;
	[dreg:$0x10] =	wrdreg s26;
	(pc) =	sbr.rel .LBB2_1-.Ltmp0, $4  }
0x1b: {  	s25 =	simm.s32 $0x200;
	s5 =	sadd.s32 s16, s4;
	[dreg:$0x11] =	wrdreg s28  }
0x1c: {  	s14 =	simm.s32 $0x0;
	[dreg:$0xa] =	wrdreg s5;
	s5 =	sadd.s32 $0x13B000, s19  }
0x1d: {  	s16 =	sor.u32 $0x1C09, s20;
	[dreg:$0xb] =	wrdreg s5;
	s5 =	sadd.s32 s7, s23  }
0x1e: {  	s20 =	sadd.s32 $0xFFFFFFFF, s9;
	s26 =	simm.s32 $0x8300;
	[dreg:$0xe] =	wrdreg s5  }
.LBB2_11:
0x1f: {  	s5 =	simm.s32 $0x7  }
0x20: {  	_ =	swait.ge [sflag:s5], $0x2000  }
0x21: {  	[sflag:s5] =	ssyncset.done $0x0  }
0x22: {  	s23 =	simm.s32 $0x8;
	[sflag:s5] =	ssyncadd.s32 $0xFFFFE000  }
0x23: {  	_ =	swait.ge [sflag:s23], $0x2000  }
0x24: {  	[sflag:s23] =	ssyncset.done $0x0  }
0x25: {  	[sflag:s23] =	ssyncadd.s32 $0xFFFFE000  }
0x26: {  	[bflag:$0x0] =	sbarrier.arrive $0xFFFF  }
0x27: {  	s18 =	simm.s32 $0x9;
	s28 =	rddreg [dreg:$0xf]  }
0x28: {  	[hbm:s28], [sflag:s16] =	dma.local [spmem:s15], $0x2700  }
0x29: {  	_ =	swait.ge [sflag:s18], $0x2700  }
0x2a: {  	[sflag:s18] =	ssyncset.done $0x0  }
0x2b: {  	s5 =	rddreg [dreg:$0x10];
	[sflag:s18] =	ssyncadd.s32 $0xFFFFD900  }
0x2c: {  	[hbm:s5], [sflag:s16] =	dma.local @!p0 [spmem:s17], $0x100  }
0x2d: {  	s5 =	simm.s32 @!p0 $0x9  }
0x2e: {  	_ =	swait.ge @!p0 [sflag:s5], $0x100  }
0x2f: {  	s14 =	sadd.s32 $0x1, s14;
	s12 =	rddreg [dreg:$0x11]  }
0x30: {  	p1 =	sne.s32 s14, s12  }
.Ltmp1:
0x31: {  	_ = 	snop;
	(pc) =	sbr.rel @!p1 .LBB2_12-.Ltmp1, $3  }
0x32: {  	_ =	sdelay $0x1  }
0x33: {  	[sflag:s5] =	ssyncset.done @!p0 $0x0  }
0x34: {  	[sflag:s5] =	ssyncadd.s32 @!p0 $0xFFFFFF00  }
.LBB2_1:
0x35: {  	s5 =	rddreg [dreg:$0x6]  }
0x36: {  	s12 =	simm.s32 $0x0;
	s22 =	rddreg [dreg:$0x7]  }
0x37: {  	[tilespmem:s12], [sflag:$0x1] =	stream.linear.gather [hbm4b:s5+s12], $0x40, $0x38;
	[tilespmem:$0x1FB80] =	vst v63  }
0x38: {  	s13 =	simm.s32 $0x100;
	s23 =	rddreg [dreg:$0x8]  }
0x39: {  	[tilespmem:s13], [sflag:$0x1] =	stream.linear.gather [hbm4b:s22+s12], $0x40, $0x38;
	[tilespmem:$0x1FB80] =	vst v63  }
0x3a: {  	s28 =	simm.s32 $0x80;
	s15 =	rddreg [dreg:$0x9]  }
0x3b: {  	[tilespmem:s28], [sflag:$0x2] =	stream.linear.gather [hbm4b:s23+s12], $0x40, $0x38;
	[tilespmem:$0x1FB80] =	vst v63  }
0x3c: {  	s17 =	simm.s32 $0x180;
	s19 =	rddreg [dreg:$0xa]  }
0x3d: {  	[tilespmem:s17], [sflag:$0x2] =	stream.linear.gather [hbm4b:s15+s12], $0x40, $0x38;
	[tilespmem:$0x1FB80] =	vst v63  }
0x3e: {  	s21 =	rddreg [dreg:$0xb];
	s15 =	sshrl.u32 s19, $0x3  }
0x3f: {  	[spmem:s15], [sflag:s16] =	dma.local [hbm:s21], $0x2700  }
0x40: {  	_ =	swait.ge [sflag:s18], $0x2700  }
0x41: {  	[sflag:s18] =	ssyncset.done $0x0;
	s5 =	rddreg [dreg:$0xc]  }
0x42: {  	[sflag:s18] =	ssyncadd.s32 $0xFFFFD900;
	s17 =	sshrl.u32 @!p0 s5, $0x3;
	s5 =	rddreg [dreg:$0xd]  }
0x43: {  	[spmem:s17], [sflag:s16] =	dma.local @!p0 [hbm:s5], $0x100  }
0x44: {  	s5 =	simm.s32 @!p0 $0x9  }
0x45: {  	_ =	swait.ge @!p0 [sflag:s5], $0x100  }
0x46: {  	[sflag:s5] =	ssyncset.done @!p0 $0x0  }
0x47: {  	[sflag:s5] =	ssyncadd.s32 @!p0 $0xFFFFFF00  }
0x48: {  	[bflag:$0x0] =	sbarrier.arrive $0xFFFF  }
0x49: {  	_ =	swait.ge [sflag:s29], $0x40  }
0x4a: {  	[sflag:s29] =	ssyncset.done $0x0  }
0x4b: {  	[sflag:s29] =	ssyncadd.s32 $0xFFFFFFC0  }
0x4c: {  	_ =	swait.ge [sflag:s29], $0x40  }
.Ltmp2:
0x4d: {  	[sflag:s29] =	ssyncset.done $0x0;
	(pc) =	sbr.rel .LBB2_2-.Ltmp2, $4  }
0x4e: {  	s22 =	simm.s32 $0x300;
	[sflag:s29] =	ssyncadd.s32 $0xFFFFFFC0  }
0x4f: {  	[tilespmem:s22], [sflag:$0x3] =	stream.indirect.gather [hbm4b:s1+s30], $0x80, s12, s30, $0xb8;
	[tilespmem:$0x1FB80] =	vst v63  }
0x50: {  	s28 =	simm.s32 $0x4300;
	s18 =	simm.s32 $0x0;
	s23 =	rddreg [dreg:$0xe]  }
0x51: {  	[tilespmem:s28], [sflag:$0x5] =	stream.linear.gather [hbm4b:s23+s12], $0x2000, $0x38;
	[tilespmem:$0x1FB80] =	vst v63  }
.LBB2_10:
0x52: {  	s18 =	sadd.s32 $0x1, s18  }
0x53: {  	p1 =	sne.s32 s18, $0x14  }
.Ltmp3:
0x54: {  	_ = 	snop;
	(pc) =	sbr.rel @!p1 .LBB2_11-.Ltmp3, $1  }
0x55: {  	_ =	sdelay $0x3  }
.LBB2_2:
0x56: {  	s19 =	sshll.u32 s18, $0x1  }
0x57: {  	p2 =	sge.u32 s19, s9  }
.Ltmp4:
0x58: {  	_ = 	snop;
	(pc) =	sbr.rel @p2 .LBB2_6-.Ltmp4, $2  }
0x59: {  	_ =	sdelay $0x2  }
0x5a: {  	p1 =	seq.s32 s18, $0x0  }
0x5b: {  	s5 =	simm.s32 @!p1 $0x7  }
0x5c: {  	_ =	swait.ge @!p1 [sflag:s5], $0x2000  }
0x5d: {  	[sflag:s5] =	ssyncset.done @!p1 $0x0  }
0x5e: {  	[sflag:s5] =	ssyncadd.s32 @!p1 $0xFFFFE000  }
0x5f: {  	_ =	swait.ge [sflag:s6], $0x2000  }
0x60: {  	[sflag:s6] =	ssyncset.done $0x0  }
0x61: {  	[sflag:s6] =	ssyncadd.s32 $0xFFFFE000  }
0x62: {  	_ =	swait.ge [sflag:s24], $0x2000  }
0x63: {  	[sflag:s24] =	ssyncset.done $0x0  }
0x64: {  	[sflag:s24] =	ssyncadd.s32 $0xFFFFE000  }
0x65: {  	v0 =	vld [tilespmem:$0x100]  }
0x66: {  	v1 =	vld [tilespmem:$0x110]  }
0x67: {  	v2 =	vld [tilespmem:$0x120]  }
0x68: {  	v3 =	vld [tilespmem:$0x130];
	_ =	sdelay $0x1  }
0x69: {  	[tilespmem:$0x200] =	vst v0  }
0x6a: {  	s5 =	sor.u32 $0x1, s19;
	[tilespmem:$0x210] =	vst v1  }
0x6b: {  	p2 =	sge.u32 s5, s9;
	[tilespmem:$0x220] =	vst v2  }
0x6c: {  	s12 =	simm.s32 @!p2 $0x2;
	[tilespmem:$0x230] =	vst v3  }
0x6d: {  	_ =	swait.ge @!p2 [sflag:s12], $0x40  }
0x6e: {  	[sflag:s12] =	ssyncset.done @!p2 $0x0  }
0x6f: {  	[sflag:s12] =	ssyncadd.s32 @!p2 $0xFFFFFFC0  }
0x70: {  	s13 =	simm.s32 @!p2 $0x80;
	s5 =	sadd.s32 @!p2 s8, s5;
	_ =	swait.ge @!p2 [sflag:s12], $0x40  }
0x71: {  	s21 =	simm.s32 @!p2 $0x2300;
	s5 =	sshll.u32 @!p2 s5, $0xA;
	[sflag:s12] =	ssyncset.done @!p2 $0x0  }
0x72: {  	s5 =	sand.u32 @!p2 $0x1FFFFC00, s5;
	[sflag:s12] =	ssyncadd.s32 @!p2 $0xFFFFFFC0;
	s12 =	simm.s32 @!p2 $0x40  }
0x73: {  	[tilespmem:s21], [sflag:$0x4] =	stream.indirect.gather @!p2 [hbm4b:s1+s12], $0x80, s13, s12, $0xb8;
	[tilespmem:$0x1FB80] =	vst v63  }
0x74: {  	s5 =	sadd.s32 @!p2 s7, s5;
	s12 =	simm.s32 @!p2 $0x0;
	s13 =	simm.s32 @!p2 $0x6300  }
0x75: {  	[tilespmem:s13], [sflag:$0x6] =	stream.linear.gather @!p2 [hbm4b:s5+s12], $0x2000, $0x38;
	[tilespmem:$0x1FB80] =	vst v63  }
0x76: {  	s5 =	sadd.s32 $0x2, s19  }
0x77: {  	p2 =	sge.u32 s5, s9  }
0x78: {  	s5 =	sadd.s32 @!p2 s8, s5  }
0x79: {  	s5 =	sshll.u32 @!p2 s5, $0x3  }
0x7a: {  	s5 =	sadd.s32 @!p2 $0x2710, s5  }
0x7b: {  	s13 =	simm.s32 @!p2 $0x0;
	s12 =	sadd.s32 @!p2 s2, s5  }
0x7c: {  	[tilespmem:s13], [sflag:$0x1] =	stream.linear.gather @!p2 [hbm4b:s12+s13], $0x40, $0x38;
	[tilespmem:$0x1FB80] =	vst v63  }
0x7d: {  	s21 =	simm.s32 $0x400;
	s5 =	sadd.s32 @!p2 s3, s5;
	s12 =	simm.s32 @!p2 $0x100  }
0x7e: {  	[tilespmem:s12], [sflag:$0x1] =	stream.linear.gather @!p2 [hbm4b:s5+s13], $0x40, $0x38;
	[tilespmem:$0x1FB80] =	vst v63  }
0x7f: {  	s22 =	simm.s32 $0x4400;
	v0 =	vld [tilespmem:s21+$0x80]  }
0x80: {  	v1 =	vld [tilespmem:s22+$0x80];
	_ =	sdelay $0x2  }
0x81: {  	v2 =	vld [tilespmem:s21+$0xFFFFFF80]  }
0x82: {  	v3 =	vld [tilespmem:s22+$0xFFFFFF80]  }
0x83: {  	v4 =	vld [tilespmem:s22+$0xFFFFFF00];
	v0 =	vmul.f32 v1, v0  }
0x84: {  	s23 =	simm.s32 $0x8400;
	v1 =	vld [tilespmem:s21+$0xFFFFFF00]  }
0x85: {  	[tilespmem:s23+$0x80] =	vst v0  }
0x86: {  	v0 =	vld [tilespmem:s21+$0x90]  }
0x87: {  	v2 =	vmul.f32 v3, v2;
	v3 =	vld [tilespmem:s22+$0x90]  }
0x88: {  	v5 =	vld [tilespmem:s21+$0x0]  }
0x89: {  	v6 =	vld [tilespmem:s22+$0x0];
	[tilespmem:s23+$0xFFFFFF80] =	vst v2;
	v1 =	vmul.f32 v4, v1  }
0x8a: {  	v2 =	vld [tilespmem:s21+$0xFFFFFF90]  }
0x8b: {  	v4 =	vld [tilespmem:s22+$0xFFFFFF90];
	[tilespmem:s23+$0xFFFFFF00] =	vst v1  }
0x8c: {  	v1 =	vld [tilespmem:s21+$0xFFFFFF10];
	v0 =	vmul.f32 v3, v0  }
0x8d: {  	v3 =	vld [tilespmem:s22+$0xFFFFFF10]  }
0x8e: {  	v5 =	vmul.f32 v6, v5;
	[tilespmem:s23+$0x90] =	vst v0  }
0x8f: {  	v0 =	vld [tilespmem:s21+$0xA0]  }
0x90: {  	[tilespmem:s23+$0x0] =	vst v5;
	v2 =	vmul.f32 v4, v2;
	v4 =	vld [tilespmem:s22+$0xA0]  }
0x91: {  	v5 =	vld [tilespmem:s21+$0x10]  }
0x92: {  	v6 =	vld [tilespmem:s22+$0x10];
	[tilespmem:s23+$0xFFFFFF90] =	vst v2;
	v1 =	vmul.f32 v3, v1  }
0x93: {  	v2 =	vld [tilespmem:s21+$0xFFFFFFA0]  }
0x94: {  	v3 =	vld [tilespmem:s22+$0xFFFFFFA0];
	[tilespmem:s23+$0xFFFFFF10] =	vst v1  }
0x95: {  	v1 =	vld [tilespmem:s21+$0xFFFFFF20];
	v0 =	vmul.f32 v4, v0  }
0x96: {  	v4 =	vld [tilespmem:s22+$0xFFFFFF20]  }
0x97: {  	v5 =	vmul.f32 v6, v5;
	[tilespmem:s23+$0xA0] =	vst v0  }
0x98: {  	v0 =	vld [tilespmem:s21+$0xB0]  }
0x99: {  	[tilespmem:s23+$0x10] =	vst v5;
	v2 =	vmul.f32 v3, v2;
	v3 =	vld [tilespmem:s22+$0xB0]  }
0x9a: {  	v5 =	vld [tilespmem:s21+$0x20]  }
0x9b: {  	[tilespmem:s23+$0xFFFFFFA0] =	vst v2;
	v2 =	vld [tilespmem:s22+$0x20];
	v1 =	vmul.f32 v4, v1  }
0x9c: {  	v4 =	vld [tilespmem:s21+$0xFFFFFFB0]  }
0x9d: {  	v6 =	vld [tilespmem:s22+$0xFFFFFFB0];
	[tilespmem:s23+$0xFFFFFF20] =	vst v1  }
0x9e: {  	v1 =	vld [tilespmem:s21+$0xFFFFFF30];
	v0 =	vmul.f32 v3, v0  }
0x9f: {  	v3 =	vld [tilespmem:s22+$0xFFFFFF30]  }
0xa0: {  	v2 =	vmul.f32 v2, v5;
	[tilespmem:s23+$0xB0] =	vst v0  }
0xa1: {  	v0 =	vld [tilespmem:s21+$0xC0]  }
0xa2: {  	v4 =	vmul.f32 v6, v4;
	[tilespmem:s23+$0x20] =	vst v2;
	v2 =	vld [tilespmem:s22+$0xC0]  }
0xa3: {  	v5 =	vld [tilespmem:s21+$0x30]  }
0xa4: {  	[tilespmem:s23+$0xFFFFFFB0] =	vst v4;
	v1 =	vmul.f32 v3, v1;
	v3 =	vld [tilespmem:s22+$0x30]  }
0xa5: {  	v4 =	vld [tilespmem:s21+$0xFFFFFFC0]  }
0xa6: {  	[tilespmem:s23+$0xFFFFFF30] =	vst v1;
	v1 =	vld [tilespmem:s22+$0xFFFFFFC0]  }
0xa7: {  	v6 =	vld [tilespmem:s21+$0xFFFFFF40];
	v0 =	vmul.f32 v2, v0  }
0xa8: {  	v2 =	vld [tilespmem:s22+$0xFFFFFF40]  }
0xa9: {  	v3 =	vmul.f32 v3, v5;
	[tilespmem:s23+$0xC0] =	vst v0  }
0xaa: {  	v0 =	vld [tilespmem:s21+$0xD0]  }
0xab: {  	v1 =	vmul.f32 v1, v4;
	[tilespmem:s23+$0x30] =	vst v3;
	v3 =	vld [tilespmem:s22+$0xD0]  }
0xac: {  	v4 =	vld [tilespmem:s21+$0x40]  }
0xad: {  	v2 =	vmul.f32 v2, v6;
	[tilespmem:s23+$0xFFFFFFC0] =	vst v1;
	v1 =	vld [tilespmem:s22+$0x40]  }
0xae: {  	v5 =	vld [tilespmem:s21+$0xFFFFFFD0]  }
0xaf: {  	[tilespmem:s23+$0xFFFFFF40] =	vst v2;
	v2 =	vld [tilespmem:s22+$0xFFFFFFD0]  }
0xb0: {  	v6 =	vld [tilespmem:s21+$0xFFFFFF50];
	v0 =	vmul.f32 v3, v0  }
0xb1: {  	v3 =	vld [tilespmem:s22+$0xFFFFFF50]  }
0xb2: {  	v1 =	vmul.f32 v1, v4;
	[tilespmem:s23+$0xD0] =	vst v0  }
0xb3: {  	v7 =	vld [tilespmem:s21+$0xE0]  }
0xb4: {  	v0 =	vmul.f32 v2, v5;
	v5 =	vld [tilespmem:s22+$0xE0];
	[tilespmem:s23+$0x40] =	vst v1  }
0xb5: {  	v1 =	vld [tilespmem:s21+$0x50]  }
0xb6: {  	v2 =	vmul.f32 v3, v6;
	[tilespmem:s23+$0xFFFFFFD0] =	vst v0;
	v4 =	vld [tilespmem:s22+$0x50]  }
0xb7: {  	v0 =	vld [tilespmem:s21+$0xFFFFFFE0]  }
0xb8: {  	v3 =	vld [tilespmem:s22+$0xFFFFFFE0];
	[tilespmem:s23+$0xFFFFFF50] =	vst v2  }
0xb9: {  	s28 =	simm.s32 $0x4400;
	v2 =	vld [tilespmem:s21+$0xFFFFFF60];
	v6 =	vmul.f32 v5, v7  }
0xba: {  	s13 =	simm.s32 $0x0;
	s5 =	simm.s32 $0x600;
	s12 =	simm.s32 $0x8400;
	v5 =	vld [tilespmem:s22+$0xFFFFFF60]  }
.LBB2_4:
0xbb: {  	v7 =	vld [tilespmem:s5+$0x80];
	v1 =	vmul.f32 v4, v1;
	[tilespmem:s23+$0xE0] =	vst v6  }
0xbc: {  	v4 =	vld [tilespmem:s21+$0xF0]  }
0xbd: {  	s28 =	sadd.s32 $0x200, s28;
	v0 =	vmul.f32 v3, v0;
	[tilespmem:s23+$0x50] =	vst v1;
	v1 =	vld [tilespmem:s22+$0xF0]  }
0xbe: {  	v3 =	vld [tilespmem:s28+$0x80]  }
0xbf: {  	v6 =	vld [tilespmem:s28+$0xFFFFFF00];
	v2 =	vmul.f32 v5, v2;
	[tilespmem:s23+$0xFFFFFFE0] =	vst v0  }
0xc0: {  	v0 =	vld [tilespmem:s5+$0xFFFFFF80]  }
0xc1: {  	v5 =	vld [tilespmem:s28+$0xFFFFFF80];
	[tilespmem:s23+$0xFFFFFF60] =	vst v2  }
0xc2: {  	v2 =	vld [tilespmem:s5+$0x0];
	v1 =	vmul.f32 v1, v4  }
0xc3: {  	v4 =	vld [tilespmem:s28+$0x0];
	v3 =	vmul.f32 v3, v7  }
0xc4: {  	s23 =	sadd.s32 $0x200, s23;
	v7 =	vld [tilespmem:s5+$0xFFFFFF00];
	[tilespmem:s12+$0xF0] =	vst v1  }
0xc5: {  	s13 =	sadd.s32 $0x4, s13;
	[tilespmem:s23+$0x80] =	vst v3;
	v1 =	vld [tilespmem:s21+$0x60]  }
0xc6: {  	p2 =	slt.u32 s13, $0x3C;
	v0 =	vmul.f32 v5, v0;
	v3 =	vld [tilespmem:s5+$0x90]  }
0xc7: {  	v5 =	vld [tilespmem:s28+$0x90]  }
0xc8: {  	[tilespmem:s23+$0xFFFFFF80] =	vst v0;
	v0 =	vmul.f32 v4, v2;
	v2 =	vld [tilespmem:s22+$0x60]  }
0xc9: {  	v4 =	vmul.f32 v6, v7;
	v6 =	vld [tilespmem:s5+$0xFFFFFF90]  }
0xca: {  	v7 =	vld [tilespmem:s28+$0xFFFFFF90];
	[tilespmem:s23+$0x0] =	vst v0  }
0xcb: {  	[tilespmem:s23+$0xFFFFFF00] =	vst v4;
	v0 =	vld [tilespmem:s5+$0x10]  }
0xcc: {  	v4 =	vld [tilespmem:s5+$0xFFFFFF10];
	v3 =	vmul.f32 v5, v3  }
0xcd: {  	v5 =	vld [tilespmem:s28+$0xFFFFFF10];
	v1 =	vmul.f32 v2, v1  }
0xce: {  	v2 =	vld [tilespmem:s28+$0x10];
	[tilespmem:s23+$0x90] =	vst v3  }
0xcf: {  	v3 =	vmul.f32 v7, v6;
	v6 =	vld [tilespmem:s5+$0xA0];
	[tilespmem:s12+$0x60] =	vst v1  }
0xd0: {  	v1 =	vld [tilespmem:s28+$0xA0]  }
0xd1: {  	[tilespmem:s23+$0xFFFFFF90] =	vst v3;
	v3 =	vld [tilespmem:s21+$0xFFFFFF70]  }
0xd2: {  	v4 =	vmul.f32 v5, v4;
	v5 =	vld [tilespmem:s5+$0xFFFFFFA0]  }
0xd3: {  	v7 =	vld [tilespmem:s28+$0xFFFFFFA0];
	v0 =	vmul.f32 v2, v0  }
0xd4: {  	[tilespmem:s23+$0xFFFFFF10] =	vst v4;
	v2 =	vld [tilespmem:s22+$0xFFFFFF70]  }
0xd5: {  	v4 =	vld [tilespmem:s5+$0xFFFFFF20];
	[tilespmem:s23+$0x10] =	vst v0;
	v0 =	vmul.f32 v1, v6  }
0xd6: {  	v1 =	vld [tilespmem:s28+$0xFFFFFF20]  }
0xd7: {  	v6 =	vld [tilespmem:s5+$0x20];
	[tilespmem:s23+$0xA0] =	vst v0  }
0xd8: {  	v0 =	vmul.f32 v7, v5;
	v5 =	vld [tilespmem:s5+$0xB0]  }
0xd9: {  	v7 =	vld [tilespmem:s28+$0xB0];
	v2 =	vmul.f32 v2, v3  }
0xda: {  	[tilespmem:s23+$0xFFFFFFA0] =	vst v0;
	v0 =	vld [tilespmem:s28+$0x20]  }
0xdb: {  	v1 =	vmul.f32 v1, v4;
	v3 =	vld [tilespmem:s5+$0xFFFFFFB0];
	[tilespmem:s12+$0xFFFFFF70] =	vst v2  }
0xdc: {  	v2 =	vld [tilespmem:s28+$0xFFFFFFB0]  }
0xdd: {  	[tilespmem:s23+$0xFFFFFF20] =	vst v1;
	v1 =	vld [tilespmem:s21+$0xFFFFFFF0]  }
0xde: {  	v4 =	vld [tilespmem:s5+$0xFFFFFF30];
	v5 =	vmul.f32 v7, v5  }
0xdf: {  	v7 =	vld [tilespmem:s28+$0xFFFFFF30];
	v0 =	vmul.f32 v0, v6  }
0xe0: {  	[tilespmem:s23+$0xB0] =	vst v5;
	v5 =	vld [tilespmem:s22+$0xFFFFFFF0]  }
0xe1: {  	v2 =	vmul.f32 v2, v3;
	[tilespmem:s23+$0x20] =	vst v0;
	v0 =	vld [tilespmem:s5+$0xC0]  }
0xe2: {  	v3 =	vld [tilespmem:s28+$0xC0]  }
0xe3: {  	[tilespmem:s23+$0xFFFFFFB0] =	vst v2;
	v2 =	vld [tilespmem:s5+$0x30]  }
0xe4: {  	v4 =	vmul.f32 v7, v4;
	v6 =	vld [tilespmem:s28+$0x30]  }
0xe5: {  	v7 =	vld [tilespmem:s5+$0xFFFFFFC0];
	v1 =	vmul.f32 v5, v1  }
0xe6: {  	[tilespmem:s23+$0xFFFFFF30] =	vst v4;
	v4 =	vld [tilespmem:s28+$0xFFFFFFC0]  }
0xe7: {  	v5 =	vld [tilespmem:s5+$0xFFFFFF40];
	v0 =	vmul.f32 v3, v0;
	[tilespmem:s12+$0xFFFFFFF0] =	vst v1  }
0xe8: {  	v1 =	vld [tilespmem:s28+$0xFFFFFF40]  }
0xe9: {  	v2 =	vmul.f32 v6, v2;
	[tilespmem:s23+$0xC0] =	vst v0;
	v3 =	vld [tilespmem:s21+$0x70];
	s21 =	smov.u32 s5  }
0xea: {  	v0 =	vld [tilespmem:s5+$0xD0]  }
0xeb: {  	v4 =	vmul.f32 v4, v7;
	[tilespmem:s23+$0x30] =	vst v2;
	v2 =	vld [tilespmem:s28+$0xD0]  }
0xec: {  	v6 =	vld [tilespmem:s5+$0x40]  }
0xed: {  	v1 =	vmul.f32 v1, v5;
	[tilespmem:s23+$0xFFFFFFC0] =	vst v4;
	v4 =	vld [tilespmem:s28+$0x40]  }
0xee: {  	v5 =	vld [tilespmem:s5+$0xFFFFFFD0]  }
0xef: {  	[tilespmem:s23+$0xFFFFFF40] =	vst v1;
	v1 =	vld [tilespmem:s28+$0xFFFFFFD0]  }
0xf0: {  	v7 =	vld [tilespmem:s5+$0xFFFFFF50];
	v0 =	vmul.f32 v2, v0  }
0xf1: {  	v2 =	vld [tilespmem:s28+$0xFFFFFF50]  }
0xf2: {  	v4 =	vmul.f32 v4, v6;
	[tilespmem:s23+$0xD0] =	vst v0;
	v6 =	vld [tilespmem:s22+$0x70];
	s22 =	smov.u32 s28  }
0xf3: {  	v8 =	vld [tilespmem:s5+$0xE0]  }
0xf4: {  	v0 =	vmul.f32 v1, v5;
	[tilespmem:s23+$0x40] =	vst v4;
	v5 =	vld [tilespmem:s28+$0xE0]  }
0xf5: {  	v1 =	vld [tilespmem:s5+$0x50]  }
.Ltmp5:
0xf6: {  	v2 =	vmul.f32 v2, v7;
	[tilespmem:s23+$0xFFFFFFD0] =	vst v0;
	v4 =	vld [tilespmem:s28+$0x50];
	(pc) =	sbr.rel @p2 .LBB2_4-.Ltmp5, $4  }
0xf7: {  	v0 =	vld [tilespmem:s5+$0xFFFFFFE0];
	v7 =	vmul.f32 v6, v3  }
0xf8: {  	[tilespmem:s23+$0xFFFFFF50] =	vst v2;
	v3 =	vld [tilespmem:s28+$0xFFFFFFE0]  }
0xf9: {  	v2 =	vld [tilespmem:s5+$0xFFFFFF60];
	v6 =	vmul.f32 v5, v8;
	[tilespmem:s12+$0x70] =	vst v7;
	s12 =	smov.u32 s23  }
0xfa: {  	s5 =	sadd.s32 $0x200, s5;
	v5 =	vld [tilespmem:s28+$0xFFFFFF60]  }
0xfb: {  	v1 =	vmul.f32 v4, v1;
	_ =	sdelay $0x1  }
0xfc: {  	[tilespmem:s23+$0x50] =	vst v1  }
0xfd: {  	v1 =	vld [tilespmem:s21+$0x60]  }
0xfe: {  	v55 =	vld [tilespmem:s22+$0x60]  }
0xff: {  	[tilespmem:s23+$0xE0] =	vst v6;
	v0 =	vmul.f32 v3, v0  }
0x100: {  	v56 =	vld [tilespmem:s21+$0xF0]  }
0x101: {  	v57 =	vld [tilespmem:s22+$0xF0];
	v2 =	vmul.f32 v5, v2;
	[tilespmem:s23+$0xFFFFFFE0] =	vst v0  }
0x102: {  	v60 =	vld [tilespmem:s21+$0xFFFFFFF0]  }
0x103: {  	v61 =	vld [tilespmem:s22+$0xFFFFFFF0];
	[tilespmem:s23+$0xFFFFFF60] =	vst v2;
	v58 =	vmul.f32 v55, v1  }
0x104: {  	v2 =	vld [tilespmem:s21+$0xFFFFFF70]  }
0x105: {  	v59 =	vld [tilespmem:s22+$0xFFFFFF70];
	[tilespmem:s12+$0x60] =	vst v58  }
0x106: {  	v62 =	vld [tilespmem:s21+$0x70]  }
0x107: {  	v7 =	vld [tilespmem:s22+$0x70];
	_ =	sdelay $0x1  }
0x108: {  	v3 =	vmul.f32 v57, v56  }
0x109: {  	v0 =	vmul.f32 v61, v60  }
0x10a: {  	[tilespmem:s12+$0xF0] =	vst v3;
	v1 =	vmul.f32 v59, v2  }
0x10b: {  	[tilespmem:s12+$0xFFFFFFF0] =	vst v0;
	v63 =	vmul.f32 v7, v62  }
0x10c: {  	[tilespmem:s12+$0xFFFFFF70] =	vst v1  }
0x10d: {  	[tilespmem:s12+$0x70] =	vst v63  }
0x10e: {  	[spmem:s4] =	stream.indirect.scatter.add.f32 [tilespmem:s26], [sflag:$0x7], $0x80, s25, s30, $0xb8;
	[tilespmem:$0x1FB80] =	vst v63  }
.LBB2_6:
0x10f: {  	p2 =	sge.u32 s19, s20  }
.Ltmp6:
0x110: {  	_ = 	snop;
	(pc) =	sbr.rel @p2 .LBB2_10-.Ltmp6, $1  }
0x111: {  	_ =	sdelay $0x3  }
0x112: {  	s5 =	simm.s32 @!p1 $0x8  }
0x113: {  	_ =	swait.ge @!p1 [sflag:s5], $0x2000  }
0x114: {  	[sflag:s5] =	ssyncset.done @!p1 $0x0  }
0x115: {  	[sflag:s5] =	ssyncadd.s32 @!p1 $0xFFFFE000  }
0x116: {  	_ =	swait.ge [sflag:s31], $0x2000  }
0x117: {  	[sflag:s31] =	ssyncset.done $0x0  }
0x118: {  	[sflag:s31] =	ssyncadd.s32 $0xFFFFE000  }
0x119: {  	_ =	swait.ge [sflag:s0], $0x2000  }
0x11a: {  	[sflag:s0] =	ssyncset.done $0x0  }
0x11b: {  	[sflag:s0] =	ssyncadd.s32 $0xFFFFE000  }
0x11c: {  	v0 =	vld [tilespmem:$0x180]  }
0x11d: {  	v1 =	vld [tilespmem:$0x190]  }
0x11e: {  	v2 =	vld [tilespmem:$0x1A0]  }
0x11f: {  	v3 =	vld [tilespmem:$0x1B0];
	_ =	sdelay $0x1  }
0x120: {  	[tilespmem:$0x280] =	vst v0  }
0x121: {  	s5 =	sadd.s32 $0x2, s19;
	[tilespmem:$0x290] =	vst v1  }
0x122: {  	p1 =	sge.u32 s5, s9;
	[tilespmem:$0x2A0] =	vst v2  }
0x123: {  	s12 =	simm.s32 @!p1 $0x1;
	[tilespmem:$0x2B0] =	vst v3  }
0x124: {  	_ =	swait.ge @!p1 [sflag:s12], $0x40  }
0x125: {  	[sflag:s12] =	ssyncset.done @!p1 $0x0  }
0x126: {  	[sflag:s12] =	ssyncadd.s32 @!p1 $0xFFFFFFC0  }
0x127: {  	s13 =	simm.s32 @!p1 $0x0;
	s5 =	sadd.s32 @!p1 s8, s5;
	_ =	swait.ge @!p1 [sflag:s12], $0x40  }
0x128: {  	s21 =	simm.s32 @!p1 $0x300;
	s5 =	sshll.u32 @!p1 s5, $0xA;
	[sflag:s12] =	ssyncset.done @!p1 $0x0  }
0x129: {  	s5 =	sand.u32 @!p1 $0x1FFFFC00, s5;
	[sflag:s12] =	ssyncadd.s32 @!p1 $0xFFFFFFC0;
	s12 =	simm.s32 @!p1 $0x40  }
0x12a: {  	[tilespmem:s21], [sflag:$0x3] =	stream.indirect.gather @!p1 [hbm4b:s1+s12], $0x80, s13, s12, $0xb8;
	[tilespmem:$0x1FB80] =	vst v63  }
0x12b: {  	s5 =	sadd.s32 @!p1 s7, s5;
	s12 =	simm.s32 @!p1 $0x4300  }
0x12c: {  	[tilespmem:s12], [sflag:$0x5] =	stream.linear.gather @!p1 [hbm4b:s5+s13], $0x2000, $0x38;
	[tilespmem:$0x1FB80] =	vst v63  }
0x12d: {  	s5 =	sadd.s32 $0x3, s19  }
0x12e: {  	p1 =	sge.u32 s5, s9  }
0x12f: {  	s5 =	sadd.s32 @!p1 s8, s5  }
0x130: {  	s5 =	sshll.u32 @!p1 s5, $0x3  }
0x131: {  	s5 =	sadd.s32 @!p1 $0x2710, s5  }
0x132: {  	s13 =	simm.s32 @!p1 $0x0;
	s19 =	simm.s32 @!p1 $0x80;
	s12 =	sadd.s32 @!p1 s2, s5  }
0x133: {  	[tilespmem:s19], [sflag:$0x2] =	stream.linear.gather @!p1 [hbm4b:s12+s13], $0x40, $0x38;
	[tilespmem:$0x1FB80] =	vst v63  }
0x134: {  	s5 =	sadd.s32 @!p1 s3, s5;
	s12 =	simm.s32 @!p1 $0x180;
	s19 =	simm.s32 $0x2400  }
0x135: {  	[tilespmem:s12], [sflag:$0x2] =	stream.linear.gather @!p1 [hbm4b:s5+s13], $0x40, $0x38;
	[tilespmem:$0x1FB80] =	vst v63  }
0x136: {  	s21 =	simm.s32 $0x6400;
	v0 =	vld [tilespmem:s19+$0x80]  }
0x137: {  	v1 =	vld [tilespmem:s21+$0x80];
	_ =	sdelay $0x2  }
0x138: {  	v2 =	vld [tilespmem:s19+$0xFFFFFF80]  }
0x139: {  	v3 =	vld [tilespmem:s21+$0xFFFFFF80]  }
0x13a: {  	v4 =	vld [tilespmem:s21+$0xFFFFFF00];
	v0 =	vmul.f32 v1, v0  }
0x13b: {  	s22 =	simm.s32 $0xA400;
	v1 =	vld [tilespmem:s19+$0xFFFFFF00]  }
0x13c: {  	[tilespmem:s22+$0x80] =	vst v0  }
0x13d: {  	v0 =	vld [tilespmem:s19+$0x90]  }
0x13e: {  	v2 =	vmul.f32 v3, v2;
	v3 =	vld [tilespmem:s21+$0x90]  }
0x13f: {  	v5 =	vld [tilespmem:s19+$0x0]  }
0x140: {  	v6 =	vld [tilespmem:s21+$0x0];
	[tilespmem:s22+$0xFFFFFF80] =	vst v2;
	v1 =	vmul.f32 v4, v1  }
0x141: {  	v2 =	vld [tilespmem:s19+$0xFFFFFF90]  }
0x142: {  	v4 =	vld [tilespmem:s21+$0xFFFFFF90];
	[tilespmem:s22+$0xFFFFFF00] =	vst v1  }
0x143: {  	v1 =	vld [tilespmem:s19+$0xFFFFFF10];
	v0 =	vmul.f32 v3, v0  }
0x144: {  	v3 =	vld [tilespmem:s21+$0xFFFFFF10]  }
0x145: {  	v5 =	vmul.f32 v6, v5;
	[tilespmem:s22+$0x90] =	vst v0  }
0x146: {  	v0 =	vld [tilespmem:s19+$0xA0]  }
0x147: {  	[tilespmem:s22+$0x0] =	vst v5;
	v2 =	vmul.f32 v4, v2;
	v4 =	vld [tilespmem:s21+$0xA0]  }
0x148: {  	v5 =	vld [tilespmem:s19+$0x10]  }
0x149: {  	v6 =	vld [tilespmem:s21+$0x10];
	[tilespmem:s22+$0xFFFFFF90] =	vst v2;
	v1 =	vmul.f32 v3, v1  }
0x14a: {  	v2 =	vld [tilespmem:s19+$0xFFFFFFA0]  }
0x14b: {  	v3 =	vld [tilespmem:s21+$0xFFFFFFA0];
	[tilespmem:s22+$0xFFFFFF10] =	vst v1  }
0x14c: {  	v1 =	vld [tilespmem:s19+$0xFFFFFF20];
	v0 =	vmul.f32 v4, v0  }
0x14d: {  	v4 =	vld [tilespmem:s21+$0xFFFFFF20]  }
0x14e: {  	v5 =	vmul.f32 v6, v5;
	[tilespmem:s22+$0xA0] =	vst v0  }
0x14f: {  	v0 =	vld [tilespmem:s19+$0xB0]  }
0x150: {  	[tilespmem:s22+$0x10] =	vst v5;
	v2 =	vmul.f32 v3, v2;
	v3 =	vld [tilespmem:s21+$0xB0]  }
0x151: {  	v5 =	vld [tilespmem:s19+$0x20]  }
0x152: {  	[tilespmem:s22+$0xFFFFFFA0] =	vst v2;
	v2 =	vld [tilespmem:s21+$0x20];
	v1 =	vmul.f32 v4, v1  }
0x153: {  	v4 =	vld [tilespmem:s19+$0xFFFFFFB0]  }
0x154: {  	v6 =	vld [tilespmem:s21+$0xFFFFFFB0];
	[tilespmem:s22+$0xFFFFFF20] =	vst v1  }
0x155: {  	v1 =	vld [tilespmem:s19+$0xFFFFFF30];
	v0 =	vmul.f32 v3, v0  }
0x156: {  	v3 =	vld [tilespmem:s21+$0xFFFFFF30]  }
0x157: {  	v2 =	vmul.f32 v2, v5;
	[tilespmem:s22+$0xB0] =	vst v0  }
0x158: {  	v0 =	vld [tilespmem:s19+$0xC0]  }
0x159: {  	v4 =	vmul.f32 v6, v4;
	[tilespmem:s22+$0x20] =	vst v2;
	v2 =	vld [tilespmem:s21+$0xC0]  }
0x15a: {  	v5 =	vld [tilespmem:s19+$0x30]  }
0x15b: {  	[tilespmem:s22+$0xFFFFFFB0] =	vst v4;
	v1 =	vmul.f32 v3, v1;
	v3 =	vld [tilespmem:s21+$0x30]  }
0x15c: {  	v4 =	vld [tilespmem:s19+$0xFFFFFFC0]  }
0x15d: {  	[tilespmem:s22+$0xFFFFFF30] =	vst v1;
	v1 =	vld [tilespmem:s21+$0xFFFFFFC0]  }
0x15e: {  	v6 =	vld [tilespmem:s19+$0xFFFFFF40];
	v0 =	vmul.f32 v2, v0  }
0x15f: {  	v2 =	vld [tilespmem:s21+$0xFFFFFF40]  }
0x160: {  	v3 =	vmul.f32 v3, v5;
	[tilespmem:s22+$0xC0] =	vst v0  }
0x161: {  	v0 =	vld [tilespmem:s19+$0xD0]  }
0x162: {  	v1 =	vmul.f32 v1, v4;
	[tilespmem:s22+$0x30] =	vst v3;
	v3 =	vld [tilespmem:s21+$0xD0]  }
0x163: {  	v4 =	vld [tilespmem:s19+$0x40]  }
0x164: {  	v2 =	vmul.f32 v2, v6;
	[tilespmem:s22+$0xFFFFFFC0] =	vst v1;
	v1 =	vld [tilespmem:s21+$0x40]  }
0x165: {  	v5 =	vld [tilespmem:s19+$0xFFFFFFD0]  }
0x166: {  	[tilespmem:s22+$0xFFFFFF40] =	vst v2;
	v2 =	vld [tilespmem:s21+$0xFFFFFFD0]  }
0x167: {  	v6 =	vld [tilespmem:s19+$0xFFFFFF50];
	v0 =	vmul.f32 v3, v0  }
0x168: {  	v3 =	vld [tilespmem:s21+$0xFFFFFF50]  }
0x169: {  	v1 =	vmul.f32 v1, v4;
	[tilespmem:s22+$0xD0] =	vst v0  }
0x16a: {  	v7 =	vld [tilespmem:s19+$0xE0]  }
0x16b: {  	v0 =	vmul.f32 v2, v5;
	v5 =	vld [tilespmem:s21+$0xE0];
	[tilespmem:s22+$0x40] =	vst v1  }
0x16c: {  	v1 =	vld [tilespmem:s19+$0x50]  }
0x16d: {  	v2 =	vmul.f32 v3, v6;
	[tilespmem:s22+$0xFFFFFFD0] =	vst v0;
	v4 =	vld [tilespmem:s21+$0x50]  }
0x16e: {  	v0 =	vld [tilespmem:s19+$0xFFFFFFE0]  }
0x16f: {  	v3 =	vld [tilespmem:s21+$0xFFFFFFE0];
	[tilespmem:s22+$0xFFFFFF50] =	vst v2  }
0x170: {  	s23 =	simm.s32 $0x6400;
	v2 =	vld [tilespmem:s19+$0xFFFFFF60];
	v6 =	vmul.f32 v5, v7  }
0x171: {  	s13 =	simm.s32 $0x0;
	s5 =	simm.s32 $0x2600;
	s12 =	simm.s32 $0xA400;
	v5 =	vld [tilespmem:s21+$0xFFFFFF60]  }
.LBB2_8:
0x172: {  	v7 =	vld [tilespmem:s5+$0x80];
	v1 =	vmul.f32 v4, v1;
	[tilespmem:s22+$0xE0] =	vst v6  }
0x173: {  	v4 =	vld [tilespmem:s19+$0xF0]  }
0x174: {  	s23 =	sadd.s32 $0x200, s23;
	v0 =	vmul.f32 v3, v0;
	[tilespmem:s22+$0x50] =	vst v1;
	v1 =	vld [tilespmem:s21+$0xF0]  }
0x175: {  	v3 =	vld [tilespmem:s23+$0x80]  }
0x176: {  	v6 =	vld [tilespmem:s23+$0xFFFFFF00];
	v2 =	vmul.f32 v5, v2;
	[tilespmem:s22+$0xFFFFFFE0] =	vst v0  }
0x177: {  	v0 =	vld [tilespmem:s5+$0xFFFFFF80]  }
0x178: {  	v5 =	vld [tilespmem:s23+$0xFFFFFF80];
	[tilespmem:s22+$0xFFFFFF60] =	vst v2  }
0x179: {  	v2 =	vld [tilespmem:s5+$0x0];
	v1 =	vmul.f32 v1, v4  }
0x17a: {  	v4 =	vld [tilespmem:s23+$0x0];
	v3 =	vmul.f32 v3, v7  }
0x17b: {  	s22 =	sadd.s32 $0x200, s22;
	v7 =	vld [tilespmem:s5+$0xFFFFFF00];
	[tilespmem:s12+$0xF0] =	vst v1  }
0x17c: {  	s13 =	sadd.s32 $0x4, s13;
	[tilespmem:s22+$0x80] =	vst v3;
	v1 =	vld [tilespmem:s19+$0x60]  }
0x17d: {  	p1 =	slt.u32 s13, $0x3C;
	v0 =	vmul.f32 v5, v0;
	v3 =	vld [tilespmem:s5+$0x90]  }
0x17e: {  	v5 =	vld [tilespmem:s23+$0x90]  }
0x17f: {  	[tilespmem:s22+$0xFFFFFF80] =	vst v0;
	v0 =	vmul.f32 v4, v2;
	v2 =	vld [tilespmem:s21+$0x60]  }
0x180: {  	v4 =	vmul.f32 v6, v7;
	v6 =	vld [tilespmem:s5+$0xFFFFFF90]  }
0x181: {  	v7 =	vld [tilespmem:s23+$0xFFFFFF90];
	[tilespmem:s22+$0x0] =	vst v0  }
0x182: {  	[tilespmem:s22+$0xFFFFFF00] =	vst v4;
	v0 =	vld [tilespmem:s5+$0x10]  }
0x183: {  	v4 =	vld [tilespmem:s5+$0xFFFFFF10];
	v3 =	vmul.f32 v5, v3  }
0x184: {  	v5 =	vld [tilespmem:s23+$0xFFFFFF10];
	v1 =	vmul.f32 v2, v1  }
0x185: {  	v2 =	vld [tilespmem:s23+$0x10];
	[tilespmem:s22+$0x90] =	vst v3  }
0x186: {  	v3 =	vmul.f32 v7, v6;
	v6 =	vld [tilespmem:s5+$0xA0];
	[tilespmem:s12+$0x60] =	vst v1  }
0x187: {  	v1 =	vld [tilespmem:s23+$0xA0]  }
0x188: {  	[tilespmem:s22+$0xFFFFFF90] =	vst v3;
	v3 =	vld [tilespmem:s19+$0xFFFFFF70]  }
0x189: {  	v4 =	vmul.f32 v5, v4;
	v5 =	vld [tilespmem:s5+$0xFFFFFFA0]  }
0x18a: {  	v7 =	vld [tilespmem:s23+$0xFFFFFFA0];
	v0 =	vmul.f32 v2, v0  }
0x18b: {  	[tilespmem:s22+$0xFFFFFF10] =	vst v4;
	v2 =	vld [tilespmem:s21+$0xFFFFFF70]  }
0x18c: {  	v4 =	vld [tilespmem:s5+$0xFFFFFF20];
	[tilespmem:s22+$0x10] =	vst v0;
	v0 =	vmul.f32 v1, v6  }
0x18d: {  	v1 =	vld [tilespmem:s23+$0xFFFFFF20]  }
0x18e: {  	v6 =	vld [tilespmem:s5+$0x20];
	[tilespmem:s22+$0xA0] =	vst v0  }
0x18f: {  	v0 =	vmul.f32 v7, v5;
	v5 =	vld [tilespmem:s5+$0xB0]  }
0x190: {  	v7 =	vld [tilespmem:s23+$0xB0];
	v2 =	vmul.f32 v2, v3  }
0x191: {  	[tilespmem:s22+$0xFFFFFFA0] =	vst v0;
	v0 =	vld [tilespmem:s23+$0x20]  }
0x192: {  	v1 =	vmul.f32 v1, v4;
	v3 =	vld [tilespmem:s5+$0xFFFFFFB0];
	[tilespmem:s12+$0xFFFFFF70] =	vst v2  }
0x193: {  	v2 =	vld [tilespmem:s23+$0xFFFFFFB0]  }
0x194: {  	[tilespmem:s22+$0xFFFFFF20] =	vst v1;
	v1 =	vld [tilespmem:s19+$0xFFFFFFF0]  }
0x195: {  	v4 =	vld [tilespmem:s5+$0xFFFFFF30];
	v5 =	vmul.f32 v7, v5  }
0x196: {  	v7 =	vld [tilespmem:s23+$0xFFFFFF30];
	v0 =	vmul.f32 v0, v6  }
0x197: {  	[tilespmem:s22+$0xB0] =	vst v5;
	v5 =	vld [tilespmem:s21+$0xFFFFFFF0]  }
0x198: {  	v2 =	vmul.f32 v2, v3;
	[tilespmem:s22+$0x20] =	vst v0;
	v0 =	vld [tilespmem:s5+$0xC0]  }
0x199: {  	v3 =	vld [tilespmem:s23+$0xC0]  }
0x19a: {  	[tilespmem:s22+$0xFFFFFFB0] =	vst v2;
	v2 =	vld [tilespmem:s5+$0x30]  }
0x19b: {  	v4 =	vmul.f32 v7, v4;
	v6 =	vld [tilespmem:s23+$0x30]  }
0x19c: {  	v7 =	vld [tilespmem:s5+$0xFFFFFFC0];
	v1 =	vmul.f32 v5, v1  }
0x19d: {  	[tilespmem:s22+$0xFFFFFF30] =	vst v4;
	v4 =	vld [tilespmem:s23+$0xFFFFFFC0]  }
0x19e: {  	v5 =	vld [tilespmem:s5+$0xFFFFFF40];
	v0 =	vmul.f32 v3, v0;
	[tilespmem:s12+$0xFFFFFFF0] =	vst v1  }
0x19f: {  	v1 =	vld [tilespmem:s23+$0xFFFFFF40]  }
0x1a0: {  	v2 =	vmul.f32 v6, v2;
	[tilespmem:s22+$0xC0] =	vst v0;
	v3 =	vld [tilespmem:s19+$0x70];
	s19 =	smov.u32 s5  }
0x1a1: {  	v0 =	vld [tilespmem:s5+$0xD0]  }
0x1a2: {  	v4 =	vmul.f32 v4, v7;
	[tilespmem:s22+$0x30] =	vst v2;
	v2 =	vld [tilespmem:s23+$0xD0]  }
0x1a3: {  	v6 =	vld [tilespmem:s5+$0x40]  }
0x1a4: {  	v1 =	vmul.f32 v1, v5;
	[tilespmem:s22+$0xFFFFFFC0] =	vst v4;
	v4 =	vld [tilespmem:s23+$0x40]  }
0x1a5: {  	v5 =	vld [tilespmem:s5+$0xFFFFFFD0]  }
0x1a6: {  	[tilespmem:s22+$0xFFFFFF40] =	vst v1;
	v1 =	vld [tilespmem:s23+$0xFFFFFFD0]  }
0x1a7: {  	v7 =	vld [tilespmem:s5+$0xFFFFFF50];
	v0 =	vmul.f32 v2, v0  }
0x1a8: {  	v2 =	vld [tilespmem:s23+$0xFFFFFF50]  }
0x1a9: {  	v4 =	vmul.f32 v4, v6;
	[tilespmem:s22+$0xD0] =	vst v0;
	v6 =	vld [tilespmem:s21+$0x70];
	s21 =	smov.u32 s23  }
0x1aa: {  	v8 =	vld [tilespmem:s5+$0xE0]  }
0x1ab: {  	v0 =	vmul.f32 v1, v5;
	[tilespmem:s22+$0x40] =	vst v4;
	v5 =	vld [tilespmem:s23+$0xE0]  }
0x1ac: {  	v1 =	vld [tilespmem:s5+$0x50]  }
.Ltmp7:
0x1ad: {  	v2 =	vmul.f32 v2, v7;
	[tilespmem:s22+$0xFFFFFFD0] =	vst v0;
	v4 =	vld [tilespmem:s23+$0x50];
	(pc) =	sbr.rel @p1 .LBB2_8-.Ltmp7, $4  }
0x1ae: {  	v0 =	vld [tilespmem:s5+$0xFFFFFFE0];
	v7 =	vmul.f32 v6, v3  }
0x1af: {  	[tilespmem:s22+$0xFFFFFF50] =	vst v2;
	v3 =	vld [tilespmem:s23+$0xFFFFFFE0]  }
0x1b0: {  	v2 =	vld [tilespmem:s5+$0xFFFFFF60];
	v6 =	vmul.f32 v5, v8;
	[tilespmem:s12+$0x70] =	vst v7;
	s12 =	smov.u32 s22  }
0x1b1: {  	s5 =	sadd.s32 $0x200, s5;
	v5 =	vld [tilespmem:s23+$0xFFFFFF60]  }
0x1b2: {  	v1 =	vmul.f32 v4, v1;
	_ =	sdelay $0x1  }
0x1b3: {  	[tilespmem:s22+$0x50] =	vst v1  }
0x1b4: {  	v1 =	vld [tilespmem:s19+$0x60]  }
0x1b5: {  	v55 =	vld [tilespmem:s21+$0x60]  }
0x1b6: {  	[tilespmem:s22+$0xE0] =	vst v6;
	v0 =	vmul.f32 v3, v0  }
0x1b7: {  	v56 =	vld [tilespmem:s19+$0xF0]  }
0x1b8: {  	v57 =	vld [tilespmem:s21+$0xF0];
	v2 =	vmul.f32 v5, v2;
	[tilespmem:s22+$0xFFFFFFE0] =	vst v0  }
0x1b9: {  	v60 =	vld [tilespmem:s19+$0xFFFFFFF0]  }
0x1ba: {  	v61 =	vld [tilespmem:s21+$0xFFFFFFF0];
	[tilespmem:s22+$0xFFFFFF60] =	vst v2;
	v58 =	vmul.f32 v55, v1  }
0x1bb: {  	v2 =	vld [tilespmem:s19+$0xFFFFFF70]  }
0x1bc: {  	v59 =	vld [tilespmem:s21+$0xFFFFFF70];
	[tilespmem:s12+$0x60] =	vst v58  }
0x1bd: {  	v62 =	vld [tilespmem:s19+$0x70]  }
0x1be: {  	v7 =	vld [tilespmem:s21+$0x70];
	_ =	sdelay $0x1  }
0x1bf: {  	v3 =	vmul.f32 v57, v56  }
0x1c0: {  	v0 =	vmul.f32 v61, v60  }
.Ltmp8:
0x1c1: {  	[tilespmem:s12+$0xF0] =	vst v3;
	v1 =	vmul.f32 v59, v2;
	(pc) =	sbr.rel .LBB2_10-.Ltmp8, $4  }
0x1c2: {  	[tilespmem:s12+$0xFFFFFFF0] =	vst v0;
	v63 =	vmul.f32 v7, v62  }
0x1c3: {  	[tilespmem:s12+$0xFFFFFF70] =	vst v1  }
0x1c4: {  	[tilespmem:s12+$0x70] =	vst v63  }
0x1c5: {  	[spmem:s4] =	stream.indirect.scatter.add.f32 [tilespmem:s11], [sflag:$0x8], $0x80, s10, s30, $0xb8;
	[tilespmem:$0x1FB80] =	vst v63  }
.LBB2_12:
0x1c6: {  	_ =	sfence.sel $0x180000  }
0x1c7: {  	[bflag:$0x0] =	sbarrier.arrive $0xFFFF  }
0x1c8: {  	_ =	strace $0x9000004A  }
0x1c9: {  	s0 =	stileid.u32;
	[bflag:$0x2] =	sbarrier.arrive $0xFFFF  }
0x1ca: {  	p0 =	sne.s32 s0, $0x0;
	s0 =	rddreg [dreg:$0x5]  }
0x1cb: {  	s0 =	sadd.s32 @!p0 $0x100000, s0  }
0x1cc: {  	[sflag:s0] =	ssyncadd.tile.s32 @!p0 $0x1;
	_ =	shalt  }
.Lfunc_end2:
_tile_overlayer_lowered:
.L_overlay_start_2:
0x1cd: {  	(tag) =	ssettag $0x2  }
0x1ce: {  	s0 =	rddreg [dreg:$0x0];
	s2 =	stileid.u32  }
0x1cf: {  	s1 =	rddreg [dreg:$0x1];
	p0 =	sne.s32 s2, $0x0  }
0x1d0: {  	s3 =	rddreg [dreg:$0x2];
	[bflag:$0x3] =	sbarrier.arrive $0xFFFF;
	s2 =	simm.s32 @!p0 $0x1C09  }
0x1d1: {  	[timem:s3], [sflag:s2] =	dma.local @!p0 [hbm:s0], s1  }
0x1d2: {  	s0 =	simm.s32 @!p0 $0x9  }
0x1d3: {  	_ =	swait.ge @!p0 [sflag:s0], s1  }
0x1d4: {  	s1 =	ssub.s32 @!p0 $0x0, s1;
	[sflag:s0] =	ssyncset.done @!p0 $0x0  }
0x1d5: {  	[sflag:s0] =	ssyncadd.s32 @!p0 s1  }
0x1d6: {  	[bflag:$0x3] =	sbarrier.arrive $0xFFFF  }
0x1d7: {  	_ =	shalt  }

// kernel: kernel.9.cloned.1.call-start
scs
__scs_entry_jumppad:
0x0: {  	(pc) =	sbr.rel $0x88, $3  }
0x1: {  	(tag) =	ssettag $0x0;
	lr =	simm.s32 $0x1  }
0x2: {  	[smem:$0x3F94] =	sst lr;
	_ =	strace $0xD0000000  }
0x3: {  	_ = 	snop  }
0x4: {  	_ = 	snop  }
0x5: {  	_ = 	snop  }
0x6: {  	_ = 	snop  }
0x7: {  	_ = 	snop  }
__scs_overlays_trampoline_lowered:
0x8: {  	[smem:$0x3FA3] =	sst s0  }
0x9: {  	[smem:$0x3FA4] =	sst s1  }
0xa: {  	[smem:$0x3FA5] =	sst s2  }
0xb: {  	[smem:$0x3FA6] =	sst s3  }
0xc: {  	[smem:$0x3FA7] =	sst s4  }
0xd: {  	[smem:$0x3FA8] =	sst s5  }
0xe: {  	[smem:$0x3FA9] =	sst s6  }
0xf: {  	[smem:$0x3FAA] =	sst s7  }
0x10: {  	[smem:$0x3FAB] =	sst s8  }
0x11: {  	[smem:$0x3FAC] =	sst s9;
	s0 =	simm.s32 @!p0 $0x0  }
0x12: {  	s1 =	sld [smem:$0x3F92];
	s0 =	simm.s32 @p0 $0x1  }
0x13: {  	[smem:$0x3FAD] =	sst s0;
	s0 =	simm.s32 @!p1 $0x0  }
0x14: {  	s2 =	sld [smem:$0x3F91];
	s0 =	simm.s32 @p1 $0x1  }
0x15: {  	[smem:$0x3FAE] =	sst s0;
	s0 =	simm.s32 @!p2 $0x0  }
0x16: {  	s3 =	sld [smem:$0x3FDB];
	s0 =	simm.s32 @p2 $0x1  }
0x17: {  	s4 =	simm.s32 $0x1BF5;
	[smem:$0x3FB0] =	sst s0  }
0x18: {  	s0 =	sld [smem:$0x3F93];
	_ =	swait.ge [sflag:s4], $0x0  }
0x19: {  	s7 =	sld [smem:$0x3F94]  }
0x1a: {  	s8 =	sadd.s32 $0xFFFFE003, lr  }
0x1b: {  	s9 =	sadd.s32 $0xFFFFFEF7, lr;
	s5 =	simm.s32 $0xFFFFFFFF;
	p2 =	slt.u32 s8, $0xFFFFF086  }
0x1c: {  	p1 =	slt.u32 s9, $0xF7A;
	s5 =	simm.s32 @!p2 $0x0  }
0x1d: {  	s5 =	simm.s32 @p1 $0x1;
	p0 =	seq.s32 s7, s2  }
0x1e: {  	s7 =	smul.u32 @!p0 $0xF7A, s2;
	p2 =	seq.s32 @!p0 s5, $0x0  }
0x1f: {  	s9 =	smul.u32 $0xF7A, s1;
	s8 =	simm.s32 @!p0 $0x1BF5;
	p2 =	por !p2, p0  }
0x20: {  	[sflag:s8] =	ssyncset.s32 @!p0 $0xFFFFF086;
	s6 =	sadd.s32 @!p0 s3, s7;
	s7 =	simm.s32 @!p0 $0x108  }
0x21: {  	s3 =	sadd.s32 s3, s9;
	s6 =	sadd.s32 @!p0 $0x88, s6;
	s7 =	simm.s32 @p2 $0x1082  }
0x22: {  	[simem:s7], [sflag:s8] =	dma.local @!p0 [hbm:s6], $0xF7A  }
0x23: {  	s9 =	sor.u32 $0xD0000000, s2;
	s6 =	simm.s32 $0x108;
	_ =	swait.ge @!p0 [sflag:s8], $0x0  }
0x24: {  	s3 =	sadd.s32 $0x88, s3;
	s6 =	simm.s32 @!p1 $0x1082;
	[sflag:s4] =	ssyncset.s32 $0xFFFFF086  }
0x25: {  	[simem:s6], [sflag:s4] =	dma.local [hbm:s3], $0xF7A  }
0x26: {  	[smem:$0x3F94] =	sst s1;
	(tag) =	ssettag s2;
	_ =	strace s9  }
0x27: {  	s1 =	sld [smem:$0x3FA4]  }
0x28: {  	s2 =	sld [smem:$0x3FA5]  }
0x29: {  	s4 =	sld [smem:$0x3FA7]  }
0x2a: {  	p0 =	seq.s32 s5, $0x0;
	s5 =	sld [smem:$0x3FA8]  }
0x2b: {  	s6 =	sld [smem:$0x3FA9]  }
0x2c: {  	s7 =	sld [smem:$0x3FAA]  }
0x2d: {  	s3 =	simm.s32 $0x108;
	s8 =	sld [smem:$0x3FAB]  }
0x2e: {  	s3 =	simm.s32 @!p0 $0x1082;
	s9 =	sld [smem:$0x3FAC]  }
0x2f: {  	lr =	sadd.s32 s0, s3;
	s0 =	sld [smem:$0x3FA3]  }
0x30: {  	s3 =	sld [smem:$0x3FA6]  }
0x31: {  	[smem:$0x3FAF] =	sst s10  }
0x32: {  	s10 =	sld [smem:$0x3FAD];
	_ =	sdelay $0x3  }
0x33: {  	p0 =	seq.s32 s10, $0x1;
	s10 =	sld [smem:$0x3FAF];
	_ =	sdelay $0x3  }
0x34: {  	[smem:$0x3FAF] =	sst s10  }
0x35: {  	s10 =	sld [smem:$0x3FAE];
	_ =	sdelay $0x3  }
0x36: {  	p1 =	seq.s32 s10, $0x1;
	s10 =	sld [smem:$0x3FAF];
	_ =	sdelay $0x3  }
0x37: {  	[smem:$0x3FAF] =	sst s10  }
0x38: {  	s10 =	sld [smem:$0x3FB0]  }
0x39: {  	_ = 	snop;
	(pc) =	sbr.ind lr, $3  }
0x3a: {  	_ = 	snop  }
0x3b: {  	_ = 	snop  }
0x3c: {  	p2 =	seq.s32 s10, $0x1;
	s10 =	sld [smem:$0x3FAF]  }
0x3d: {  	_ =	shalt  }
0x3e: {  	_ =	shalt  }
0x3f: {  	_ =	shalt  }
0x40: {  	_ =	shalt  }
0x41: {  	_ =	shalt  }
0x42: {  	_ =	shalt  }
0x43: {  	_ =	shalt  }
0x44: {  	_ =	shalt  }
0x45: {  	_ =	shalt  }
0x46: {  	_ =	shalt  }
0x47: {  	_ =	shalt  }
0x48: {  	_ =	shalt  }
0x49: {  	_ =	shalt  }
0x4a: {  	_ =	shalt  }
0x4b: {  	_ =	shalt  }
0x4c: {  	_ =	shalt  }
0x4d: {  	_ =	shalt  }
0x4e: {  	_ =	shalt  }
0x4f: {  	_ =	shalt  }
0x50: {  	_ =	shalt  }
0x51: {  	_ =	shalt  }
0x52: {  	_ =	shalt  }
0x53: {  	_ =	shalt  }
0x54: {  	_ =	shalt  }
0x55: {  	_ =	shalt  }
0x56: {  	_ =	shalt  }
0x57: {  	_ =	shalt  }
0x58: {  	_ =	shalt  }
0x59: {  	_ =	shalt  }
0x5a: {  	_ =	shalt  }
0x5b: {  	_ =	shalt  }
0x5c: {  	_ =	shalt  }
0x5d: {  	_ =	shalt  }
0x5e: {  	_ =	shalt  }
0x5f: {  	_ =	shalt  }
0x60: {  	_ =	shalt  }
0x61: {  	_ =	shalt  }
0x62: {  	_ =	shalt  }
0x63: {  	_ =	shalt  }
0x64: {  	_ =	shalt  }
0x65: {  	_ =	shalt  }
0x66: {  	_ =	shalt  }
0x67: {  	_ =	shalt  }
0x68: {  	_ =	shalt  }
0x69: {  	_ =	shalt  }
0x6a: {  	_ =	shalt  }
0x6b: {  	_ =	shalt  }
0x6c: {  	_ =	shalt  }
0x6d: {  	_ =	shalt  }
0x6e: {  	_ =	shalt  }
0x6f: {  	_ =	shalt  }
0x70: {  	_ =	shalt  }
0x71: {  	_ =	shalt  }
0x72: {  	_ =	shalt  }
0x73: {  	_ =	shalt  }
0x74: {  	_ =	shalt  }
0x75: {  	_ =	shalt  }
0x76: {  	_ =	shalt  }
0x77: {  	_ =	shalt  }
0x78: {  	_ =	shalt  }
0x79: {  	_ =	shalt  }
0x7a: {  	_ =	shalt  }
0x7b: {  	_ =	shalt  }
0x7c: {  	_ =	shalt  }
0x7d: {  	_ =	shalt  }
0x7e: {  	_ =	shalt  }
0x7f: {  	_ =	shalt  }
0x80: {  	_ =	shalt  }
0x81: {  	_ =	shalt  }
0x82: {  	_ =	shalt  }
0x83: {  	_ =	shalt  }
0x84: {  	_ =	shalt  }
0x85: {  	_ =	shalt  }
0x86: {  	_ =	shalt  }
0x87: {  	_ =	shalt  }
.Lfunc_end0:
.L_simem_size_0:
called_computation_lowered:
.L_overlay_start_0:
0x88: {  	s2 =	sld [smem:$0x3FD9]  }
0x89: {  	s3 =	sld [smem:$0x3FFE];
	_ =	sdelay $0x1  }
0x8a: {  	s1 =	srdreg.scid  }
0x8b: {  	s0 =	sand.u32 $0x1, s1  }
0x8c: {  	s14 =	sshll.u32 s0, $0xA;
	s2 =	sadd.s32 s3, s2  }
0x8d: {  	s2 =	sadd.s32 s2, s14  }
0x8e: {  	[smem:$0x3FBB] =	sst s2  }
0x8f: {  	_ = 	snop  }
0x90: {  	s2 =	sld [smem:$0x3FD0];
	_ =	sdelay $0x1  }
0x91: {  	s15 =	sld [smem:$0x3FC5]  }
0x92: {  	s5 =	simm.s32 $0xA;
	s6 =	simm.s32 $0x10;
	s4 =	sld [smem:$0x3FC4]  }
0x93: {  	[smem:s6], [sflag:s5] =	dma.local [hbm:s2], $0x1  }
0x94: {  	_ =	swait.eq [sflag:s5], $0x1  }
0x95: {  	[sflag:s5] =	ssyncset.done $0x0  }
0x96: {  	s16 =	sld [smem:$0x10];
	[sflag:s5] =	ssyncadd.s32 $0xFFFFFFFF  }
0x97: {  	s17 =	sld [smem:$0x11];
	(tm) =	ssettm $0x1  }
0x98: {  	s18 =	sld [smem:$0x3FFB];
	_ =	sdelay $0x3  }
0x99: {  	_ =	strace s18  }
0x9a: {  	s6 =	sld [smem:$0x3FFC];
	_ =	sdelay $0x3  }
0x9b: {  	_ =	strace s6  }
0x9c: {  	s6 =	sld [smem:$0x3FFD];
	_ =	sdelay $0x3  }
0x9d: {  	_ =	strace s6  }
0x9e: {  	_ =	strace $0x8FFFFFFF  }
0x9f: {  	s19 =	sld [smem:$0x3FDB];
	_ =	sdelay $0x1  }
0xa0: {  	s7 =	simm.s32 $_scs_section_size  }
0xa1: {  	s8 =	simm.s32 $_size__tile_overlayer_lowered;
	s9 =	simm.s32 $_tile_overlayer_lowered  }
0xa2: {  	s22 =	simm.s32 $0x1BFF;
	s21 =	sshll.u32 s9, $0x1;
	s6 =	sadd.s32 s7, s19  }
0xa3: {  	s10 =	simm.s32 $0x0;
	s20 =	sshll.u32 s8, $0x1;
	s8 =	sadd.s32 s21, s6  }
0xa4: {  	[timem:s10], [sflag:s22] =	dma.local [hbm:s8], s20  }
0xa5: {  	_ =	swait.ge [sflag:s22], s20  }
0xa6: {  	s7 =	ssub.s32 $0x0, s20;
	[sflag:s22] =	ssyncset.done $0x0  }
0xa7: {  	[sflag:s22] =	ssyncadd.s32 s7;
	_ =	sdelay $0x1  }
0xa8: {  	s23 =	simm.s32 $0x1B8B  }
0xa9: {  	_ =	swait.ge [sflag:s23], $0x1  }
0xaa: {  	[sflag:s23] =	ssyncset.done $0x0  }
0xab: {  	s25 =	simm.s32 $0x1B8E;
	s24 =	sld [smem:$0x3FFE];
	[sflag:s23] =	ssyncadd.s32 $0xFFFFFFFF  }
0xac: {  	s26 =	simm.s32 $execute0_lowered;
	[smem:$0x3FD2] =	sst s25  }
0xad: {  	s8 =	sshll.u32 s26, $0x1;
	_ =	strace $0x80000046;
	[dreg:$0x1] =	wrdreg $0xFFFFFFFF  }
0xae: {  	s28 =	simm.s32 $_size_execute0_lowered;
	s6 =	sadd.s32 s6, s8;
	[dreg:$0x0] =	wrdreg $0x0  }
0xaf: {  	s8 =	sshll.u32 s28, $0x1;
	[dreg:$0x2] =	wrdreg s6  }
0xb0: {  	[dreg:$0x3] =	wrdreg s8  }
0xb1: {  	[dreg:$0x4] =	wrdreg $0xC0  }
0xb2: {  	_ =	task [dreg:s10], $0x5FFFF  }
0xb3: {  	[dreg:$0x1] =	wrdreg $0xFFFFFFFF  }
0xb4: {  	[dreg:$0x0] =	wrdreg $0x60  }
0xb5: {  	[dreg:$0x2] =	wrdreg s16  }
0xb6: {  	[dreg:$0x3] =	wrdreg s24  }
0xb7: {  	[dreg:$0x4] =	wrdreg s17  }
0xb8: {  	[dreg:$0x5] =	wrdreg s15  }
0xb9: {  	[dreg:$0x6] =	wrdreg s4  }
0xba: {  	[dreg:$0x7] =	wrdreg $0xC3000  }
0xbb: {  	[dreg:$0x8] =	wrdreg $0x9  }
0xbc: {  	_ =	task.clear_ibuf [dreg:s10], $0x9FFFF;
	_ =	strace $0x90000046  }
0xbd: {  	s29 =	simm.s32 $0x9;
	_ =	strace $0x80000048  }
0xbe: {  	_ =	swait.ge [sflag:s29], $0x1  }
0xbf: {  	[sflag:s29] =	ssyncadd.s32 $0xFFFFFFFF  }
0xc0: {  	_ =	strace $0x90000048  }
0xc1: {  	_ =	sfence  }
0xc2: {  	s30 =	sld [smem:$0x0];
	_ =	sdelay $0x2  }
0xc3: {  	s31 =	sshll.u32 s1, $0xD;
	s1 =	sshrl.u32 s1, $0x2  }
0xc4: {  	s3 =	sand.u32 $0x4000, s31;
	s1 =	sadd.s32 s1, s30  }
0xc5: {  	s0 =	sor.u32 s3, s0;
	s1 =	sshll.u32 s1, $0x11  }
0xc6: {  	s0 =	sor.u32 s1, s0  }
0xc7: {  	s0 =	sadd.s32 $0x8F2B, s0  }
0xc8: {  	[sflag:s0] =	ssyncadd.remote.s32 $0x1  }
0xc9: {  	_ =	sfence.sel $0xFFFF  }
0xca: {  	[dreg:$0x0] =	wrdreg $0xFFFFFFFF;
	(pc) =	sbr.abs _section_cstart, $3  }
0xcb: {  	[dreg:$0x1] =	wrdreg $0xFFFFFFFF  }
0xcc: {  	_ =	task.clear_ibuf [dreg:s10], $0x2FFFF;
	_ =	strace $0x9FFFFFFF  }
0xcd: {  	(tm) =	ssettm $0x7FFFFFFF  }
tec
execute0_lowered:
.L_overlay_start_1:
0x0: {  	(tag) =	ssettag $0x1  }
0x1: {  	s1 =	rddreg [dreg:$0x0]  }
0x2: {  	s0 =	rddreg [dreg:$0x1]  }
0x3: {  	s5 =	rddreg [dreg:$0x2]  }
0x4: {  	s2 =	rddreg [dreg:$0x3]  }
0x5: {  	s3 =	rddreg [dreg:$0x4]  }
0x6: {  	s4 =	rddreg [dreg:$0x5]  }
0x7: {  	s7 =	simm.s32 $0x0;
	s6 =	srdreg.scid;
	s15 =	stileid.u32  }
0x8: {  	s29 =	simm.s32 $0x1;
	s30 =	simm.s32 $0x40;
	s31 =	simm.s32 $0x4  }
0x9: {  	[smem:$0x7FF] =	sst s7;
	s6 =	sand.u32 $0x1, s6;
	s13 =	sshll.u32 s15, $0x1  }
0xa: {  	s7 =	sadd.s32 $0x2800, s0;
	s0 =	sadd.s32 $0x13B000, s0;
	p0 =	seq.s32 s15, $0x0  }
0xb: {  	s12 =	smul.u32 $0x4E000, s15;
	s21 =	sshll.u32 s15, $0x6;
	s22 =	sadd.s32 $0x138000, s4  }
0xc: {  	_ =	strace $0x80000047;
	s8 =	ssub.s32 $0x2, s6;
	s9 =	sor.u32 s6, s13  }
0xd: {  	s6 =	smul.u32 $0x138800, s6;
	[dreg:$0xd] =	wrdreg s22;
	s10 =	sshrl.u32 s8, $0x1  }
0xe: {  	s11 =	smul.u32 $0x27, s9;
	s14 =	smin.u32 s9, $0x2;
	s9 =	simm.s32 $0x28  }
0xf: {  	s18 =	sshrl.u32 s12, $0x2;
	s10 =	ssub.s32 s8, s10;
	s9 =	simm.s32 @!p0 $0x27  }
0x10: {  	p0 =	sne.s32 s15, $0xF;
	s8 =	sadd.s32 s14, s11;
	s14 =	smul.u32 $0x13800, s15  }
0x11: {  	s28 =	smax.u32 s10, $0x1;
	s10 =	simm.s32 $0x280;
	s11 =	sshll.u32 s8, $0x3  }
0x12: {  	s23 =	sshll.u32 s8, $0xA;
	[dreg:$0x12] =	wrdreg s28;
	s13 =	sadd.s32 s2, s11  }
0x13: {  	s16 =	sadd.s32 $0x8, s11;
	s11 =	sadd.s32 s3, s11;
	s20 =	sshrl.u32 s14, $0x3  }
0x14: {  	s24 =	sadd.s32 s14, s6;
	s6 =	sshrl.u32 s6, $0x3;
	[dreg:$0x7] =	wrdreg s13  }
0x15: {  	s14 =	simm.s32 $0x0;
	[dreg:$0x8] =	wrdreg s11;
	s17 =	sadd.s32 s2, s16  }
0x16: {  	s19 =	sadd.s32 s3, s16;
	s11 =	sadd.s32 s18, s4;
	s16 =	sor.u32 $0x1C09, s21  }
0x17: {  	s25 =	sshrl.u32 s24, $0x3;
	s6 =	sadd.s32 s0, s6;
	[dreg:$0x9] =	wrdreg s17  }
0x18: {  	s18 =	simm.s32 $0x9;
	s24 =	simm.s32 $0x5;
	[dreg:$0xa] =	wrdreg s19  }
0x19: {  	[dreg:$0xb] =	wrdreg s11;
	s11 =	sadd.s32 s5, s20;
	s5 =	sadd.s32 $0x27000, s5  }
.Ltmp0:
0x1a: {  	s20 =	sadd.s32 $0xFFFFFFFF, s9;
	[dreg:$0xc] =	wrdreg s11;
	(pc) =	sbr.rel .LBB2_1-.Ltmp0, $4  }
0x1b: {  	s0 =	sadd.s32 s0, s25;
	s26 =	sadd.s32 $0x27000, s6;
	[dreg:$0xe] =	wrdreg s5  }
0x1c: {  	s25 =	simm.s32 $0x200;
	s5 =	sadd.s32 s7, s23;
	[dreg:$0x10] =	wrdreg s0  }
0x1d: {  	[dreg:$0x11] =	wrdreg s26;
	s26 =	simm.s32 $0x8300;
	s0 =	simm.s32 $0x6  }
0x1e: {  	s11 =	simm.s32 $0xA300;
	[dreg:$0xf] =	wrdreg s5;
	s5 =	simm.s32 $0x3  }
.LBB2_11:
0x1f: {  	s6 =	simm.s32 $0x7  }
0x20: {  	_ =	swait.ge [sflag:s6], $0x2000  }
0x21: {  	[sflag:s6] =	ssyncset.done $0x0  }
0x22: {  	s23 =	simm.s32 $0x8;
	[sflag:s6] =	ssyncadd.s32 $0xFFFFE000  }
0x23: {  	_ =	swait.ge [sflag:s23], $0x2000  }
0x24: {  	[sflag:s23] =	ssyncset.done $0x0  }
0x25: {  	[sflag:s23] =	ssyncadd.s32 $0xFFFFE000  }
0x26: {  	[bflag:$0x0] =	sbarrier.arrive $0xFFFF  }
0x27: {  	s18 =	simm.s32 $0x9;
	s28 =	rddreg [dreg:$0x10]  }
0x28: {  	[hbm:s28], [sflag:s16] =	dma.local [spmem:s15], $0x2700  }
0x29: {  	_ =	swait.ge [sflag:s18], $0x2700  }
0x2a: {  	[sflag:s18] =	ssyncset.done $0x0  }
0x2b: {  	s6 =	rddreg [dreg:$0x11];
	[sflag:s18] =	ssyncadd.s32 $0xFFFFD900  }
0x2c: {  	[hbm:s6], [sflag:s16] =	dma.local @!p0 [spmem:s17], $0x100  }
0x2d: {  	s6 =	simm.s32 @!p0 $0x9  }
0x2e: {  	_ =	swait.ge @!p0 [sflag:s6], $0x100  }
0x2f: {  	s14 =	sadd.s32 $0x1, s14;
	s12 =	rddreg [dreg:$0x12]  }
0x30: {  	p1 =	sne.s32 s14, s12  }
.Ltmp1:
0x31: {  	_ = 	snop;
	(pc) =	sbr.rel @!p1 .LBB2_12-.Ltmp1, $3  }
0x32: {  	_ =	sdelay $0x1  }
0x33: {  	[sflag:s6] =	ssyncset.done @!p0 $0x0  }
0x34: {  	[sflag:s6] =	ssyncadd.s32 @!p0 $0xFFFFFF00  }
.LBB2_1:
0x35: {  	s6 =	rddreg [dreg:$0x7]  }
0x36: {  	s12 =	simm.s32 $0x0;
	s22 =	rddreg [dreg:$0x8]  }
0x37: {  	[tilespmem:s12], [sflag:$0x1] =	stream.linear.gather [hbm4b:s6+s12], $0x40, $0x38;
	[tilespmem:$0x1FB80] =	vst v63  }
0x38: {  	s13 =	simm.s32 $0x100;
	s23 =	rddreg [dreg:$0x9]  }
0x39: {  	[tilespmem:s13], [sflag:$0x1] =	stream.linear.gather [hbm4b:s22+s12], $0x40, $0x38;
	[tilespmem:$0x1FB80] =	vst v63  }
0x3a: {  	s28 =	simm.s32 $0x80;
	s15 =	rddreg [dreg:$0xa]  }
0x3b: {  	[tilespmem:s28], [sflag:$0x2] =	stream.linear.gather [hbm4b:s23+s12], $0x40, $0x38;
	[tilespmem:$0x1FB80] =	vst v63  }
0x3c: {  	s17 =	simm.s32 $0x180;
	s19 =	rddreg [dreg:$0xb]  }
0x3d: {  	[tilespmem:s17], [sflag:$0x2] =	stream.linear.gather [hbm4b:s15+s12], $0x40, $0x38;
	[tilespmem:$0x1FB80] =	vst v63  }
0x3e: {  	s21 =	rddreg [dreg:$0xc];
	s15 =	sshrl.u32 s19, $0x3  }
0x3f: {  	[spmem:s15], [sflag:s16] =	dma.local [hbm:s21], $0x2700  }
0x40: {  	_ =	swait.ge [sflag:s18], $0x2700  }
0x41: {  	[sflag:s18] =	ssyncset.done $0x0;
	s6 =	rddreg [dreg:$0xd]  }
0x42: {  	[sflag:s18] =	ssyncadd.s32 $0xFFFFD900;
	s17 =	sshrl.u32 @!p0 s6, $0x3;
	s6 =	rddreg [dreg:$0xe]  }
0x43: {  	[spmem:s17], [sflag:s16] =	dma.local @!p0 [hbm:s6], $0x100  }
0x44: {  	s6 =	simm.s32 @!p0 $0x9  }
0x45: {  	_ =	swait.ge @!p0 [sflag:s6], $0x100  }
0x46: {  	[sflag:s6] =	ssyncset.done @!p0 $0x0  }
0x47: {  	[sflag:s6] =	ssyncadd.s32 @!p0 $0xFFFFFF00  }
0x48: {  	[bflag:$0x0] =	sbarrier.arrive $0xFFFF  }
0x49: {  	_ =	swait.ge [sflag:s29], $0x40  }
0x4a: {  	[sflag:s29] =	ssyncset.done $0x0  }
0x4b: {  	[sflag:s29] =	ssyncadd.s32 $0xFFFFFFC0  }
0x4c: {  	_ =	swait.ge [sflag:s29], $0x40  }
.Ltmp2:
0x4d: {  	[sflag:s29] =	ssyncset.done $0x0;
	(pc) =	sbr.rel .LBB2_2-.Ltmp2, $4  }
0x4e: {  	s22 =	simm.s32 $0x300;
	[sflag:s29] =	ssyncadd.s32 $0xFFFFFFC0  }
0x4f: {  	[tilespmem:s22], [sflag:$0x3] =	stream.indirect.gather [hbm4b:s1+s30], $0x80, s12, s30, $0xb8;
	[tilespmem:$0x1FB80] =	vst v63  }
0x50: {  	s28 =	simm.s32 $0x4300;
	s18 =	simm.s32 $0x0;
	s23 =	rddreg [dreg:$0xf]  }
0x51: {  	[tilespmem:s28], [sflag:$0x5] =	stream.linear.gather [hbm4b:s23+s12], $0x2000, $0x38;
	[tilespmem:$0x1FB80] =	vst v63  }
.LBB2_10:
0x52: {  	s18 =	sadd.s32 $0x1, s18  }
0x53: {  	p1 =	sne.s32 s18, $0x14  }
.Ltmp3:
0x54: {  	_ = 	snop;
	(pc) =	sbr.rel @!p1 .LBB2_11-.Ltmp3, $1  }
0x55: {  	_ =	sdelay $0x3  }
.LBB2_2:
0x56: {  	s19 =	sshll.u32 s18, $0x1  }
0x57: {  	p2 =	sge.u32 s19, s9  }
.Ltmp4:
0x58: {  	_ = 	snop;
	(pc) =	sbr.rel @p2 .LBB2_6-.Ltmp4, $2  }
0x59: {  	_ =	sdelay $0x2  }
0x5a: {  	p1 =	seq.s32 s18, $0x0  }
0x5b: {  	s6 =	simm.s32 @!p1 $0x7  }
0x5c: {  	_ =	swait.ge @!p1 [sflag:s6], $0x2000  }
0x5d: {  	[sflag:s6] =	ssyncset.done @!p1 $0x0  }
0x5e: {  	[sflag:s6] =	ssyncadd.s32 @!p1 $0xFFFFE000  }
0x5f: {  	_ =	swait.ge [sflag:s5], $0x2000  }
0x60: {  	[sflag:s5] =	ssyncset.done $0x0  }
0x61: {  	[sflag:s5] =	ssyncadd.s32 $0xFFFFE000  }
0x62: {  	_ =	swait.ge [sflag:s24], $0x2000  }
0x63: {  	[sflag:s24] =	ssyncset.done $0x0  }
0x64: {  	[sflag:s24] =	ssyncadd.s32 $0xFFFFE000  }
0x65: {  	v0 =	vld [tilespmem:$0x100]  }
0x66: {  	v1 =	vld [tilespmem:$0x110]  }
0x67: {  	v2 =	vld [tilespmem:$0x120]  }
0x68: {  	v3 =	vld [tilespmem:$0x130];
	_ =	sdelay $0x1  }
0x69: {  	[tilespmem:$0x200] =	vst v0  }
0x6a: {  	s6 =	sor.u32 $0x1, s19;
	[tilespmem:$0x210] =	vst v1  }
0x6b: {  	p2 =	sge.u32 s6, s9;
	[tilespmem:$0x220] =	vst v2  }
0x6c: {  	s12 =	simm.s32 @!p2 $0x2;
	[tilespmem:$0x230] =	vst v3  }
0x6d: {  	_ =	swait.ge @!p2 [sflag:s12], $0x40  }
0x6e: {  	[sflag:s12] =	ssyncset.done @!p2 $0x0  }
0x6f: {  	[sflag:s12] =	ssyncadd.s32 @!p2 $0xFFFFFFC0  }
0x70: {  	s13 =	simm.s32 @!p2 $0x80;
	s6 =	sadd.s32 @!p2 s8, s6;
	_ =	swait.ge @!p2 [sflag:s12], $0x40  }
0x71: {  	s21 =	simm.s32 @!p2 $0x2300;
	s6 =	sshll.u32 @!p2 s6, $0xA;
	[sflag:s12] =	ssyncset.done @!p2 $0x0  }
0x72: {  	s6 =	sand.u32 @!p2 $0x1FFFFC00, s6;
	[sflag:s12] =	ssyncadd.s32 @!p2 $0xFFFFFFC0;
	s12 =	simm.s32 @!p2 $0x40  }
0x73: {  	[tilespmem:s21], [sflag:$0x4] =	stream.indirect.gather @!p2 [hbm4b:s1+s12], $0x80, s13, s12, $0xb8;
	[tilespmem:$0x1FB80] =	vst v63  }
0x74: {  	s6 =	sadd.s32 @!p2 s7, s6;
	s12 =	simm.s32 @!p2 $0x0;
	s13 =	simm.s32 @!p2 $0x6300  }
0x75: {  	[tilespmem:s13], [sflag:$0x6] =	stream.linear.gather @!p2 [hbm4b:s6+s12], $0x2000, $0x38;
	[tilespmem:$0x1FB80] =	vst v63  }
0x76: {  	s6 =	sadd.s32 $0x2, s19  }
0x77: {  	p2 =	sge.u32 s6, s9  }
0x78: {  	s6 =	sadd.s32 @!p2 s8, s6  }
0x79: {  	s6 =	sshll.u32 @!p2 s6, $0x3  }
0x7a: {  	s6 =	sand.u32 @!p2 $0x1FFFFFF8, s6  }
0x7b: {  	s13 =	simm.s32 @!p2 $0x0;
	s12 =	sadd.s32 @!p2 s2, s6  }
0x7c: {  	[tilespmem:s13], [sflag:$0x1] =	stream.linear.gather @!p2 [hbm4b:s12+s13], $0x40, $0x38;
	[tilespmem:$0x1FB80] =	vst v63  }
0x7d: {  	s21 =	simm.s32 $0x400;
	s6 =	sadd.s32 @!p2 s3, s6;
	s12 =	simm.s32 @!p2 $0x100  }
0x7e: {  	[tilespmem:s12], [sflag:$0x1] =	stream.linear.gather @!p2 [hbm4b:s6+s13], $0x40, $0x38;
	[tilespmem:$0x1FB80] =	vst v63  }
0x7f: {  	s22 =	simm.s32 $0x4400;
	v0 =	vld [tilespmem:s21+$0x80]  }
0x80: {  	v1 =	vld [tilespmem:s22+$0x80];
	_ =	sdelay $0x2  }
0x81: {  	v2 =	vld [tilespmem:s21+$0xFFFFFF80]  }
0x82: {  	v3 =	vld [tilespmem:s22+$0xFFFFFF80]  }
0x83: {  	v4 =	vld [tilespmem:s22+$0xFFFFFF00];
	v0 =	vmul.f32 v1, v0  }
0x84: {  	s23 =	simm.s32 $0x8400;
	v1 =	vld [tilespmem:s21+$0xFFFFFF00]  }
0x85: {  	[tilespmem:s23+$0x80] =	vst v0  }
0x86: {  	v0 =	vld [tilespmem:s21+$0x90]  }
0x87: {  	v2 =	vmul.f32 v3, v2;
	v3 =	vld [tilespmem:s22+$0x90]  }
0x88: {  	v5 =	vld [tilespmem:s21+$0x0]  }
0x89: {  	v6 =	vld [tilespmem:s22+$0x0];
	[tilespmem:s23+$0xFFFFFF80] =	vst v2;
	v1 =	vmul.f32 v4, v1  }
0x8a: {  	v2 =	vld [tilespmem:s21+$0xFFFFFF90]  }
0x8b: {  	v4 =	vld [tilespmem:s22+$0xFFFFFF90];
	[tilespmem:s23+$0xFFFFFF00] =	vst v1  }
0x8c: {  	v1 =	vld [tilespmem:s21+$0xFFFFFF10];
	v0 =	vmul.f32 v3, v0  }
0x8d: {  	v3 =	vld [tilespmem:s22+$0xFFFFFF10]  }
0x8e: {  	v5 =	vmul.f32 v6, v5;
	[tilespmem:s23+$0x90] =	vst v0  }
0x8f: {  	v0 =	vld [tilespmem:s21+$0xA0]  }
0x90: {  	[tilespmem:s23+$0x0] =	vst v5;
	v2 =	vmul.f32 v4, v2;
	v4 =	vld [tilespmem:s22+$0xA0]  }
0x91: {  	v5 =	vld [tilespmem:s21+$0x10]  }
0x92: {  	v6 =	vld [tilespmem:s22+$0x10];
	[tilespmem:s23+$0xFFFFFF90] =	vst v2;
	v1 =	vmul.f32 v3, v1  }
0x93: {  	v2 =	vld [tilespmem:s21+$0xFFFFFFA0]  }
0x94: {  	v3 =	vld [tilespmem:s22+$0xFFFFFFA0];
	[tilespmem:s23+$0xFFFFFF10] =	vst v1  }
0x95: {  	v1 =	vld [tilespmem:s21+$0xFFFFFF20];
	v0 =	vmul.f32 v4, v0  }
0x96: {  	v4 =	vld [tilespmem:s22+$0xFFFFFF20]  }
0x97: {  	v5 =	vmul.f32 v6, v5;
	[tilespmem:s23+$0xA0] =	vst v0  }
0x98: {  	v0 =	vld [tilespmem:s21+$0xB0]  }
0x99: {  	[tilespmem:s23+$0x10] =	vst v5;
	v2 =	vmul.f32 v3, v2;
	v3 =	vld [tilespmem:s22+$0xB0]  }
0x9a: {  	v5 =	vld [tilespmem:s21+$0x20]  }
0x9b: {  	[tilespmem:s23+$0xFFFFFFA0] =	vst v2;
	v2 =	vld [tilespmem:s22+$0x20];
	v1 =	vmul.f32 v4, v1  }
0x9c: {  	v4 =	vld [tilespmem:s21+$0xFFFFFFB0]  }
0x9d: {  	v6 =	vld [tilespmem:s22+$0xFFFFFFB0];
	[tilespmem:s23+$0xFFFFFF20] =	vst v1  }
0x9e: {  	v1 =	vld [tilespmem:s21+$0xFFFFFF30];
	v0 =	vmul.f32 v3, v0  }
0x9f: {  	v3 =	vld [tilespmem:s22+$0xFFFFFF30]  }
0xa0: {  	v2 =	vmul.f32 v2, v5;
	[tilespmem:s23+$0xB0] =	vst v0  }
0xa1: {  	v0 =	vld [tilespmem:s21+$0xC0]  }
0xa2: {  	v4 =	vmul.f32 v6, v4;
	[tilespmem:s23+$0x20] =	vst v2;
	v2 =	vld [tilespmem:s22+$0xC0]  }
0xa3: {  	v5 =	vld [tilespmem:s21+$0x30]  }
0xa4: {  	[tilespmem:s23+$0xFFFFFFB0] =	vst v4;
	v1 =	vmul.f32 v3, v1;
	v3 =	vld [tilespmem:s22+$0x30]  }
0xa5: {  	v4 =	vld [tilespmem:s21+$0xFFFFFFC0]  }
0xa6: {  	[tilespmem:s23+$0xFFFFFF30] =	vst v1;
	v1 =	vld [tilespmem:s22+$0xFFFFFFC0]  }
0xa7: {  	v6 =	vld [tilespmem:s21+$0xFFFFFF40];
	v0 =	vmul.f32 v2, v0  }
0xa8: {  	v2 =	vld [tilespmem:s22+$0xFFFFFF40]  }
0xa9: {  	v3 =	vmul.f32 v3, v5;
	[tilespmem:s23+$0xC0] =	vst v0  }
0xaa: {  	v0 =	vld [tilespmem:s21+$0xD0]  }
0xab: {  	v1 =	vmul.f32 v1, v4;
	[tilespmem:s23+$0x30] =	vst v3;
	v3 =	vld [tilespmem:s22+$0xD0]  }
0xac: {  	v4 =	vld [tilespmem:s21+$0x40]  }
0xad: {  	v2 =	vmul.f32 v2, v6;
	[tilespmem:s23+$0xFFFFFFC0] =	vst v1;
	v1 =	vld [tilespmem:s22+$0x40]  }
0xae: {  	v5 =	vld [tilespmem:s21+$0xFFFFFFD0]  }
0xaf: {  	[tilespmem:s23+$0xFFFFFF40] =	vst v2;
	v2 =	vld [tilespmem:s22+$0xFFFFFFD0]  }
0xb0: {  	v6 =	vld [tilespmem:s21+$0xFFFFFF50];
	v0 =	vmul.f32 v3, v0  }
0xb1: {  	v3 =	vld [tilespmem:s22+$0xFFFFFF50]  }
0xb2: {  	v1 =	vmul.f32 v1, v4;
	[tilespmem:s23+$0xD0] =	vst v0  }
0xb3: {  	v7 =	vld [tilespmem:s21+$0xE0]  }
0xb4: {  	v0 =	vmul.f32 v2, v5;
	v5 =	vld [tilespmem:s22+$0xE0];
	[tilespmem:s23+$0x40] =	vst v1  }
0xb5: {  	v1 =	vld [tilespmem:s21+$0x50]  }
0xb6: {  	v2 =	vmul.f32 v3, v6;
	[tilespmem:s23+$0xFFFFFFD0] =	vst v0;
	v4 =	vld [tilespmem:s22+$0x50]  }
0xb7: {  	v0 =	vld [tilespmem:s21+$0xFFFFFFE0]  }
0xb8: {  	v3 =	vld [tilespmem:s22+$0xFFFFFFE0];
	[tilespmem:s23+$0xFFFFFF50] =	vst v2  }
0xb9: {  	s28 =	simm.s32 $0x4400;
	v2 =	vld [tilespmem:s21+$0xFFFFFF60];
	v6 =	vmul.f32 v5, v7  }
0xba: {  	s13 =	simm.s32 $0x0;
	s6 =	simm.s32 $0x600;
	s12 =	simm.s32 $0x8400;
	v5 =	vld [tilespmem:s22+$0xFFFFFF60]  }
.LBB2_4:
0xbb: {  	v7 =	vld [tilespmem:s6+$0x80];
	v1 =	vmul.f32 v4, v1;
	[tilespmem:s23+$0xE0] =	vst v6  }
0xbc: {  	v4 =	vld [tilespmem:s21+$0xF0]  }
0xbd: {  	s28 =	sadd.s32 $0x200, s28;
	v0 =	vmul.f32 v3, v0;
	[tilespmem:s23+$0x50] =	vst v1;
	v1 =	vld [tilespmem:s22+$0xF0]  }
0xbe: {  	v3 =	vld [tilespmem:s28+$0x80]  }
0xbf: {  	v6 =	vld [tilespmem:s28+$0xFFFFFF00];
	v2 =	vmul.f32 v5, v2;
	[tilespmem:s23+$0xFFFFFFE0] =	vst v0  }
0xc0: {  	v0 =	vld [tilespmem:s6+$0xFFFFFF80]  }
0xc1: {  	v5 =	vld [tilespmem:s28+$0xFFFFFF80];
	[tilespmem:s23+$0xFFFFFF60] =	vst v2  }
0xc2: {  	v2 =	vld [tilespmem:s6+$0x0];
	v1 =	vmul.f32 v1, v4  }
0xc3: {  	v4 =	vld [tilespmem:s28+$0x0];
	v3 =	vmul.f32 v3, v7  }
0xc4: {  	s23 =	sadd.s32 $0x200, s23;
	v7 =	vld [tilespmem:s6+$0xFFFFFF00];
	[tilespmem:s12+$0xF0] =	vst v1  }
0xc5: {  	s13 =	sadd.s32 $0x4, s13;
	[tilespmem:s23+$0x80] =	vst v3;
	v1 =	vld [tilespmem:s21+$0x60]  }
0xc6: {  	p2 =	slt.u32 s13, $0x3C;
	v0 =	vmul.f32 v5, v0;
	v3 =	vld [tilespmem:s6+$0x90]  }
0xc7: {  	v5 =	vld [tilespmem:s28+$0x90]  }
0xc8: {  	[tilespmem:s23+$0xFFFFFF80] =	vst v0;
	v0 =	vmul.f32 v4, v2;
	v2 =	vld [tilespmem:s22+$0x60]  }
0xc9: {  	v4 =	vmul.f32 v6, v7;
	v6 =	vld [tilespmem:s6+$0xFFFFFF90]  }
0xca: {  	v7 =	vld [tilespmem:s28+$0xFFFFFF90];
	[tilespmem:s23+$0x0] =	vst v0  }
0xcb: {  	[tilespmem:s23+$0xFFFFFF00] =	vst v4;
	v0 =	vld [tilespmem:s6+$0x10]  }
0xcc: {  	v4 =	vld [tilespmem:s6+$0xFFFFFF10];
	v3 =	vmul.f32 v5, v3  }
0xcd: {  	v5 =	vld [tilespmem:s28+$0xFFFFFF10];
	v1 =	vmul.f32 v2, v1  }
0xce: {  	v2 =	vld [tilespmem:s28+$0x10];
	[tilespmem:s23+$0x90] =	vst v3  }
0xcf: {  	v3 =	vmul.f32 v7, v6;
	v6 =	vld [tilespmem:s6+$0xA0];
	[tilespmem:s12+$0x60] =	vst v1  }
0xd0: {  	v1 =	vld [tilespmem:s28+$0xA0]  }
0xd1: {  	[tilespmem:s23+$0xFFFFFF90] =	vst v3;
	v3 =	vld [tilespmem:s21+$0xFFFFFF70]  }
0xd2: {  	v4 =	vmul.f32 v5, v4;
	v5 =	vld [tilespmem:s6+$0xFFFFFFA0]  }
0xd3: {  	v7 =	vld [tilespmem:s28+$0xFFFFFFA0];
	v0 =	vmul.f32 v2, v0  }
0xd4: {  	[tilespmem:s23+$0xFFFFFF10] =	vst v4;
	v2 =	vld [tilespmem:s22+$0xFFFFFF70]  }
0xd5: {  	v4 =	vld [tilespmem:s6+$0xFFFFFF20];
	[tilespmem:s23+$0x10] =	vst v0;
	v0 =	vmul.f32 v1, v6  }
0xd6: {  	v1 =	vld [tilespmem:s28+$0xFFFFFF20]  }
0xd7: {  	v6 =	vld [tilespmem:s6+$0x20];
	[tilespmem:s23+$0xA0] =	vst v0  }
0xd8: {  	v0 =	vmul.f32 v7, v5;
	v5 =	vld [tilespmem:s6+$0xB0]  }
0xd9: {  	v7 =	vld [tilespmem:s28+$0xB0];
	v2 =	vmul.f32 v2, v3  }
0xda: {  	[tilespmem:s23+$0xFFFFFFA0] =	vst v0;
	v0 =	vld [tilespmem:s28+$0x20]  }
0xdb: {  	v1 =	vmul.f32 v1, v4;
	v3 =	vld [tilespmem:s6+$0xFFFFFFB0];
	[tilespmem:s12+$0xFFFFFF70] =	vst v2  }
0xdc: {  	v2 =	vld [tilespmem:s28+$0xFFFFFFB0]  }
0xdd: {  	[tilespmem:s23+$0xFFFFFF20] =	vst v1;
	v1 =	vld [tilespmem:s21+$0xFFFFFFF0]  }
0xde: {  	v4 =	vld [tilespmem:s6+$0xFFFFFF30];
	v5 =	vmul.f32 v7, v5  }
0xdf: {  	v7 =	vld [tilespmem:s28+$0xFFFFFF30];
	v0 =	vmul.f32 v0, v6  }
0xe0: {  	[tilespmem:s23+$0xB0] =	vst v5;
	v5 =	vld [tilespmem:s22+$0xFFFFFFF0]  }
0xe1: {  	v2 =	vmul.f32 v2, v3;
	[tilespmem:s23+$0x20] =	vst v0;
	v0 =	vld [tilespmem:s6+$0xC0]  }
0xe2: {  	v3 =	vld [tilespmem:s28+$0xC0]  }
0xe3: {  	[tilespmem:s23+$0xFFFFFFB0] =	vst v2;
	v2 =	vld [tilespmem:s6+$0x30]  }
0xe4: {  	v4 =	vmul.f32 v7, v4;
	v6 =	vld [tilespmem:s28+$0x30]  }
0xe5: {  	v7 =	vld [tilespmem:s6+$0xFFFFFFC0];
	v1 =	vmul.f32 v5, v1  }
0xe6: {  	[tilespmem:s23+$0xFFFFFF30] =	vst v4;
	v4 =	vld [tilespmem:s28+$0xFFFFFFC0]  }
0xe7: {  	v5 =	vld [tilespmem:s6+$0xFFFFFF40];
	v0 =	vmul.f32 v3, v0;
	[tilespmem:s12+$0xFFFFFFF0] =	vst v1  }
0xe8: {  	v1 =	vld [tilespmem:s28+$0xFFFFFF40]  }
0xe9: {  	v2 =	vmul.f32 v6, v2;
	[tilespmem:s23+$0xC0] =	vst v0;
	v3 =	vld [tilespmem:s21+$0x70];
	s21 =	smov.u32 s6  }
0xea: {  	v0 =	vld [tilespmem:s6+$0xD0]  }
0xeb: {  	v4 =	vmul.f32 v4, v7;
	[tilespmem:s23+$0x30] =	vst v2;
	v2 =	vld [tilespmem:s28+$0xD0]  }
0xec: {  	v6 =	vld [tilespmem:s6+$0x40]  }
0xed: {  	v1 =	vmul.f32 v1, v5;
	[tilespmem:s23+$0xFFFFFFC0] =	vst v4;
	v4 =	vld [tilespmem:s28+$0x40]  }
0xee: {  	v5 =	vld [tilespmem:s6+$0xFFFFFFD0]  }
0xef: {  	[tilespmem:s23+$0xFFFFFF40] =	vst v1;
	v1 =	vld [tilespmem:s28+$0xFFFFFFD0]  }
0xf0: {  	v7 =	vld [tilespmem:s6+$0xFFFFFF50];
	v0 =	vmul.f32 v2, v0  }
0xf1: {  	v2 =	vld [tilespmem:s28+$0xFFFFFF50]  }
0xf2: {  	v4 =	vmul.f32 v4, v6;
	[tilespmem:s23+$0xD0] =	vst v0;
	v6 =	vld [tilespmem:s22+$0x70];
	s22 =	smov.u32 s28  }
0xf3: {  	v8 =	vld [tilespmem:s6+$0xE0]  }
0xf4: {  	v0 =	vmul.f32 v1, v5;
	[tilespmem:s23+$0x40] =	vst v4;
	v5 =	vld [tilespmem:s28+$0xE0]  }
0xf5: {  	v1 =	vld [tilespmem:s6+$0x50]  }
.Ltmp5:
0xf6: {  	v2 =	vmul.f32 v2, v7;
	[tilespmem:s23+$0xFFFFFFD0] =	vst v0;
	v4 =	vld [tilespmem:s28+$0x50];
	(pc) =	sbr.rel @p2 .LBB2_4-.Ltmp5, $4  }
0xf7: {  	v0 =	vld [tilespmem:s6+$0xFFFFFFE0];
	v7 =	vmul.f32 v6, v3  }
0xf8: {  	[tilespmem:s23+$0xFFFFFF50] =	vst v2;
	v3 =	vld [tilespmem:s28+$0xFFFFFFE0]  }
0xf9: {  	v2 =	vld [tilespmem:s6+$0xFFFFFF60];
	v6 =	vmul.f32 v5, v8;
	[tilespmem:s12+$0x70] =	vst v7;
	s12 =	smov.u32 s23  }
0xfa: {  	s6 =	sadd.s32 $0x200, s6;
	v5 =	vld [tilespmem:s28+$0xFFFFFF60]  }
0xfb: {  	v1 =	vmul.f32 v4, v1;
	_ =	sdelay $0x1  }
0xfc: {  	[tilespmem:s23+$0x50] =	vst v1  }
0xfd: {  	v1 =	vld [tilespmem:s21+$0x60]  }
0xfe: {  	v55 =	vld [tilespmem:s22+$0x60]  }
0xff: {  	[tilespmem:s23+$0xE0] =	vst v6;
	v0 =	vmul.f32 v3, v0  }
0x100: {  	v56 =	vld [tilespmem:s21+$0xF0]  }
0x101: {  	v57 =	vld [tilespmem:s22+$0xF0];
	v2 =	vmul.f32 v5, v2;
	[tilespmem:s23+$0xFFFFFFE0] =	vst v0  }
0x102: {  	v60 =	vld [tilespmem:s21+$0xFFFFFFF0]  }
0x103: {  	v61 =	vld [tilespmem:s22+$0xFFFFFFF0];
	[tilespmem:s23+$0xFFFFFF60] =	vst v2;
	v58 =	vmul.f32 v55, v1  }
0x104: {  	v2 =	vld [tilespmem:s21+$0xFFFFFF70]  }
0x105: {  	v59 =	vld [tilespmem:s22+$0xFFFFFF70];
	[tilespmem:s12+$0x60] =	vst v58  }
0x106: {  	v62 =	vld [tilespmem:s21+$0x70]  }
0x107: {  	v7 =	vld [tilespmem:s22+$0x70];
	_ =	sdelay $0x1  }
0x108: {  	v3 =	vmul.f32 v57, v56  }
0x109: {  	v0 =	vmul.f32 v61, v60  }
0x10a: {  	[tilespmem:s12+$0xF0] =	vst v3;
	v1 =	vmul.f32 v59, v2  }
0x10b: {  	[tilespmem:s12+$0xFFFFFFF0] =	vst v0;
	v63 =	vmul.f32 v7, v62  }
0x10c: {  	[tilespmem:s12+$0xFFFFFF70] =	vst v1  }
0x10d: {  	[tilespmem:s12+$0x70] =	vst v63  }
0x10e: {  	[spmem:s4] =	stream.indirect.scatter.add.f32 [tilespmem:s26], [sflag:$0x7], $0x80, s25, s30, $0xb8;
	[tilespmem:$0x1FB80] =	vst v63  }
.LBB2_6:
0x10f: {  	p2 =	sge.u32 s19, s20  }
.Ltmp6:
0x110: {  	_ = 	snop;
	(pc) =	sbr.rel @p2 .LBB2_10-.Ltmp6, $1  }
0x111: {  	_ =	sdelay $0x3  }
0x112: {  	s6 =	simm.s32 @!p1 $0x8  }
0x113: {  	_ =	swait.ge @!p1 [sflag:s6], $0x2000  }
0x114: {  	[sflag:s6] =	ssyncset.done @!p1 $0x0  }
0x115: {  	[sflag:s6] =	ssyncadd.s32 @!p1 $0xFFFFE000  }
0x116: {  	_ =	swait.ge [sflag:s31], $0x2000  }
0x117: {  	[sflag:s31] =	ssyncset.done $0x0  }
0x118: {  	[sflag:s31] =	ssyncadd.s32 $0xFFFFE000  }
0x119: {  	_ =	swait.ge [sflag:s0], $0x2000  }
0x11a: {  	[sflag:s0] =	ssyncset.done $0x0  }
0x11b: {  	[sflag:s0] =	ssyncadd.s32 $0xFFFFE000  }
0x11c: {  	v0 =	vld [tilespmem:$0x180]  }
0x11d: {  	v1 =	vld [tilespmem:$0x190]  }
0x11e: {  	v2 =	vld [tilespmem:$0x1A0]  }
0x11f: {  	v3 =	vld [tilespmem:$0x1B0];
	_ =	sdelay $0x1  }
0x120: {  	[tilespmem:$0x280] =	vst v0  }
0x121: {  	s6 =	sadd.s32 $0x2, s19;
	[tilespmem:$0x290] =	vst v1  }
0x122: {  	p1 =	sge.u32 s6, s9;
	[tilespmem:$0x2A0] =	vst v2  }
0x123: {  	s12 =	simm.s32 @!p1 $0x1;
	[tilespmem:$0x2B0] =	vst v3  }
0x124: {  	_ =	swait.ge @!p1 [sflag:s12], $0x40  }
0x125: {  	[sflag:s12] =	ssyncset.done @!p1 $0x0  }
0x126: {  	[sflag:s12] =	ssyncadd.s32 @!p1 $0xFFFFFFC0  }
0x127: {  	s13 =	simm.s32 @!p1 $0x0;
	s6 =	sadd.s32 @!p1 s8, s6;
	_ =	swait.ge @!p1 [sflag:s12], $0x40  }
0x128: {  	s21 =	simm.s32 @!p1 $0x300;
	s6 =	sshll.u32 @!p1 s6, $0xA;
	[sflag:s12] =	ssyncset.done @!p1 $0x0  }
0x129: {  	s6 =	sand.u32 @!p1 $0x1FFFFC00, s6;
	[sflag:s12] =	ssyncadd.s32 @!p1 $0xFFFFFFC0;
	s12 =	simm.s32 @!p1 $0x40  }
0x12a: {  	[tilespmem:s21], [sflag:$0x3] =	stream.indirect.gather @!p1 [hbm4b:s1+s12], $0x80, s13, s12, $0xb8;
	[tilespmem:$0x1FB80] =	vst v63  }
0x12b: {  	s6 =	sadd.s32 @!p1 s7, s6;
	s12 =	simm.s32 @!p1 $0x4300  }
0x12c: {  	[tilespmem:s12], [sflag:$0x5] =	stream.linear.gather @!p1 [hbm4b:s6+s13], $0x2000, $0x38;
	[tilespmem:$0x1FB80] =	vst v63  }
0x12d: {  	s6 =	sadd.s32 $0x3, s19  }
0x12e: {  	p1 =	sge.u32 s6, s9  }
0x12f: {  	s6 =	sadd.s32 @!p1 s8, s6  }
0x130: {  	s6 =	sshll.u32 @!p1 s6, $0x3  }
0x131: {  	s6 =	sand.u32 @!p1 $0x1FFFFFF8, s6  }
0x132: {  	s13 =	simm.s32 @!p1 $0x0;
	s19 =	simm.s32 @!p1 $0x80;
	s12 =	sadd.s32 @!p1 s2, s6  }
0x133: {  	[tilespmem:s19], [sflag:$0x2] =	stream.linear.gather @!p1 [hbm4b:s12+s13], $0x40, $0x38;
	[tilespmem:$0x1FB80] =	vst v63  }
0x134: {  	s6 =	sadd.s32 @!p1 s3, s6;
	s12 =	simm.s32 @!p1 $0x180;
	s19 =	simm.s32 $0x2400  }
0x135: {  	[tilespmem:s12], [sflag:$0x2] =	stream.linear.gather @!p1 [hbm4b:s6+s13], $0x40, $0x38;
	[tilespmem:$0x1FB80] =	vst v63  }
0x136: {  	s21 =	simm.s32 $0x6400;
	v0 =	vld [tilespmem:s19+$0x80]  }
0x137: {  	v1 =	vld [tilespmem:s21+$0x80];
	_ =	sdelay $0x2  }
0x138: {  	v2 =	vld [tilespmem:s19+$0xFFFFFF80]  }
0x139: {  	v3 =	vld [tilespmem:s21+$0xFFFFFF80]  }
0x13a: {  	v4 =	vld [tilespmem:s21+$0xFFFFFF00];
	v0 =	vmul.f32 v1, v0  }
0x13b: {  	s22 =	simm.s32 $0xA400;
	v1 =	vld [tilespmem:s19+$0xFFFFFF00]  }
0x13c: {  	[tilespmem:s22+$0x80] =	vst v0  }
0x13d: {  	v0 =	vld [tilespmem:s19+$0x90]  }
0x13e: {  	v2 =	vmul.f32 v3, v2;
	v3 =	vld [tilespmem:s21+$0x90]  }
0x13f: {  	v5 =	vld [tilespmem:s19+$0x0]  }
0x140: {  	v6 =	vld [tilespmem:s21+$0x0];
	[tilespmem:s22+$0xFFFFFF80] =	vst v2;
	v1 =	vmul.f32 v4, v1  }
0x141: {  	v2 =	vld [tilespmem:s19+$0xFFFFFF90]  }
0x142: {  	v4 =	vld [tilespmem:s21+$0xFFFFFF90];
	[tilespmem:s22+$0xFFFFFF00] =	vst v1  }
0x143: {  	v1 =	vld [tilespmem:s19+$0xFFFFFF10];
	v0 =	vmul.f32 v3, v0  }
0x144: {  	v3 =	vld [tilespmem:s21+$0xFFFFFF10]  }
0x145: {  	v5 =	vmul.f32 v6, v5;
	[tilespmem:s22+$0x90] =	vst v0  }
0x146: {  	v0 =	vld [tilespmem:s19+$0xA0]  }
0x147: {  	[tilespmem:s22+$0x0] =	vst v5;
	v2 =	vmul.f32 v4, v2;
	v4 =	vld [tilespmem:s21+$0xA0]  }
0x148: {  	v5 =	vld [tilespmem:s19+$0x10]  }
0x149: {  	v6 =	vld [tilespmem:s21+$0x10];
	[tilespmem:s22+$0xFFFFFF90] =	vst v2;
	v1 =	vmul.f32 v3, v1  }
0x14a: {  	v2 =	vld [tilespmem:s19+$0xFFFFFFA0]  }
0x14b: {  	v3 =	vld [tilespmem:s21+$0xFFFFFFA0];
	[tilespmem:s22+$0xFFFFFF10] =	vst v1  }
0x14c: {  	v1 =	vld [tilespmem:s19+$0xFFFFFF20];
	v0 =	vmul.f32 v4, v0  }
0x14d: {  	v4 =	vld [tilespmem:s21+$0xFFFFFF20]  }
0x14e: {  	v5 =	vmul.f32 v6, v5;
	[tilespmem:s22+$0xA0] =	vst v0  }
0x14f: {  	v0 =	vld [tilespmem:s19+$0xB0]  }
0x150: {  	[tilespmem:s22+$0x10] =	vst v5;
	v2 =	vmul.f32 v3, v2;
	v3 =	vld [tilespmem:s21+$0xB0]  }
0x151: {  	v5 =	vld [tilespmem:s19+$0x20]  }
0x152: {  	[tilespmem:s22+$0xFFFFFFA0] =	vst v2;
	v2 =	vld [tilespmem:s21+$0x20];
	v1 =	vmul.f32 v4, v1  }
0x153: {  	v4 =	vld [tilespmem:s19+$0xFFFFFFB0]  }
0x154: {  	v6 =	vld [tilespmem:s21+$0xFFFFFFB0];
	[tilespmem:s22+$0xFFFFFF20] =	vst v1  }
0x155: {  	v1 =	vld [tilespmem:s19+$0xFFFFFF30];
	v0 =	vmul.f32 v3, v0  }
0x156: {  	v3 =	vld [tilespmem:s21+$0xFFFFFF30]  }
0x157: {  	v2 =	vmul.f32 v2, v5;
	[tilespmem:s22+$0xB0] =	vst v0  }
0x158: {  	v0 =	vld [tilespmem:s19+$0xC0]  }
0x159: {  	v4 =	vmul.f32 v6, v4;
	[tilespmem:s22+$0x20] =	vst v2;
	v2 =	vld [tilespmem:s21+$0xC0]  }
0x15a: {  	v5 =	vld [tilespmem:s19+$0x30]  }
0x15b: {  	[tilespmem:s22+$0xFFFFFFB0] =	vst v4;
	v1 =	vmul.f32 v3, v1;
	v3 =	vld [tilespmem:s21+$0x30]  }
0x15c: {  	v4 =	vld [tilespmem:s19+$0xFFFFFFC0]  }
0x15d: {  	[tilespmem:s22+$0xFFFFFF30] =	vst v1;
	v1 =	vld [tilespmem:s21+$0xFFFFFFC0]  }
0x15e: {  	v6 =	vld [tilespmem:s19+$0xFFFFFF40];
	v0 =	vmul.f32 v2, v0  }
0x15f: {  	v2 =	vld [tilespmem:s21+$0xFFFFFF40]  }
0x160: {  	v3 =	vmul.f32 v3, v5;
	[tilespmem:s22+$0xC0] =	vst v0  }
0x161: {  	v0 =	vld [tilespmem:s19+$0xD0]  }
0x162: {  	v1 =	vmul.f32 v1, v4;
	[tilespmem:s22+$0x30] =	vst v3;
	v3 =	vld [tilespmem:s21+$0xD0]  }
0x163: {  	v4 =	vld [tilespmem:s19+$0x40]  }
0x164: {  	v2 =	vmul.f32 v2, v6;
	[tilespmem:s22+$0xFFFFFFC0] =	vst v1;
	v1 =	vld [tilespmem:s21+$0x40]  }
0x165: {  	v5 =	vld [tilespmem:s19+$0xFFFFFFD0]  }
0x166: {  	[tilespmem:s22+$0xFFFFFF40] =	vst v2;
	v2 =	vld [tilespmem:s21+$0xFFFFFFD0]  }
0x167: {  	v6 =	vld [tilespmem:s19+$0xFFFFFF50];
	v0 =	vmul.f32 v3, v0  }
0x168: {  	v3 =	vld [tilespmem:s21+$0xFFFFFF50]  }
0x169: {  	v1 =	vmul.f32 v1, v4;
	[tilespmem:s22+$0xD0] =	vst v0  }
0x16a: {  	v7 =	vld [tilespmem:s19+$0xE0]  }
0x16b: {  	v0 =	vmul.f32 v2, v5;
	v5 =	vld [tilespmem:s21+$0xE0];
	[tilespmem:s22+$0x40] =	vst v1  }
0x16c: {  	v1 =	vld [tilespmem:s19+$0x50]  }
0x16d: {  	v2 =	vmul.f32 v3, v6;
	[tilespmem:s22+$0xFFFFFFD0] =	vst v0;
	v4 =	vld [tilespmem:s21+$0x50]  }
0x16e: {  	v0 =	vld [tilespmem:s19+$0xFFFFFFE0]  }
0x16f: {  	v3 =	vld [tilespmem:s21+$0xFFFFFFE0];
	[tilespmem:s22+$0xFFFFFF50] =	vst v2  }
0x170: {  	s23 =	simm.s32 $0x6400;
	v2 =	vld [tilespmem:s19+$0xFFFFFF60];
	v6 =	vmul.f32 v5, v7  }
0x171: {  	s13 =	simm.s32 $0x0;
	s6 =	simm.s32 $0x2600;
	s12 =	simm.s32 $0xA400;
	v5 =	vld [tilespmem:s21+$0xFFFFFF60]  }
.LBB2_8:
0x172: {  	v7 =	vld [tilespmem:s6+$0x80];
	v1 =	vmul.f32 v4, v1;
	[tilespmem:s22+$0xE0] =	vst v6  }
0x173: {  	v4 =	vld [tilespmem:s19+$0xF0]  }
0x174: {  	s23 =	sadd.s32 $0x200, s23;
	v0 =	vmul.f32 v3, v0;
	[tilespmem:s22+$0x50] =	vst v1;
	v1 =	vld [tilespmem:s21+$0xF0]  }
0x175: {  	v3 =	vld [tilespmem:s23+$0x80]  }
0x176: {  	v6 =	vld [tilespmem:s23+$0xFFFFFF00];
	v2 =	vmul.f32 v5, v2;
	[tilespmem:s22+$0xFFFFFFE0] =	vst v0  }
0x177: {  	v0 =	vld [tilespmem:s6+$0xFFFFFF80]  }
0x178: {  	v5 =	vld [tilespmem:s23+$0xFFFFFF80];
	[tilespmem:s22+$0xFFFFFF60] =	vst v2  }
0x179: {  	v2 =	vld [tilespmem:s6+$0x0];
	v1 =	vmul.f32 v1, v4  }
0x17a: {  	v4 =	vld [tilespmem:s23+$0x0];
	v3 =	vmul.f32 v3, v7  }
0x17b: {  	s22 =	sadd.s32 $0x200, s22;
	v7 =	vld [tilespmem:s6+$0xFFFFFF00];
	[tilespmem:s12+$0xF0] =	vst v1  }
0x17c: {  	s13 =	sadd.s32 $0x4, s13;
	[tilespmem:s22+$0x80] =	vst v3;
	v1 =	vld [tilespmem:s19+$0x60]  }
0x17d: {  	p1 =	slt.u32 s13, $0x3C;
	v0 =	vmul.f32 v5, v0;
	v3 =	vld [tilespmem:s6+$0x90]  }
0x17e: {  	v5 =	vld [tilespmem:s23+$0x90]  }
0x17f: {  	[tilespmem:s22+$0xFFFFFF80] =	vst v0;
	v0 =	vmul.f32 v4, v2;
	v2 =	vld [tilespmem:s21+$0x60]  }
0x180: {  	v4 =	vmul.f32 v6, v7;
	v6 =	vld [tilespmem:s6+$0xFFFFFF90]  }
0x181: {  	v7 =	vld [tilespmem:s23+$0xFFFFFF90];
	[tilespmem:s22+$0x0] =	vst v0  }
0x182: {  	[tilespmem:s22+$0xFFFFFF00] =	vst v4;
	v0 =	vld [tilespmem:s6+$0x10]  }
0x183: {  	v4 =	vld [tilespmem:s6+$0xFFFFFF10];
	v3 =	vmul.f32 v5, v3  }
0x184: {  	v5 =	vld [tilespmem:s23+$0xFFFFFF10];
	v1 =	vmul.f32 v2, v1  }
0x185: {  	v2 =	vld [tilespmem:s23+$0x10];
	[tilespmem:s22+$0x90] =	vst v3  }
0x186: {  	v3 =	vmul.f32 v7, v6;
	v6 =	vld [tilespmem:s6+$0xA0];
	[tilespmem:s12+$0x60] =	vst v1  }
0x187: {  	v1 =	vld [tilespmem:s23+$0xA0]  }
0x188: {  	[tilespmem:s22+$0xFFFFFF90] =	vst v3;
	v3 =	vld [tilespmem:s19+$0xFFFFFF70]  }
0x189: {  	v4 =	vmul.f32 v5, v4;
	v5 =	vld [tilespmem:s6+$0xFFFFFFA0]  }
0x18a: {  	v7 =	vld [tilespmem:s23+$0xFFFFFFA0];
	v0 =	vmul.f32 v2, v0  }
0x18b: {  	[tilespmem:s22+$0xFFFFFF10] =	vst v4;
	v2 =	vld [tilespmem:s21+$0xFFFFFF70]  }
0x18c: {  	v4 =	vld [tilespmem:s6+$0xFFFFFF20];
	[tilespmem:s22+$0x10] =	vst v0;
	v0 =	vmul.f32 v1, v6  }
0x18d: {  	v1 =	vld [tilespmem:s23+$0xFFFFFF20]  }
0x18e: {  	v6 =	vld [tilespmem:s6+$0x20];
	[tilespmem:s22+$0xA0] =	vst v0  }
0x18f: {  	v0 =	vmul.f32 v7, v5;
	v5 =	vld [tilespmem:s6+$0xB0]  }
0x190: {  	v7 =	vld [tilespmem:s23+$0xB0];
	v2 =	vmul.f32 v2, v3  }
0x191: {  	[tilespmem:s22+$0xFFFFFFA0] =	vst v0;
	v0 =	vld [tilespmem:s23+$0x20]  }
0x192: {  	v1 =	vmul.f32 v1, v4;
	v3 =	vld [tilespmem:s6+$0xFFFFFFB0];
	[tilespmem:s12+$0xFFFFFF70] =	vst v2  }
0x193: {  	v2 =	vld [tilespmem:s23+$0xFFFFFFB0]  }
0x194: {  	[tilespmem:s22+$0xFFFFFF20] =	vst v1;
	v1 =	vld [tilespmem:s19+$0xFFFFFFF0]  }
0x195: {  	v4 =	vld [tilespmem:s6+$0xFFFFFF30];
	v5 =	vmul.f32 v7, v5  }
0x196: {  	v7 =	vld [tilespmem:s23+$0xFFFFFF30];
	v0 =	vmul.f32 v0, v6  }
0x197: {  	[tilespmem:s22+$0xB0] =	vst v5;
	v5 =	vld [tilespmem:s21+$0xFFFFFFF0]  }
0x198: {  	v2 =	vmul.f32 v2, v3;
	[tilespmem:s22+$0x20] =	vst v0;
	v0 =	vld [tilespmem:s6+$0xC0]  }
0x199: {  	v3 =	vld [tilespmem:s23+$0xC0]  }
0x19a: {  	[tilespmem:s22+$0xFFFFFFB0] =	vst v2;
	v2 =	vld [tilespmem:s6+$0x30]  }
0x19b: {  	v4 =	vmul.f32 v7, v4;
	v6 =	vld [tilespmem:s23+$0x30]  }
0x19c: {  	v7 =	vld [tilespmem:s6+$0xFFFFFFC0];
	v1 =	vmul.f32 v5, v1  }
0x19d: {  	[tilespmem:s22+$0xFFFFFF30] =	vst v4;
	v4 =	vld [tilespmem:s23+$0xFFFFFFC0]  }
0x19e: {  	v5 =	vld [tilespmem:s6+$0xFFFFFF40];
	v0 =	vmul.f32 v3, v0;
	[tilespmem:s12+$0xFFFFFFF0] =	vst v1  }
0x19f: {  	v1 =	vld [tilespmem:s23+$0xFFFFFF40]  }
0x1a0: {  	v2 =	vmul.f32 v6, v2;
	[tilespmem:s22+$0xC0] =	vst v0;
	v3 =	vld [tilespmem:s19+$0x70];
	s19 =	smov.u32 s6  }
0x1a1: {  	v0 =	vld [tilespmem:s6+$0xD0]  }
0x1a2: {  	v4 =	vmul.f32 v4, v7;
	[tilespmem:s22+$0x30] =	vst v2;
	v2 =	vld [tilespmem:s23+$0xD0]  }
0x1a3: {  	v6 =	vld [tilespmem:s6+$0x40]  }
0x1a4: {  	v1 =	vmul.f32 v1, v5;
	[tilespmem:s22+$0xFFFFFFC0] =	vst v4;
	v4 =	vld [tilespmem:s23+$0x40]  }
0x1a5: {  	v5 =	vld [tilespmem:s6+$0xFFFFFFD0]  }
0x1a6: {  	[tilespmem:s22+$0xFFFFFF40] =	vst v1;
	v1 =	vld [tilespmem:s23+$0xFFFFFFD0]  }
0x1a7: {  	v7 =	vld [tilespmem:s6+$0xFFFFFF50];
	v0 =	vmul.f32 v2, v0  }
0x1a8: {  	v2 =	vld [tilespmem:s23+$0xFFFFFF50]  }
0x1a9: {  	v4 =	vmul.f32 v4, v6;
	[tilespmem:s22+$0xD0] =	vst v0;
	v6 =	vld [tilespmem:s21+$0x70];
	s21 =	smov.u32 s23  }
0x1aa: {  	v8 =	vld [tilespmem:s6+$0xE0]  }
0x1ab: {  	v0 =	vmul.f32 v1, v5;
	[tilespmem:s22+$0x40] =	vst v4;
	v5 =	vld [tilespmem:s23+$0xE0]  }
0x1ac: {  	v1 =	vld [tilespmem:s6+$0x50]  }
.Ltmp7:
0x1ad: {  	v2 =	vmul.f32 v2, v7;
	[tilespmem:s22+$0xFFFFFFD0] =	vst v0;
	v4 =	vld [tilespmem:s23+$0x50];
	(pc) =	sbr.rel @p1 .LBB2_8-.Ltmp7, $4  }
0x1ae: {  	v0 =	vld [tilespmem:s6+$0xFFFFFFE0];
	v7 =	vmul.f32 v6, v3  }
0x1af: {  	[tilespmem:s22+$0xFFFFFF50] =	vst v2;
	v3 =	vld [tilespmem:s23+$0xFFFFFFE0]  }
0x1b0: {  	v2 =	vld [tilespmem:s6+$0xFFFFFF60];
	v6 =	vmul.f32 v5, v8;
	[tilespmem:s12+$0x70] =	vst v7;
	s12 =	smov.u32 s22  }
0x1b1: {  	s6 =	sadd.s32 $0x200, s6;
	v5 =	vld [tilespmem:s23+$0xFFFFFF60]  }
0x1b2: {  	v1 =	vmul.f32 v4, v1;
	_ =	sdelay $0x1  }
0x1b3: {  	[tilespmem:s22+$0x50] =	vst v1  }
0x1b4: {  	v1 =	vld [tilespmem:s19+$0x60]  }
0x1b5: {  	v55 =	vld [tilespmem:s21+$0x60]  }
0x1b6: {  	[tilespmem:s22+$0xE0] =	vst v6;
	v0 =	vmul.f32 v3, v0  }
0x1b7: {  	v56 =	vld [tilespmem:s19+$0xF0]  }
0x1b8: {  	v57 =	vld [tilespmem:s21+$0xF0];
	v2 =	vmul.f32 v5, v2;
	[tilespmem:s22+$0xFFFFFFE0] =	vst v0  }
0x1b9: {  	v60 =	vld [tilespmem:s19+$0xFFFFFFF0]  }
0x1ba: {  	v61 =	vld [tilespmem:s21+$0xFFFFFFF0];
	[tilespmem:s22+$0xFFFFFF60] =	vst v2;
	v58 =	vmul.f32 v55, v1  }
0x1bb: {  	v2 =	vld [tilespmem:s19+$0xFFFFFF70]  }
0x1bc: {  	v59 =	vld [tilespmem:s21+$0xFFFFFF70];
	[tilespmem:s12+$0x60] =	vst v58  }
0x1bd: {  	v62 =	vld [tilespmem:s19+$0x70]  }
0x1be: {  	v7 =	vld [tilespmem:s21+$0x70];
	_ =	sdelay $0x1  }
0x1bf: {  	v3 =	vmul.f32 v57, v56  }
0x1c0: {  	v0 =	vmul.f32 v61, v60  }
.Ltmp8:
0x1c1: {  	[tilespmem:s12+$0xF0] =	vst v3;
	v1 =	vmul.f32 v59, v2;
	(pc) =	sbr.rel .LBB2_10-.Ltmp8, $4  }
0x1c2: {  	[tilespmem:s12+$0xFFFFFFF0] =	vst v0;
	v63 =	vmul.f32 v7, v62  }
0x1c3: {  	[tilespmem:s12+$0xFFFFFF70] =	vst v1  }
0x1c4: {  	[tilespmem:s12+$0x70] =	vst v63  }
0x1c5: {  	[spmem:s4] =	stream.indirect.scatter.add.f32 [tilespmem:s11], [sflag:$0x8], $0x80, s10, s30, $0xb8;
	[tilespmem:$0x1FB80] =	vst v63  }
.LBB2_12:
0x1c6: {  	_ =	sfence.sel $0x180000  }
0x1c7: {  	[bflag:$0x0] =	sbarrier.arrive $0xFFFF  }
0x1c8: {  	_ =	strace $0x90000047  }
0x1c9: {  	s0 =	stileid.u32;
	[bflag:$0x2] =	sbarrier.arrive $0xFFFF  }
0x1ca: {  	p0 =	sne.s32 s0, $0x0;
	s0 =	rddreg [dreg:$0x6]  }
0x1cb: {  	s0 =	sadd.s32 @!p0 $0x100000, s0  }
0x1cc: {  	[sflag:s0] =	ssyncadd.tile.s32 @!p0 $0x1;
	_ =	shalt  }
.Lfunc_end2:
_tile_overlayer_lowered:
.L_overlay_start_2:
0x1cd: {  	(tag) =	ssettag $0x2  }
0x1ce: {  	s0 =	rddreg [dreg:$0x0];
	s2 =	stileid.u32  }
0x1cf: {  	s1 =	rddreg [dreg:$0x1];
	p0 =	sne.s32 s2, $0x0  }
0x1d0: {  	s3 =	rddreg [dreg:$0x2];
	[bflag:$0x3] =	sbarrier.arrive $0xFFFF;
	s2 =	simm.s32 @!p0 $0x1C09  }
0x1d1: {  	[timem:s3], [sflag:s2] =	dma.local @!p0 [hbm:s0], s1  }
0x1d2: {  	s0 =	simm.s32 @!p0 $0x9  }
0x1d3: {  	_ =	swait.ge @!p0 [sflag:s0], s1  }
0x1d4: {  	s1 =	ssub.s32 @!p0 $0x0, s1;
	[sflag:s0] =	ssyncset.done @!p0 $0x0  }
0x1d5: {  	[sflag:s0] =	ssyncadd.s32 @!p0 s1  }
0x1d6: {  	[bflag:$0x3] =	sbarrier.arrive $0xFFFF  }
0x1d7: {  	_ =	shalt  }

</sc_bundles>
